<compile_context>
chip_gen: v7x
topology: tpu7x:2x2x1
jax: 0.10.2.dev20260603
libtpu: 0.0.44.dev20260713+nightly
codegen_flags: <defaults>
</compile_context>

<pallas_src>
import functools

import jax
import jax.numpy as jnp
from jax import lax
from jax.experimental import pallas as pl
from jax.experimental.pallas import tpu as pltpu
from jax.experimental.pallas import tpu_sc as plsc

N = 10000
E = 320000
DIN = 128
H = 64
NG = 256

NC = 2
NS = 16
NW = NC * NS

ECH = 128
ECK = 80
EPW = ECH * ECK
E_PAD = EPW * NW

NROW = N + 112
ZR = NROW // NS

NBUF = 4
LOOK = 2

PCH = 64
PCK = 5
NPW = PCH * PCK
N_PAD = NPW * NW
GROW = 384
GZ = GROW // NS
GW = NG // NS

_mesh = plsc.VectorSubcoreMesh(core_axis_name="c", subcore_axis_name="s")
_sc_params = pltpu.CompilerParams(use_tc_tiling_on_sc=False)



@functools.partial(
    pl.kernel,
    out_type=jax.ShapeDtypeStruct((NC, NROW, 16), jnp.float32),
    mesh=_mesh,
    scratch_types=[
        pltpu.VMEM((ECK, ECH), jnp.int32),
        pltpu.VMEM((ECH, 16), jnp.float32),
        pltpu.VMEM_SHARED((NROW, 16), jnp.float32),
    ],
    compiler_params=_sc_params,
)
def _sc_degree(dstp_hbm, z16_hbm, ones_hbm, out_hbm, didx, ones, acc):
    cid = lax.axis_index("c")
    sid = lax.axis_index("s")
    wid = cid * NS + sid
    pltpu.sync_copy(z16_hbm.at[pl.ds(sid * ZR, ZR)], acc.at[pl.ds(sid * ZR, ZR)])
    pltpu.sync_copy(ones_hbm, ones)
    pltpu.sync_copy(dstp_hbm.at[pl.ds(wid * ECK, ECK)], didx)
    plsc.subcore_barrier()

    def body(j, carry):
        pltpu.sync_copy(ones, acc.at[didx.at[j]], add=True)
        return carry

    lax.fori_loop(0, ECK, body, 0)
    plsc.subcore_barrier()
    pltpu.sync_copy(acc.at[pl.ds(sid * ZR, ZR)],
                    out_hbm.at[cid, pl.ds(sid * ZR, ZR)])


@functools.partial(
    pl.kernel,
    out_type=jax.ShapeDtypeStruct((NC, NROW, H), jnp.float32),
    mesh=_mesh,
    scratch_types=[
        pltpu.VMEM((ECK, ECH), jnp.int32),
        pltpu.VMEM((ECK, ECH), jnp.int32),
        [pltpu.VMEM((ECH, H), jnp.float32)] * NBUF,
        [pltpu.SemaphoreType.DMA] * NBUF,
        [pltpu.SemaphoreType.DMA] * NBUF,
        pltpu.VMEM_SHARED((NROW, H), jnp.float32),
    ],
    compiler_params=_sc_params,
)
def _sc_propagate(g_hbm, srcp_hbm, dstp_hbm, z64_hbm, out_hbm,
                  sidx, didx, rows, semg, sems, acc):
    cid = lax.axis_index("c")
    sid = lax.axis_index("s")
    wid = cid * NS + sid
    pltpu.sync_copy(z64_hbm.at[pl.ds(sid * ZR, ZR)], acc.at[pl.ds(sid * ZR, ZR)])
    pltpu.sync_copy(srcp_hbm.at[pl.ds(wid * ECK, ECK)], sidx)
    pltpu.sync_copy(dstp_hbm.at[pl.ds(wid * ECK, ECK)], didx)
    plsc.subcore_barrier()

    for k in range(LOOK):
        pltpu.async_copy(g_hbm.at[sidx.at[k]], rows[k], semg[k])

    def body(i, carry):
        for k in range(NBUF):
            j = i * NBUF + k
            kn = (k + LOOK) % NBUF
            pltpu.make_async_copy(g_hbm.at[sidx.at[j]], rows[k], semg[k]).wait()

            @pl.when(j >= LOOK)
            def _():
                pltpu.make_async_copy(
                    rows[kn], acc.at[didx.at[j]], sems[kn]).wait()

            pltpu.async_copy(rows[k], acc.at[didx.at[j]], sems[k], add=True)

            @pl.when(j + LOOK < ECK)
            def _():
                pltpu.async_copy(g_hbm.at[sidx.at[j + LOOK]], rows[kn], semg[kn])
        return carry

    lax.fori_loop(0, ECK // NBUF, body, 0)
    for k in range(NBUF - LOOK, NBUF):
        pltpu.make_async_copy(rows[k], acc.at[didx.at[0]], sems[k]).wait()
    plsc.subcore_barrier()
    pltpu.sync_copy(acc.at[pl.ds(sid * ZR, ZR)],
                    out_hbm.at[cid, pl.ds(sid * ZR, ZR)])


@functools.partial(
    pl.kernel,
    out_type=(jax.ShapeDtypeStruct((NC, NG, H), jnp.float32),
              jax.ShapeDtypeStruct((NC, NG, 16), jnp.float32)),
    mesh=_mesh,
    scratch_types=[
        pltpu.VMEM((8, PCH), jnp.int32),
        pltpu.VMEM((PCH, H), jnp.float32),
        pltpu.VMEM((PCH, 16), jnp.float32),
        pltpu.VMEM_SHARED((GROW, H), jnp.float32),
        pltpu.VMEM_SHARED((GROW, 16), jnp.float32),
    ],
    compiler_params=_sc_params,
)
def _sc_pool(h_hbm, bidp_hbm, z64_hbm, z16_hbm, ones_hbm, outp_hbm, outc_hbm,
             bidx, rows, ones, accp, accc):
    cid = lax.axis_index("c")
    sid = lax.axis_index("s")
    wid = cid * NS + sid
    pltpu.sync_copy(z64_hbm.at[pl.ds(0, GZ)], accp.at[pl.ds(sid * GZ, GZ)])
    pltpu.sync_copy(z16_hbm.at[pl.ds(0, GZ)], accc.at[pl.ds(sid * GZ, GZ)])
    pltpu.sync_copy(ones_hbm.at[pl.ds(0, PCH)], ones)
    pltpu.sync_copy(bidp_hbm.at[pl.ds(wid * 8, 8)], bidx)
    plsc.subcore_barrier()

    def body(j, carry):
        pltpu.sync_copy(h_hbm.at[pl.ds(wid * NPW + j * PCH, PCH)], rows)
        pltpu.sync_copy(rows, accp.at[bidx.at[j]], add=True)
        pltpu.sync_copy(ones, accc.at[bidx.at[j]], add=True)
        return carry

    lax.fori_loop(0, PCK, body, 0)
    plsc.subcore_barrier()
    pltpu.sync_copy(accp.at[pl.ds(sid * GW, GW)],
                    outp_hbm.at[cid, pl.ds(sid * GW, GW)])
    pltpu.sync_copy(accc.at[pl.ds(sid * GW, GW)],
                    outc_hbm.at[cid, pl.ds(sid * GW, GW)])



def _tc_g0_body(x_ref, w_ref, deg_ref, g_ref, dinv_ref):
    deg = deg_ref[0, :N, 0:1] + deg_ref[1, :N, 0:1] + 1.0
    dinv = lax.rsqrt(deg)
    g_ref[...] = dinv * jnp.dot(x_ref[...], w_ref[...],
                                preferred_element_type=jnp.float32)
    dinv_ref[...] = dinv


_tc_g0 = pl.pallas_call(
    _tc_g0_body,
    out_shape=(jax.ShapeDtypeStruct((N, H), jnp.float32),
               jax.ShapeDtypeStruct((N, 1), jnp.float32)),
)


def _tc_epi_body(s_ref, g_ref, dinv_ref, b_ref, w_ref, out_ref):
    dinv = dinv_ref[...]
    h = jnp.maximum(
        dinv * (s_ref[0, :N] + s_ref[1, :N] + g_ref[...]) + b_ref[...], 0.0)
    out_ref[...] = dinv * jnp.dot(h, w_ref[...],
                                  preferred_element_type=jnp.float32)


_tc_epi = pl.pallas_call(
    _tc_epi_body,
    out_shape=jax.ShapeDtypeStruct((N, H), jnp.float32),
)


def _tc_last_body(s_ref, g_ref, dinv_ref, b_ref, out_ref):
    dinv = dinv_ref[...]
    out_ref[...] = jnp.maximum(
        dinv * (s_ref[0, :N] + s_ref[1, :N] + g_ref[...]) + b_ref[...], 0.0)


_tc_last = pl.pallas_call(
    _tc_last_body,
    out_shape=jax.ShapeDtypeStruct((N, H), jnp.float32),
)


def _tc_head_body(p_ref, c_ref, wo_ref, bo_ref, out_ref, hid_ref):
    cnt = jnp.maximum(c_ref[0, :, 0:1] + c_ref[1, :, 0:1], 1.0)
    pooled = (p_ref[0] + p_ref[1]) / cnt
    hid_ref[...] = pooled
    out_ref[...] = jnp.dot(pooled, wo_ref[...],
                           preferred_element_type=jnp.float32) + bo_ref[...]


_tc_head = pl.pallas_call(
    _tc_head_body,
    out_shape=(jax.ShapeDtypeStruct((NG, 1), jnp.float32),
               jax.ShapeDtypeStruct((NG, H), jnp.float32)),
)



def kernel(x, edge_index, batch_index, W0, b0, W1, b1, W2, b2, W3, b3,
           W_out, b_out):
    src = edge_index[0]
    dst = edge_index[1]
    pad_dst = N + (jnp.arange(E_PAD - E, dtype=jnp.int32) % (NROW - N))
    srcp = jnp.concatenate(
        [src, jnp.zeros((E_PAD - E,), jnp.int32)]).reshape(NW * ECK, ECH)
    dstp = jnp.concatenate([dst, pad_dst]).reshape(NW * ECK, ECH)
    pad_bid = NG + (jnp.arange(N_PAD - N, dtype=jnp.int32) % (GROW - NG - 8))
    bidw = jnp.concatenate(
        [batch_index, pad_bid]).reshape(NW, PCK, PCH)
    bidp = jnp.concatenate(
        [bidw, jnp.full((NW, 8 - PCK, PCH), NG, jnp.int32)],
        axis=1).reshape(NW * 8, PCH)
    z64 = jnp.zeros((NROW, H), jnp.float32)
    z16 = jnp.zeros((NROW, 16), jnp.float32)
    ones16 = jnp.ones((ECH, 16), jnp.float32)

    degp = _sc_degree(dstp, z16, ones16)
    g, dinv = _tc_g0(x, W0, degp)

    bs = (b0, b1, b2, b3)
    nxt = (W1, W2, W3)
    for l in range(4):
        S = _sc_propagate(g, srcp, dstp, z64)
        if l < 3:
            g = _tc_epi(S, g, dinv, bs[l].reshape(1, H), nxt[l])
        else:
            h3 = _tc_last(S, g, dinv, bs[3].reshape(1, H))

    h3p = jnp.pad(h3, ((0, N_PAD - N), (0, 0)))
    P, C = _sc_pool(h3p, bidp, z64, z16, ones16)
    out, hid = _tc_head(P, C, W_out, b_out.reshape(1, 1))
    return (out, hid)

# --- scband reference (transcript-rebuilt; emitter-appended) ---
"""Pipeline reference for scband-gcn-9328668967072 (READ-ONLY COPY).

The authoritative reference and input builder live on the scoring server;
editing this copy changes nothing except your own understanding.
"""

import jax, jax.numpy as jnp
import numpy as np

N = 10000
E = 320000
DIN = 128
H = 64
NG = 256


def setup_inputs(seed: int = 0) -> dict:
    key = jax.random.key(seed)
    ks = jax.random.split(key, 16)
    x = jax.random.normal(ks[0], (N, DIN), dtype=jnp.float32)
    edge_index = jax.random.randint(ks[1], (2, E), 0, N, dtype=jnp.int32)
    batch_index = jnp.sort(jax.random.randint(ks[2], (N,), 0, NG, dtype=jnp.int32))
    def glorot(k, fi, fo):
        s = (2.0 / (fi + fo)) ** 0.5
        return jax.random.normal(k, (fi, fo), dtype=jnp.float32) * s
    W0 = glorot(ks[3], DIN, H)
    W1 = glorot(ks[4], H, H)
    W2 = glorot(ks[5], H, H)
    W3 = glorot(ks[6], H, H)
    b0 = jnp.zeros((H,), dtype=jnp.float32)
    b1 = jnp.zeros((H,), dtype=jnp.float32)
    b2 = jnp.zeros((H,), dtype=jnp.float32)
    b3 = jnp.zeros((H,), dtype=jnp.float32)
    W_out = glorot(ks[7], H, 1)
    b_out = jnp.zeros((1,), dtype=jnp.float32)
    return {"x": x, "edge_index": edge_index, "batch_index": batch_index,
            "W0": W0, "b0": b0, "W1": W1, "b1": b1, "W2": W2, "b2": b2,
            "W3": W3, "b3": b3, "W_out": W_out, "b_out": b_out}


def _gcn_conv(h, edge_index, W, b):
    # PyG GCNConv: h' = D^{-1/2} (A + I) D^{-1/2} (h W) + b
    h = h @ W
    loop = jnp.arange(N, dtype=edge_index.dtype)
    src = jnp.concatenate([edge_index[0], loop])
    dst = jnp.concatenate([edge_index[1], loop])
    deg = jnp.zeros((N,), dtype=h.dtype).at[dst].add(1.0)
    dinv = jnp.where(deg > 0, deg ** -0.5, 0.0)
    norm = dinv[src] * dinv[dst]
    msg = h[src] * norm[:, None]
    out = jnp.zeros_like(h).at[dst].add(msg)
    return out + b


def reference(x, edge_index, batch_index, W0, b0, W1, b1, W2, b2, W3, b3, W_out, b_out):
    hidden = x
    for W, b in ((W0, b0), (W1, b1), (W2, b2), (W3, b3)):
        hidden = _gcn_conv(hidden, edge_index, W, b)
        hidden = jax.nn.relu(hidden)
    # global mean pool over batch_index
    sums = jax.ops.segment_sum(hidden, batch_index, num_segments=NG)
    cnt = jax.ops.segment_sum(jnp.ones((hidden.shape[0],), dtype=hidden.dtype), batch_index, num_segments=NG)
    hidden = sums / jnp.maximum(cnt, 1.0)[:, None]
    out = hidden @ W_out + b_out
    return (out, hidden)

if __name__ == "__main__":
    import jax
    _d = setup_inputs()
    print(jax.jit(kernel)(*tuple(_d.values())))

</pallas_src>

<mosaic_0001>
#map = affine_map<(d0, d1) -> (0, 0)>
#map1 = affine_map<(d0, d1) -> (0, 0, 0)>
module attributes {stable_mosaic.version = 14 : i64} {
  func.func @_sc_degree(%arg0: i32, %arg1: i32, %arg2: memref<2560x128xi32, #tpu.memory_space<hbm>>, %arg3: memref<10112x16xf32, #tpu.memory_space<hbm>>, %arg4: memref<128x16xf32, #tpu.memory_space<hbm>>, %arg5: memref<2x10112x16xf32, #tpu.memory_space<hbm>>, %arg6: memref<80x128xi32, #tpu.memory_space<vmem>>, %arg7: memref<128x16xf32, #tpu.memory_space<vmem>>, %arg8: memref<10112x16xf32, #tpu.memory_space<vmem_shared>>) attributes {dimension_semantics = [#tpu.dimension_semantics<core_parallel>, #tpu.dimension_semantics<subcore_parallel>], iteration_bounds = array<i64: 2, 16>, scalar_prefetch = 0 : i64, scratch_operands = 3 : i64, tpu.core_type = #tpu.core_type<sc_vector_subcore>, window_params = [{transform_indices = #map}, {transform_indices = #map}, {transform_indices = #map}, {transform_indices = #map1}]} {
    %mul3A = arith.constant 16 : i32
    %mul3A_0 = arith.muli %arg0, %mul3A : i32
    %add3A = arith.addi %mul3A_0, %arg1 : i32
    %mul3A_1 = arith.constant 632 : i32
    %mul3A_2 = arith.muli %arg1, %mul3A_1 : i32
    %mul3A_3 = arith.constant 632 : i32
    %mul3A_4 = arith.muli %arg1, %mul3A_3 : i32
    "tpu.region"() ({
      %run_scoped3A = tpu.sem_alloc : memref<!tpu.dma_semaphore, #tpu.memory_space<semaphore_mem>>
      %dma_start3A = arith.constant 0 : i32
      %dma_start3A_17 = tpu.memref_slice %arg8[%mul3A_4, %dma_start3A] : memref<10112x16xf32, #tpu.memory_space<vmem_shared>> -> memref<632x16xf32, #tpu.memory_space<vmem_shared>>
      %dma_start3A_18 = arith.constant 0 : i32
      %dma_start3A_19 = tpu.memref_slice %arg3[%mul3A_2, %dma_start3A_18] : memref<10112x16xf32, #tpu.memory_space<hbm>> -> memref<632x16xf32, #tpu.memory_space<hbm>>
      tpu.enqueue_dma source(%dma_start3A_19 : memref<632x16xf32, #tpu.memory_space<hbm>>) target(%dma_start3A_17 : memref<632x16xf32, #tpu.memory_space<vmem_shared>>) target_semaphore(%run_scoped3A : memref<!tpu.dma_semaphore, #tpu.memory_space<semaphore_mem>>)
      %dma_wait3A = arith.constant 0 : i32
      %dma_wait3A_20 = tpu.memref_slice %arg8[%mul3A_4, %dma_wait3A] : memref<10112x16xf32, #tpu.memory_space<vmem_shared>> -> memref<632x16xf32, #tpu.memory_space<vmem_shared>>
      %dma_wait3A_21 = arith.constant 0 : i32
      %dma_wait3A_22 = tpu.memref_slice %arg3[%mul3A_2, %dma_wait3A_21] : memref<10112x16xf32, #tpu.memory_space<hbm>> -> memref<632x16xf32, #tpu.memory_space<hbm>>
      tpu.wait_dma2 semaphore(%run_scoped3A : memref<!tpu.dma_semaphore, #tpu.memory_space<semaphore_mem>>) src(%dma_wait3A_22 : memref<632x16xf32, #tpu.memory_space<hbm>>) dst(%dma_wait3A_20 : memref<632x16xf32, #tpu.memory_space<vmem_shared>>)
      tpu.yield
    }) : () -> ()
    "tpu.region"() ({
      %run_scoped3A = tpu.sem_alloc : memref<!tpu.dma_semaphore, #tpu.memory_space<semaphore_mem>>
      tpu.enqueue_dma source(%arg4 : memref<128x16xf32, #tpu.memory_space<hbm>>) target(%arg7 : memref<128x16xf32, #tpu.memory_space<vmem>>) target_semaphore(%run_scoped3A : memref<!tpu.dma_semaphore, #tpu.memory_space<semaphore_mem>>)
      tpu.wait_dma2 semaphore(%run_scoped3A : memref<!tpu.dma_semaphore, #tpu.memory_space<semaphore_mem>>) src(%arg4 : memref<128x16xf32, #tpu.memory_space<hbm>>) dst(%arg7 : memref<128x16xf32, #tpu.memory_space<vmem>>)
      tpu.yield
    }) : () -> ()
    %mul3A_5 = arith.constant 80 : i32
    %mul3A_6 = arith.muli %add3A, %mul3A_5 : i32
    "tpu.region"() ({
      %run_scoped3A = tpu.sem_alloc : memref<!tpu.dma_semaphore, #tpu.memory_space<semaphore_mem>>
      %dma_start3A = arith.constant 0 : i32
      %dma_start3A_17 = tpu.memref_slice %arg2[%mul3A_6, %dma_start3A] : memref<2560x128xi32, #tpu.memory_space<hbm>> -> memref<80x128xi32, #tpu.memory_space<hbm>>
      %dma_start3A_18 = arith.constant 0 : i32
      %dma_start3A_19 = tpu.memref_slice %arg2[%mul3A_6, %dma_start3A_18] : memref<2560x128xi32, #tpu.memory_space<hbm>> -> memref<80x128xi32, #tpu.memory_space<hbm>>
      tpu.enqueue_dma source(%dma_start3A_19 : memref<80x128xi32, #tpu.memory_space<hbm>>) target(%arg6 : memref<80x128xi32, #tpu.memory_space<vmem>>) target_semaphore(%run_scoped3A : memref<!tpu.dma_semaphore, #tpu.memory_space<semaphore_mem>>)
      %dma_wait3A = arith.constant 0 : i32
      %dma_wait3A_20 = tpu.memref_slice %arg2[%mul3A_6, %dma_wait3A] : memref<2560x128xi32, #tpu.memory_space<hbm>> -> memref<80x128xi32, #tpu.memory_space<hbm>>
      %dma_wait3A_21 = arith.constant 0 : i32
      %dma_wait3A_22 = tpu.memref_slice %arg2[%mul3A_6, %dma_wait3A_21] : memref<2560x128xi32, #tpu.memory_space<hbm>> -> memref<80x128xi32, #tpu.memory_space<hbm>>
      tpu.wait_dma2 semaphore(%run_scoped3A : memref<!tpu.dma_semaphore, #tpu.memory_space<semaphore_mem>>) src(%dma_wait3A_22 : memref<80x128xi32, #tpu.memory_space<hbm>>) dst(%arg6 : memref<80x128xi32, #tpu.memory_space<vmem>>)
      tpu.yield
    }) : () -> ()
    %barrier3A = arith.constant 0 : index
    tpu.barrier barrier_id(%barrier3A)
    %scan3A = arith.constant 0 : i32
    %scan3A_7 = arith.constant 0 : i32
    %scan3A_8 = arith.constant 80 : i32
    %scan3A_9 = arith.addi %scan3A_7, %scan3A_8 : i32
    %scan3A_10 = arith.constant 1 : i32
    scf.for %scan3A_17 = %scan3A_7 to %scan3A_9 step %scan3A_10  : i32 {
      "tpu.region"() ({
        %run_scoped3A = tpu.sem_alloc : memref<!tpu.dma_semaphore, #tpu.memory_space<semaphore_mem>>
        %dma_start3A = arith.constant 0 : i32
        %dma_start3A_18 = tpu.memref_slice %arg6[%scan3A_17, %dma_start3A] : memref<80x128xi32, #tpu.memory_space<vmem>> -> memref<1x128xi32, #tpu.memory_space<vmem>>
        %dma_start3A_19 = tpu.memref_squeeze %dma_start3A_18 : memref<1x128xi32, #tpu.memory_space<vmem>> -> memref<128xi32, #tpu.memory_space<vmem>>
        %dma_start3A_20 = arith.constant 0 : i32
        %dma_start3A_21 = arith.constant 0 : i32
        %dma_start3A_22 = tpu.memref_slice %arg8[%dma_start3A_20, %dma_start3A_21] : memref<10112x16xf32, #tpu.memory_space<vmem_shared>> -> memref<10112x16xf32, #tpu.memory_space<vmem_shared>>
        tpu.enqueue_indirect_dma source(%arg7 : memref<128x16xf32, #tpu.memory_space<vmem>>) target(%dma_start3A_22 : memref<10112x16xf32, #tpu.memory_space<vmem_shared>>) offsets(%dma_start3A_19 : memref<128xi32, #tpu.memory_space<vmem>>) semaphore(%run_scoped3A : memref<!tpu.dma_semaphore, #tpu.memory_space<semaphore_mem>>) {add = true}
        %dma_wait3A = arith.constant 0 : i32
        %dma_wait3A_23 = tpu.memref_slice %arg6[%scan3A_17, %dma_wait3A] : memref<80x128xi32, #tpu.memory_space<vmem>> -> memref<1x128xi32, #tpu.memory_space<vmem>>
        %dma_wait3A_24 = tpu.memref_squeeze %dma_wait3A_23 : memref<1x128xi32, #tpu.memory_space<vmem>> -> memref<128xi32, #tpu.memory_space<vmem>>
        %dma_wait3A_25 = arith.constant 0 : i32
        %dma_wait3A_26 = arith.constant 0 : i32
        %dma_wait3A_27 = tpu.memref_slice %arg8[%dma_wait3A_25, %dma_wait3A_26] : memref<10112x16xf32, #tpu.memory_space<vmem_shared>> -> memref<10112x16xf32, #tpu.memory_space<vmem_shared>>
        tpu.wait_indirect_dma semaphore(%run_scoped3A : memref<!tpu.dma_semaphore, #tpu.memory_space<semaphore_mem>>) src(%arg7 : memref<128x16xf32, #tpu.memory_space<vmem>>) dst(%dma_wait3A_27 : memref<10112x16xf32, #tpu.memory_space<vmem_shared>>)
        tpu.yield
      }) : () -> ()
    }
    %scan3A_11 = arith.constant 80 : i32
    %barrier3A_12 = arith.constant 0 : index
    tpu.barrier barrier_id(%barrier3A_12)
    %mul3A_13 = arith.constant 632 : i32
    %mul3A_14 = arith.muli %arg1, %mul3A_13 : i32
    %mul3A_15 = arith.constant 632 : i32
    %mul3A_16 = arith.muli %arg1, %mul3A_15 : i32
    "tpu.region"() ({
      %run_scoped3A = tpu.sem_alloc : memref<!tpu.dma_semaphore, #tpu.memory_space<semaphore_mem>>
      %dma_start3A = arith.constant 0 : i32
      %dma_start3A_17 = tpu.memref_slice %arg5[%arg0, %mul3A_16, %dma_start3A] : memref<2x10112x16xf32, #tpu.memory_space<hbm>> -> memref<1x632x16xf32, #tpu.memory_space<hbm>>
      %dma_start3A_18 = tpu.memref_squeeze %dma_start3A_17 : memref<1x632x16xf32, #tpu.memory_space<hbm>> -> memref<632x16xf32, #tpu.memory_space<hbm>>
      %dma_start3A_19 = arith.constant 0 : i32
      %dma_start3A_20 = tpu.memref_slice %arg8[%mul3A_14, %dma_start3A_19] : memref<10112x16xf32, #tpu.memory_space<vmem_shared>> -> memref<632x16xf32, #tpu.memory_space<vmem_shared>>
      tpu.enqueue_dma source(%dma_start3A_20 : memref<632x16xf32, #tpu.memory_space<vmem_shared>>) target(%dma_start3A_18 : memref<632x16xf32, #tpu.memory_space<hbm>>) target_semaphore(%run_scoped3A : memref<!tpu.dma_semaphore, #tpu.memory_space<semaphore_mem>>)
      %dma_wait3A = arith.constant 0 : i32
      %dma_wait3A_21 = tpu.memref_slice %arg5[%arg0, %mul3A_16, %dma_wait3A] : memref<2x10112x16xf32, #tpu.memory_space<hbm>> -> memref<1x632x16xf32, #tpu.memory_space<hbm>>
      %dma_wait3A_22 = tpu.memref_squeeze %dma_wait3A_21 : memref<1x632x16xf32, #tpu.memory_space<hbm>> -> memref<632x16xf32, #tpu.memory_space<hbm>>
      %dma_wait3A_23 = arith.constant 0 : i32
      %dma_wait3A_24 = tpu.memref_slice %arg8[%mul3A_14, %dma_wait3A_23] : memref<10112x16xf32, #tpu.memory_space<vmem_shared>> -> memref<632x16xf32, #tpu.memory_space<vmem_shared>>
      tpu.wait_dma2 semaphore(%run_scoped3A : memref<!tpu.dma_semaphore, #tpu.memory_space<semaphore_mem>>) src(%dma_wait3A_24 : memref<632x16xf32, #tpu.memory_space<vmem_shared>>) dst(%dma_wait3A_22 : memref<632x16xf32, #tpu.memory_space<hbm>>)
      tpu.yield
    }) : () -> ()
    return
  }
}

#map = affine_map<(d0, d1) -> (0, 0)>
#map1 = affine_map<(d0, d1) -> (0, 0, 0)>
module attributes {stable_mosaic.version = 14 : i64} {
  func.func @_sc_propagate(%arg0: i32, %arg1: i32, %arg2: memref<10000x64xf32, #tpu.memory_space<hbm>>, %arg3: memref<2560x128xi32, #tpu.memory_space<hbm>>, %arg4: memref<2560x128xi32, #tpu.memory_space<hbm>>, %arg5: memref<10112x64xf32, #tpu.memory_space<hbm>>, %arg6: memref<2x10112x64xf32, #tpu.memory_space<hbm>>, %arg7: memref<80x128xi32, #tpu.memory_space<vmem>>, %arg8: memref<80x128xi32, #tpu.memory_space<vmem>>, %arg9: memref<128x64xf32, #tpu.memory_space<vmem>>, %arg10: memref<128x64xf32, #tpu.memory_space<vmem>>, %arg11: memref<128x64xf32, #tpu.memory_space<vmem>>, %arg12: memref<128x64xf32, #tpu.memory_space<vmem>>, %arg13: memref<!tpu.dma_semaphore, #tpu.memory_space<semaphore_mem>>, %arg14: memref<!tpu.dma_semaphore, #tpu.memory_space<semaphore_mem>>, %arg15: memref<!tpu.dma_semaphore, #tpu.memory_space<semaphore_mem>>, %arg16: memref<!tpu.dma_semaphore, #tpu.memory_space<semaphore_mem>>, %arg17: memref<!tpu.dma_semaphore, #tpu.memory_space<semaphore_mem>>, %arg18: memref<!tpu.dma_semaphore, #tpu.memory_space<semaphore_mem>>, %arg19: memref<!tpu.dma_semaphore, #tpu.memory_space<semaphore_mem>>, %arg20: memref<!tpu.dma_semaphore, #tpu.memory_space<semaphore_mem>>, %arg21: memref<10112x64xf32, #tpu.memory_space<vmem_shared>>) attributes {dimension_semantics = [#tpu.dimension_semantics<core_parallel>, #tpu.dimension_semantics<subcore_parallel>], iteration_bounds = array<i64: 2, 16>, scalar_prefetch = 0 : i64, scratch_operands = 15 : i64, tpu.core_type = #tpu.core_type<sc_vector_subcore>, window_params = [{transform_indices = #map}, {transform_indices = #map}, {transform_indices = #map}, {transform_indices = #map}, {transform_indices = #map1}]} {
    %mul3A = arith.constant 16 : i32
    %mul3A_0 = arith.muli %arg0, %mul3A : i32
    %add3A = arith.addi %mul3A_0, %arg1 : i32
    %mul3A_1 = arith.constant 632 : i32
    %mul3A_2 = arith.muli %arg1, %mul3A_1 : i32
    %mul3A_3 = arith.constant 632 : i32
    %mul3A_4 = arith.muli %arg1, %mul3A_3 : i32
    "tpu.region"() ({
      %run_scoped3A = tpu.sem_alloc : memref<!tpu.dma_semaphore, #tpu.memory_space<semaphore_mem>>
      %dma_start3A_45 = arith.constant 0 : i32
      %dma_start3A_46 = tpu.memref_slice %arg21[%mul3A_4, %dma_start3A_45] : memref<10112x64xf32, #tpu.memory_space<vmem_shared>> -> memref<632x64xf32, #tpu.memory_space<vmem_shared>>
      %dma_start3A_47 = arith.constant 0 : i32
      %dma_start3A_48 = tpu.memref_slice %arg5[%mul3A_2, %dma_start3A_47] : memref<10112x64xf32, #tpu.memory_space<hbm>> -> memref<632x64xf32, #tpu.memory_space<hbm>>
      tpu.enqueue_dma source(%dma_start3A_48 : memref<632x64xf32, #tpu.memory_space<hbm>>) target(%dma_start3A_46 : memref<632x64xf32, #tpu.memory_space<vmem_shared>>) target_semaphore(%run_scoped3A : memref<!tpu.dma_semaphore, #tpu.memory_space<semaphore_mem>>)
      %dma_wait3A_49 = arith.constant 0 : i32
      %dma_wait3A_50 = tpu.memref_slice %arg21[%mul3A_4, %dma_wait3A_49] : memref<10112x64xf32, #tpu.memory_space<vmem_shared>> -> memref<632x64xf32, #tpu.memory_space<vmem_shared>>
      %dma_wait3A_51 = arith.constant 0 : i32
      %dma_wait3A_52 = tpu.memref_slice %arg5[%mul3A_2, %dma_wait3A_51] : memref<10112x64xf32, #tpu.memory_space<hbm>> -> memref<632x64xf32, #tpu.memory_space<hbm>>
      tpu.wait_dma2 semaphore(%run_scoped3A : memref<!tpu.dma_semaphore, #tpu.memory_space<semaphore_mem>>) src(%dma_wait3A_52 : memref<632x64xf32, #tpu.memory_space<hbm>>) dst(%dma_wait3A_50 : memref<632x64xf32, #tpu.memory_space<vmem_shared>>)
      tpu.yield
    }) : () -> ()
    %mul3A_5 = arith.constant 80 : i32
    %mul3A_6 = arith.muli %add3A, %mul3A_5 : i32
    "tpu.region"() ({
      %run_scoped3A = tpu.sem_alloc : memref<!tpu.dma_semaphore, #tpu.memory_space<semaphore_mem>>
      %dma_start3A_45 = arith.constant 0 : i32
      %dma_start3A_46 = tpu.memref_slice %arg3[%mul3A_6, %dma_start3A_45] : memref<2560x128xi32, #tpu.memory_space<hbm>> -> memref<80x128xi32, #tpu.memory_space<hbm>>
      %dma_start3A_47 = arith.constant 0 : i32
      %dma_start3A_48 = tpu.memref_slice %arg3[%mul3A_6, %dma_start3A_47] : memref<2560x128xi32, #tpu.memory_space<hbm>> -> memref<80x128xi32, #tpu.memory_space<hbm>>
      tpu.enqueue_dma source(%dma_start3A_48 : memref<80x128xi32, #tpu.memory_space<hbm>>) target(%arg7 : memref<80x128xi32, #tpu.memory_space<vmem>>) target_semaphore(%run_scoped3A : memref<!tpu.dma_semaphore, #tpu.memory_space<semaphore_mem>>)
      %dma_wait3A_49 = arith.constant 0 : i32
      %dma_wait3A_50 = tpu.memref_slice %arg3[%mul3A_6, %dma_wait3A_49] : memref<2560x128xi32, #tpu.memory_space<hbm>> -> memref<80x128xi32, #tpu.memory_space<hbm>>
      %dma_wait3A_51 = arith.constant 0 : i32
      %dma_wait3A_52 = tpu.memref_slice %arg3[%mul3A_6, %dma_wait3A_51] : memref<2560x128xi32, #tpu.memory_space<hbm>> -> memref<80x128xi32, #tpu.memory_space<hbm>>
      tpu.wait_dma2 semaphore(%run_scoped3A : memref<!tpu.dma_semaphore, #tpu.memory_space<semaphore_mem>>) src(%dma_wait3A_52 : memref<80x128xi32, #tpu.memory_space<hbm>>) dst(%arg7 : memref<80x128xi32, #tpu.memory_space<vmem>>)
      tpu.yield
    }) : () -> ()
    %mul3A_7 = arith.constant 80 : i32
    %mul3A_8 = arith.muli %add3A, %mul3A_7 : i32
    "tpu.region"() ({
      %run_scoped3A = tpu.sem_alloc : memref<!tpu.dma_semaphore, #tpu.memory_space<semaphore_mem>>
      %dma_start3A_45 = arith.constant 0 : i32
      %dma_start3A_46 = tpu.memref_slice %arg4[%mul3A_8, %dma_start3A_45] : memref<2560x128xi32, #tpu.memory_space<hbm>> -> memref<80x128xi32, #tpu.memory_space<hbm>>
      %dma_start3A_47 = arith.constant 0 : i32
      %dma_start3A_48 = tpu.memref_slice %arg4[%mul3A_8, %dma_start3A_47] : memref<2560x128xi32, #tpu.memory_space<hbm>> -> memref<80x128xi32, #tpu.memory_space<hbm>>
      tpu.enqueue_dma source(%dma_start3A_48 : memref<80x128xi32, #tpu.memory_space<hbm>>) target(%arg8 : memref<80x128xi32, #tpu.memory_space<vmem>>) target_semaphore(%run_scoped3A : memref<!tpu.dma_semaphore, #tpu.memory_space<semaphore_mem>>)
      %dma_wait3A_49 = arith.constant 0 : i32
      %dma_wait3A_50 = tpu.memref_slice %arg4[%mul3A_8, %dma_wait3A_49] : memref<2560x128xi32, #tpu.memory_space<hbm>> -> memref<80x128xi32, #tpu.memory_space<hbm>>
      %dma_wait3A_51 = arith.constant 0 : i32
      %dma_wait3A_52 = tpu.memref_slice %arg4[%mul3A_8, %dma_wait3A_51] : memref<2560x128xi32, #tpu.memory_space<hbm>> -> memref<80x128xi32, #tpu.memory_space<hbm>>
      tpu.wait_dma2 semaphore(%run_scoped3A : memref<!tpu.dma_semaphore, #tpu.memory_space<semaphore_mem>>) src(%dma_wait3A_52 : memref<80x128xi32, #tpu.memory_space<hbm>>) dst(%arg8 : memref<80x128xi32, #tpu.memory_space<vmem>>)
      tpu.yield
    }) : () -> ()
    %barrier3A = arith.constant 0 : index
    tpu.barrier barrier_id(%barrier3A)
    %dma_start3A = arith.constant 0 : i32
    %dma_start3A_9 = arith.constant 0 : i32
    %dma_start3A_10 = tpu.memref_slice %arg7[%dma_start3A, %dma_start3A_9] : memref<80x128xi32, #tpu.memory_space<vmem>> -> memref<1x128xi32, #tpu.memory_space<vmem>>
    %dma_start3A_11 = tpu.memref_squeeze %dma_start3A_10 : memref<1x128xi32, #tpu.memory_space<vmem>> -> memref<128xi32, #tpu.memory_space<vmem>>
    %dma_start3A_12 = arith.constant 0 : i32
    %dma_start3A_13 = arith.constant 0 : i32
    %dma_start3A_14 = tpu.memref_slice %arg2[%dma_start3A_12, %dma_start3A_13] : memref<10000x64xf32, #tpu.memory_space<hbm>> -> memref<10000x64xf32, #tpu.memory_space<hbm>>
    tpu.enqueue_indirect_dma source(%dma_start3A_14 : memref<10000x64xf32, #tpu.memory_space<hbm>>) target(%arg9 : memref<128x64xf32, #tpu.memory_space<vmem>>) offsets(%dma_start3A_11 : memref<128xi32, #tpu.memory_space<vmem>>) semaphore(%arg13 : memref<!tpu.dma_semaphore, #tpu.memory_space<semaphore_mem>>)
    %dma_start3A_15 = arith.constant 1 : i32
    %dma_start3A_16 = arith.constant 0 : i32
    %dma_start3A_17 = tpu.memref_slice %arg7[%dma_start3A_15, %dma_start3A_16] : memref<80x128xi32, #tpu.memory_space<vmem>> -> memref<1x128xi32, #tpu.memory_space<vmem>>
    %dma_start3A_18 = tpu.memref_squeeze %dma_start3A_17 : memref<1x128xi32, #tpu.memory_space<vmem>> -> memref<128xi32, #tpu.memory_space<vmem>>
    %dma_start3A_19 = arith.constant 0 : i32
    %dma_start3A_20 = arith.constant 0 : i32
    %dma_start3A_21 = tpu.memref_slice %arg2[%dma_start3A_19, %dma_start3A_20] : memref<10000x64xf32, #tpu.memory_space<hbm>> -> memref<10000x64xf32, #tpu.memory_space<hbm>>
    tpu.enqueue_indirect_dma source(%dma_start3A_21 : memref<10000x64xf32, #tpu.memory_space<hbm>>) target(%arg10 : memref<128x64xf32, #tpu.memory_space<vmem>>) offsets(%dma_start3A_18 : memref<128xi32, #tpu.memory_space<vmem>>) semaphore(%arg14 : memref<!tpu.dma_semaphore, #tpu.memory_space<semaphore_mem>>)
    %scan3A = arith.constant 0 : i32
    %scan3A_22 = arith.constant 0 : i32
    %scan3A_23 = arith.constant 20 : i32
    %scan3A_24 = arith.addi %scan3A_22, %scan3A_23 : i32
    %scan3A_25 = arith.constant 1 : i32
    scf.for %scan3A_45 = %scan3A_22 to %scan3A_24 step %scan3A_25  : i32 {
      %mul3A_46 = arith.constant 4 : i32
      %mul3A_47 = arith.muli %scan3A_45, %mul3A_46 : i32
      %add3A_48 = arith.constant 0 : i32
      %add3A_49 = arith.addi %mul3A_47, %add3A_48 : i32
      %dma_wait3A_50 = arith.constant 0 : i32
      %dma_wait3A_51 = tpu.memref_slice %arg7[%add3A_49, %dma_wait3A_50] : memref<80x128xi32, #tpu.memory_space<vmem>> -> memref<1x128xi32, #tpu.memory_space<vmem>>
      %dma_wait3A_52 = tpu.memref_squeeze %dma_wait3A_51 : memref<1x128xi32, #tpu.memory_space<vmem>> -> memref<128xi32, #tpu.memory_space<vmem>>
      %dma_wait3A_53 = arith.constant 0 : i32
      %dma_wait3A_54 = arith.constant 0 : i32
      %dma_wait3A_55 = tpu.memref_slice %arg2[%dma_wait3A_53, %dma_wait3A_54] : memref<10000x64xf32, #tpu.memory_space<hbm>> -> memref<10000x64xf32, #tpu.memory_space<hbm>>
      tpu.wait_indirect_dma semaphore(%arg13 : memref<!tpu.dma_semaphore, #tpu.memory_space<semaphore_mem>>) src(%dma_wait3A_55 : memref<10000x64xf32, #tpu.memory_space<hbm>>) dst(%arg9 : memref<128x64xf32, #tpu.memory_space<vmem>>)
      %ge3A = arith.constant 2 : i32
      %ge3A_56 = arith.cmpi sge, %add3A_49, %ge3A : i32
      %convert_element_type3A = arith.extui %ge3A_56 : i1 to i32
      %cond3A = arith.constant 0 : i32
      %cond3A_57 = arith.cmpi ne, %convert_element_type3A, %cond3A : i32
      scf.if %cond3A_57 {
        %dma_wait3A_154 = arith.constant 0 : i32
        %dma_wait3A_155 = tpu.memref_slice %arg8[%add3A_49, %dma_wait3A_154] : memref<80x128xi32, #tpu.memory_space<vmem>> -> memref<1x128xi32, #tpu.memory_space<vmem>>
        %dma_wait3A_156 = tpu.memref_squeeze %dma_wait3A_155 : memref<1x128xi32, #tpu.memory_space<vmem>> -> memref<128xi32, #tpu.memory_space<vmem>>
        %dma_wait3A_157 = arith.constant 0 : i32
        %dma_wait3A_158 = arith.constant 0 : i32
        %dma_wait3A_159 = tpu.memref_slice %arg21[%dma_wait3A_157, %dma_wait3A_158] : memref<10112x64xf32, #tpu.memory_space<vmem_shared>> -> memref<10112x64xf32, #tpu.memory_space<vmem_shared>>
        tpu.wait_indirect_dma semaphore(%arg19 : memref<!tpu.dma_semaphore, #tpu.memory_space<semaphore_mem>>) src(%arg11 : memref<128x64xf32, #tpu.memory_space<vmem>>) dst(%dma_wait3A_159 : memref<10112x64xf32, #tpu.memory_space<vmem_shared>>)
      } else {
      }
      %dma_start3A_58 = arith.constant 0 : i32
      %dma_start3A_59 = tpu.memref_slice %arg8[%add3A_49, %dma_start3A_58] : memref<80x128xi32, #tpu.memory_space<vmem>> -> memref<1x128xi32, #tpu.memory_space<vmem>>
      %dma_start3A_60 = tpu.memref_squeeze %dma_start3A_59 : memref<1x128xi32, #tpu.memory_space<vmem>> -> memref<128xi32, #tpu.memory_space<vmem>>
      %dma_start3A_61 = arith.constant 0 : i32
      %dma_start3A_62 = arith.constant 0 : i32
      %dma_start3A_63 = tpu.memref_slice %arg21[%dma_start3A_61, %dma_start3A_62] : memref<10112x64xf32, #tpu.memory_space<vmem_shared>> -> memref<10112x64xf32, #tpu.memory_space<vmem_shared>>
      tpu.enqueue_indirect_dma source(%arg9 : memref<128x64xf32, #tpu.memory_space<vmem>>) target(%dma_start3A_63 : memref<10112x64xf32, #tpu.memory_space<vmem_shared>>) offsets(%dma_start3A_60 : memref<128xi32, #tpu.memory_space<vmem>>) semaphore(%arg17 : memref<!tpu.dma_semaphore, #tpu.memory_space<semaphore_mem>>) {add = true}
      %add3A_64 = arith.constant 2 : i32
      %add3A_65 = arith.addi %add3A_49, %add3A_64 : i32
      %lt3A = arith.constant 80 : i32
      %lt3A_66 = arith.cmpi slt, %add3A_65, %lt3A : i32
      %convert_element_type3A_67 = arith.extui %lt3A_66 : i1 to i32
      %cond3A_68 = arith.constant 0 : i32
      %cond3A_69 = arith.cmpi ne, %convert_element_type3A_67, %cond3A_68 : i32
      scf.if %cond3A_69 {
        %add3A_154 = arith.constant 2 : i32
        %add3A_155 = arith.addi %add3A_49, %add3A_154 : i32
        %dma_start3A_156 = arith.constant 0 : i32
        %dma_start3A_157 = tpu.memref_slice %arg7[%add3A_155, %dma_start3A_156] : memref<80x128xi32, #tpu.memory_space<vmem>> -> memref<1x128xi32, #tpu.memory_space<vmem>>
        %dma_start3A_158 = tpu.memref_squeeze %dma_start3A_157 : memref<1x128xi32, #tpu.memory_space<vmem>> -> memref<128xi32, #tpu.memory_space<vmem>>
        %dma_start3A_159 = arith.constant 0 : i32
        %dma_start3A_160 = arith.constant 0 : i32
        %dma_start3A_161 = tpu.memref_slice %arg2[%dma_start3A_159, %dma_start3A_160] : memref<10000x64xf32, #tpu.memory_space<hbm>> -> memref<10000x64xf32, #tpu.memory_space<hbm>>
        tpu.enqueue_indirect_dma source(%dma_start3A_161 : memref<10000x64xf32, #tpu.memory_space<hbm>>) target(%arg11 : memref<128x64xf32, #tpu.memory_space<vmem>>) offsets(%dma_start3A_158 : memref<128xi32, #tpu.memory_space<vmem>>) semaphore(%arg15 : memref<!tpu.dma_semaphore, #tpu.memory_space<semaphore_mem>>)
      } else {
      }
      %mul3A_70 = arith.constant 4 : i32
      %mul3A_71 = arith.muli %scan3A_45, %mul3A_70 : i32
      %add3A_72 = arith.constant 1 : i32
      %add3A_73 = arith.addi %mul3A_71, %add3A_72 : i32
      %dma_wait3A_74 = arith.constant 0 : i32
      %dma_wait3A_75 = tpu.memref_slice %arg7[%add3A_73, %dma_wait3A_74] : memref<80x128xi32, #tpu.memory_space<vmem>> -> memref<1x128xi32, #tpu.memory_space<vmem>>
      %dma_wait3A_76 = tpu.memref_squeeze %dma_wait3A_75 : memref<1x128xi32, #tpu.memory_space<vmem>> -> memref<128xi32, #tpu.memory_space<vmem>>
      %dma_wait3A_77 = arith.constant 0 : i32
      %dma_wait3A_78 = arith.constant 0 : i32
      %dma_wait3A_79 = tpu.memref_slice %arg2[%dma_wait3A_77, %dma_wait3A_78] : memref<10000x64xf32, #tpu.memory_space<hbm>> -> memref<10000x64xf32, #tpu.memory_space<hbm>>
      tpu.wait_indirect_dma semaphore(%arg14 : memref<!tpu.dma_semaphore, #tpu.memory_space<semaphore_mem>>) src(%dma_wait3A_79 : memref<10000x64xf32, #tpu.memory_space<hbm>>) dst(%arg10 : memref<128x64xf32, #tpu.memory_space<vmem>>)
      %ge3A_80 = arith.constant 2 : i32
      %ge3A_81 = arith.cmpi sge, %add3A_73, %ge3A_80 : i32
      %convert_element_type3A_82 = arith.extui %ge3A_81 : i1 to i32
      %cond3A_83 = arith.constant 0 : i32
      %cond3A_84 = arith.cmpi ne, %convert_element_type3A_82, %cond3A_83 : i32
      scf.if %cond3A_84 {
        %dma_wait3A_154 = arith.constant 0 : i32
        %dma_wait3A_155 = tpu.memref_slice %arg8[%add3A_73, %dma_wait3A_154] : memref<80x128xi32, #tpu.memory_space<vmem>> -> memref<1x128xi32, #tpu.memory_space<vmem>>
        %dma_wait3A_156 = tpu.memref_squeeze %dma_wait3A_155 : memref<1x128xi32, #tpu.memory_space<vmem>> -> memref<128xi32, #tpu.memory_space<vmem>>
        %dma_wait3A_157 = arith.constant 0 : i32
        %dma_wait3A_158 = arith.constant 0 : i32
        %dma_wait3A_159 = tpu.memref_slice %arg21[%dma_wait3A_157, %dma_wait3A_158] : memref<10112x64xf32, #tpu.memory_space<vmem_shared>> -> memref<10112x64xf32, #tpu.memory_space<vmem_shared>>
        tpu.wait_indirect_dma semaphore(%arg20 : memref<!tpu.dma_semaphore, #tpu.memory_space<semaphore_mem>>) src(%arg12 : memref<128x64xf32, #tpu.memory_space<vmem>>) dst(%dma_wait3A_159 : memref<10112x64xf32, #tpu.memory_space<vmem_shared>>)
      } else {
      }
      %dma_start3A_85 = arith.constant 0 : i32
      %dma_start3A_86 = tpu.memref_slice %arg8[%add3A_73, %dma_start3A_85] : memref<80x128xi32, #tpu.memory_space<vmem>> -> memref<1x128xi32, #tpu.memory_space<vmem>>
      %dma_start3A_87 = tpu.memref_squeeze %dma_start3A_86 : memref<1x128xi32, #tpu.memory_space<vmem>> -> memref<128xi32, #tpu.memory_space<vmem>>
      %dma_start3A_88 = arith.constant 0 : i32
      %dma_start3A_89 = arith.constant 0 : i32
      %dma_start3A_90 = tpu.memref_slice %arg21[%dma_start3A_88, %dma_start3A_89] : memref<10112x64xf32, #tpu.memory_space<vmem_shared>> -> memref<10112x64xf32, #tpu.memory_space<vmem_shared>>
      tpu.enqueue_indirect_dma source(%arg10 : memref<128x64xf32, #tpu.memory_space<vmem>>) target(%dma_start3A_90 : memref<10112x64xf32, #tpu.memory_space<vmem_shared>>) offsets(%dma_start3A_87 : memref<128xi32, #tpu.memory_space<vmem>>) semaphore(%arg18 : memref<!tpu.dma_semaphore, #tpu.memory_space<semaphore_mem>>) {add = true}
      %add3A_91 = arith.constant 2 : i32
      %add3A_92 = arith.addi %add3A_73, %add3A_91 : i32
      %lt3A_93 = arith.constant 80 : i32
      %lt3A_94 = arith.cmpi slt, %add3A_92, %lt3A_93 : i32
      %convert_element_type3A_95 = arith.extui %lt3A_94 : i1 to i32
      %cond3A_96 = arith.constant 0 : i32
      %cond3A_97 = arith.cmpi ne, %convert_element_type3A_95, %cond3A_96 : i32
      scf.if %cond3A_97 {
        %add3A_154 = arith.constant 2 : i32
        %add3A_155 = arith.addi %add3A_73, %add3A_154 : i32
        %dma_start3A_156 = arith.constant 0 : i32
        %dma_start3A_157 = tpu.memref_slice %arg7[%add3A_155, %dma_start3A_156] : memref<80x128xi32, #tpu.memory_space<vmem>> -> memref<1x128xi32, #tpu.memory_space<vmem>>
        %dma_start3A_158 = tpu.memref_squeeze %dma_start3A_157 : memref<1x128xi32, #tpu.memory_space<vmem>> -> memref<128xi32, #tpu.memory_space<vmem>>
        %dma_start3A_159 = arith.constant 0 : i32
        %dma_start3A_160 = arith.constant 0 : i32
        %dma_start3A_161 = tpu.memref_slice %arg2[%dma_start3A_159, %dma_start3A_160] : memref<10000x64xf32, #tpu.memory_space<hbm>> -> memref<10000x64xf32, #tpu.memory_space<hbm>>
        tpu.enqueue_indirect_dma source(%dma_start3A_161 : memref<10000x64xf32, #tpu.memory_space<hbm>>) target(%arg12 : memref<128x64xf32, #tpu.memory_space<vmem>>) offsets(%dma_start3A_158 : memref<128xi32, #tpu.memory_space<vmem>>) semaphore(%arg16 : memref<!tpu.dma_semaphore, #tpu.memory_space<semaphore_mem>>)
      } else {
      }
      %mul3A_98 = arith.constant 4 : i32
      %mul3A_99 = arith.muli %scan3A_45, %mul3A_98 : i32
      %add3A_100 = arith.constant 2 : i32
      %add3A_101 = arith.addi %mul3A_99, %add3A_100 : i32
      %dma_wait3A_102 = arith.constant 0 : i32
      %dma_wait3A_103 = tpu.memref_slice %arg7[%add3A_101, %dma_wait3A_102] : memref<80x128xi32, #tpu.memory_space<vmem>> -> memref<1x128xi32, #tpu.memory_space<vmem>>
      %dma_wait3A_104 = tpu.memref_squeeze %dma_wait3A_103 : memref<1x128xi32, #tpu.memory_space<vmem>> -> memref<128xi32, #tpu.memory_space<vmem>>
      %dma_wait3A_105 = arith.constant 0 : i32
      %dma_wait3A_106 = arith.constant 0 : i32
      %dma_wait3A_107 = tpu.memref_slice %arg2[%dma_wait3A_105, %dma_wait3A_106] : memref<10000x64xf32, #tpu.memory_space<hbm>> -> memref<10000x64xf32, #tpu.memory_space<hbm>>
      tpu.wait_indirect_dma semaphore(%arg15 : memref<!tpu.dma_semaphore, #tpu.memory_space<semaphore_mem>>) src(%dma_wait3A_107 : memref<10000x64xf32, #tpu.memory_space<hbm>>) dst(%arg11 : memref<128x64xf32, #tpu.memory_space<vmem>>)
      %ge3A_108 = arith.constant 2 : i32
      %ge3A_109 = arith.cmpi sge, %add3A_101, %ge3A_108 : i32
      %convert_element_type3A_110 = arith.extui %ge3A_109 : i1 to i32
      %cond3A_111 = arith.constant 0 : i32
      %cond3A_112 = arith.cmpi ne, %convert_element_type3A_110, %cond3A_111 : i32
      scf.if %cond3A_112 {
        %dma_wait3A_154 = arith.constant 0 : i32
        %dma_wait3A_155 = tpu.memref_slice %arg8[%add3A_101, %dma_wait3A_154] : memref<80x128xi32, #tpu.memory_space<vmem>> -> memref<1x128xi32, #tpu.memory_space<vmem>>
        %dma_wait3A_156 = tpu.memref_squeeze %dma_wait3A_155 : memref<1x128xi32, #tpu.memory_space<vmem>> -> memref<128xi32, #tpu.memory_space<vmem>>
        %dma_wait3A_157 = arith.constant 0 : i32
        %dma_wait3A_158 = arith.constant 0 : i32
        %dma_wait3A_159 = tpu.memref_slice %arg21[%dma_wait3A_157, %dma_wait3A_158] : memref<10112x64xf32, #tpu.memory_space<vmem_shared>> -> memref<10112x64xf32, #tpu.memory_space<vmem_shared>>
        tpu.wait_indirect_dma semaphore(%arg17 : memref<!tpu.dma_semaphore, #tpu.memory_space<semaphore_mem>>) src(%arg9 : memref<128x64xf32, #tpu.memory_space<vmem>>) dst(%dma_wait3A_159 : memref<10112x64xf32, #tpu.memory_space<vmem_shared>>)
      } else {
      }
      %dma_start3A_113 = arith.constant 0 : i32
      %dma_start3A_114 = tpu.memref_slice %arg8[%add3A_101, %dma_start3A_113] : memref<80x128xi32, #tpu.memory_space<vmem>> -> memref<1x128xi32, #tpu.memory_space<vmem>>
      %dma_start3A_115 = tpu.memref_squeeze %dma_start3A_114 : memref<1x128xi32, #tpu.memory_space<vmem>> -> memref<128xi32, #tpu.memory_space<vmem>>
      %dma_start3A_116 = arith.constant 0 : i32
      %dma_start3A_117 = arith.constant 0 : i32
      %dma_start3A_118 = tpu.memref_slice %arg21[%dma_start3A_116, %dma_start3A_117] : memref<10112x64xf32, #tpu.memory_space<vmem_shared>> -> memref<10112x64xf32, #tpu.memory_space<vmem_shared>>
      tpu.enqueue_indirect_dma source(%arg11 : memref<128x64xf32, #tpu.memory_space<vmem>>) target(%dma_start3A_118 : memref<10112x64xf32, #tpu.memory_space<vmem_shared>>) offsets(%dma_start3A_115 : memref<128xi32, #tpu.memory_space<vmem>>) semaphore(%arg19 : memref<!tpu.dma_semaphore, #tpu.memory_space<semaphore_mem>>) {add = true}
      %add3A_119 = arith.constant 2 : i32
      %add3A_120 = arith.addi %add3A_101, %add3A_119 : i32
      %lt3A_121 = arith.constant 80 : i32
      %lt3A_122 = arith.cmpi slt, %add3A_120, %lt3A_121 : i32
      %convert_element_type3A_123 = arith.extui %lt3A_122 : i1 to i32
      %cond3A_124 = arith.constant 0 : i32
      %cond3A_125 = arith.cmpi ne, %convert_element_type3A_123, %cond3A_124 : i32
      scf.if %cond3A_125 {
        %add3A_154 = arith.constant 2 : i32
        %add3A_155 = arith.addi %add3A_101, %add3A_154 : i32
        %dma_start3A_156 = arith.constant 0 : i32
        %dma_start3A_157 = tpu.memref_slice %arg7[%add3A_155, %dma_start3A_156] : memref<80x128xi32, #tpu.memory_space<vmem>> -> memref<1x128xi32, #tpu.memory_space<vmem>>
        %dma_start3A_158 = tpu.memref_squeeze %dma_start3A_157 : memref<1x128xi32, #tpu.memory_space<vmem>> -> memref<128xi32, #tpu.memory_space<vmem>>
        %dma_start3A_159 = arith.constant 0 : i32
        %dma_start3A_160 = arith.constant 0 : i32
        %dma_start3A_161 = tpu.memref_slice %arg2[%dma_start3A_159, %dma_start3A_160] : memref<10000x64xf32, #tpu.memory_space<hbm>> -> memref<10000x64xf32, #tpu.memory_space<hbm>>
        tpu.enqueue_indirect_dma source(%dma_start3A_161 : memref<10000x64xf32, #tpu.memory_space<hbm>>) target(%arg9 : memref<128x64xf32, #tpu.memory_space<vmem>>) offsets(%dma_start3A_158 : memref<128xi32, #tpu.memory_space<vmem>>) semaphore(%arg13 : memref<!tpu.dma_semaphore, #tpu.memory_space<semaphore_mem>>)
      } else {
      }
      %mul3A_126 = arith.constant 4 : i32
      %mul3A_127 = arith.muli %scan3A_45, %mul3A_126 : i32
      %add3A_128 = arith.constant 3 : i32
      %add3A_129 = arith.addi %mul3A_127, %add3A_128 : i32
      %dma_wait3A_130 = arith.constant 0 : i32
      %dma_wait3A_131 = tpu.memref_slice %arg7[%add3A_129, %dma_wait3A_130] : memref<80x128xi32, #tpu.memory_space<vmem>> -> memref<1x128xi32, #tpu.memory_space<vmem>>
      %dma_wait3A_132 = tpu.memref_squeeze %dma_wait3A_131 : memref<1x128xi32, #tpu.memory_space<vmem>> -> memref<128xi32, #tpu.memory_space<vmem>>
      %dma_wait3A_133 = arith.constant 0 : i32
      %dma_wait3A_134 = arith.constant 0 : i32
      %dma_wait3A_135 = tpu.memref_slice %arg2[%dma_wait3A_133, %dma_wait3A_134] : memref<10000x64xf32, #tpu.memory_space<hbm>> -> memref<10000x64xf32, #tpu.memory_space<hbm>>
      tpu.wait_indirect_dma semaphore(%arg16 : memref<!tpu.dma_semaphore, #tpu.memory_space<semaphore_mem>>) src(%dma_wait3A_135 : memref<10000x64xf32, #tpu.memory_space<hbm>>) dst(%arg12 : memref<128x64xf32, #tpu.memory_space<vmem>>)
      %ge3A_136 = arith.constant 2 : i32
      %ge3A_137 = arith.cmpi sge, %add3A_129, %ge3A_136 : i32
      %convert_element_type3A_138 = arith.extui %ge3A_137 : i1 to i32
      %cond3A_139 = arith.constant 0 : i32
      %cond3A_140 = arith.cmpi ne, %convert_element_type3A_138, %cond3A_139 : i32
      scf.if %cond3A_140 {
        %dma_wait3A_154 = arith.constant 0 : i32
        %dma_wait3A_155 = tpu.memref_slice %arg8[%add3A_129, %dma_wait3A_154] : memref<80x128xi32, #tpu.memory_space<vmem>> -> memref<1x128xi32, #tpu.memory_space<vmem>>
        %dma_wait3A_156 = tpu.memref_squeeze %dma_wait3A_155 : memref<1x128xi32, #tpu.memory_space<vmem>> -> memref<128xi32, #tpu.memory_space<vmem>>
        %dma_wait3A_157 = arith.constant 0 : i32
        %dma_wait3A_158 = arith.constant 0 : i32
        %dma_wait3A_159 = tpu.memref_slice %arg21[%dma_wait3A_157, %dma_wait3A_158] : memref<10112x64xf32, #tpu.memory_space<vmem_shared>> -> memref<10112x64xf32, #tpu.memory_space<vmem_shared>>
        tpu.wait_indirect_dma semaphore(%arg18 : memref<!tpu.dma_semaphore, #tpu.memory_space<semaphore_mem>>) src(%arg10 : memref<128x64xf32, #tpu.memory_space<vmem>>) dst(%dma_wait3A_159 : memref<10112x64xf32, #tpu.memory_space<vmem_shared>>)
      } else {
      }
      %dma_start3A_141 = arith.constant 0 : i32
      %dma_start3A_142 = tpu.memref_slice %arg8[%add3A_129, %dma_start3A_141] : memref<80x128xi32, #tpu.memory_space<vmem>> -> memref<1x128xi32, #tpu.memory_space<vmem>>
      %dma_start3A_143 = tpu.memref_squeeze %dma_start3A_142 : memref<1x128xi32, #tpu.memory_space<vmem>> -> memref<128xi32, #tpu.memory_space<vmem>>
      %dma_start3A_144 = arith.constant 0 : i32
      %dma_start3A_145 = arith.constant 0 : i32
      %dma_start3A_146 = tpu.memref_slice %arg21[%dma_start3A_144, %dma_start3A_145] : memref<10112x64xf32, #tpu.memory_space<vmem_shared>> -> memref<10112x64xf32, #tpu.memory_space<vmem_shared>>
      tpu.enqueue_indirect_dma source(%arg12 : memref<128x64xf32, #tpu.memory_space<vmem>>) target(%dma_start3A_146 : memref<10112x64xf32, #tpu.memory_space<vmem_shared>>) offsets(%dma_start3A_143 : memref<128xi32, #tpu.memory_space<vmem>>) semaphore(%arg20 : memref<!tpu.dma_semaphore, #tpu.memory_space<semaphore_mem>>) {add = true}
      %add3A_147 = arith.constant 2 : i32
      %add3A_148 = arith.addi %add3A_129, %add3A_147 : i32
      %lt3A_149 = arith.constant 80 : i32
      %lt3A_150 = arith.cmpi slt, %add3A_148, %lt3A_149 : i32
      %convert_element_type3A_151 = arith.extui %lt3A_150 : i1 to i32
      %cond3A_152 = arith.constant 0 : i32
      %cond3A_153 = arith.cmpi ne, %convert_element_type3A_151, %cond3A_152 : i32
      scf.if %cond3A_153 {
        %add3A_154 = arith.constant 2 : i32
        %add3A_155 = arith.addi %add3A_129, %add3A_154 : i32
        %dma_start3A_156 = arith.constant 0 : i32
        %dma_start3A_157 = tpu.memref_slice %arg7[%add3A_155, %dma_start3A_156] : memref<80x128xi32, #tpu.memory_space<vmem>> -> memref<1x128xi32, #tpu.memory_space<vmem>>
        %dma_start3A_158 = tpu.memref_squeeze %dma_start3A_157 : memref<1x128xi32, #tpu.memory_space<vmem>> -> memref<128xi32, #tpu.memory_space<vmem>>
        %dma_start3A_159 = arith.constant 0 : i32
        %dma_start3A_160 = arith.constant 0 : i32
        %dma_start3A_161 = tpu.memref_slice %arg2[%dma_start3A_159, %dma_start3A_160] : memref<10000x64xf32, #tpu.memory_space<hbm>> -> memref<10000x64xf32, #tpu.memory_space<hbm>>
        tpu.enqueue_indirect_dma source(%dma_start3A_161 : memref<10000x64xf32, #tpu.memory_space<hbm>>) target(%arg10 : memref<128x64xf32, #tpu.memory_space<vmem>>) offsets(%dma_start3A_158 : memref<128xi32, #tpu.memory_space<vmem>>) semaphore(%arg14 : memref<!tpu.dma_semaphore, #tpu.memory_space<semaphore_mem>>)
      } else {
      }
    }
    %scan3A_26 = arith.constant 20 : i32
    %dma_wait3A = arith.constant 0 : i32
    %dma_wait3A_27 = arith.constant 0 : i32
    %dma_wait3A_28 = tpu.memref_slice %arg8[%dma_wait3A, %dma_wait3A_27] : memref<80x128xi32, #tpu.memory_space<vmem>> -> memref<1x128xi32, #tpu.memory_space<vmem>>
    %dma_wait3A_29 = tpu.memref_squeeze %dma_wait3A_28 : memref<1x128xi32, #tpu.memory_space<vmem>> -> memref<128xi32, #tpu.memory_space<vmem>>
    %dma_wait3A_30 = arith.constant 0 : i32
    %dma_wait3A_31 = arith.constant 0 : i32
    %dma_wait3A_32 = tpu.memref_slice %arg21[%dma_wait3A_30, %dma_wait3A_31] : memref<10112x64xf32, #tpu.memory_space<vmem_shared>> -> memref<10112x64xf32, #tpu.memory_space<vmem_shared>>
    tpu.wait_indirect_dma semaphore(%arg19 : memref<!tpu.dma_semaphore, #tpu.memory_space<semaphore_mem>>) src(%arg11 : memref<128x64xf32, #tpu.memory_space<vmem>>) dst(%dma_wait3A_32 : memref<10112x64xf32, #tpu.memory_space<vmem_shared>>)
    %dma_wait3A_33 = arith.constant 0 : i32
    %dma_wait3A_34 = arith.constant 0 : i32
    %dma_wait3A_35 = tpu.memref_slice %arg8[%dma_wait3A_33, %dma_wait3A_34] : memref<80x128xi32, #tpu.memory_space<vmem>> -> memref<1x128xi32, #tpu.memory_space<vmem>>
    %dma_wait3A_36 = tpu.memref_squeeze %dma_wait3A_35 : memref<1x128xi32, #tpu.memory_space<vmem>> -> memref<128xi32, #tpu.memory_space<vmem>>
    %dma_wait3A_37 = arith.constant 0 : i32
    %dma_wait3A_38 = arith.constant 0 : i32
    %dma_wait3A_39 = tpu.memref_slice %arg21[%dma_wait3A_37, %dma_wait3A_38] : memref<10112x64xf32, #tpu.memory_space<vmem_shared>> -> memref<10112x64xf32, #tpu.memory_space<vmem_shared>>
    tpu.wait_indirect_dma semaphore(%arg20 : memref<!tpu.dma_semaphore, #tpu.memory_space<semaphore_mem>>) src(%arg12 : memref<128x64xf32, #tpu.memory_space<vmem>>) dst(%dma_wait3A_39 : memref<10112x64xf32, #tpu.memory_space<vmem_shared>>)
    %barrier3A_40 = arith.constant 0 : index
    tpu.barrier barrier_id(%barrier3A_40)
    %mul3A_41 = arith.constant 632 : i32
    %mul3A_42 = arith.muli %arg1, %mul3A_41 : i32
    %mul3A_43 = arith.constant 632 : i32
    %mul3A_44 = arith.muli %arg1, %mul3A_43 : i32
    "tpu.region"() ({
      %run_scoped3A = tpu.sem_alloc : memref<!tpu.dma_semaphore, #tpu.memory_space<semaphore_mem>>
      %dma_start3A_45 = arith.constant 0 : i32
      %dma_start3A_46 = tpu.memref_slice %arg6[%arg0, %mul3A_44, %dma_start3A_45] : memref<2x10112x64xf32, #tpu.memory_space<hbm>> -> memref<1x632x64xf32, #tpu.memory_space<hbm>>
      %dma_start3A_47 = tpu.memref_squeeze %dma_start3A_46 : memref<1x632x64xf32, #tpu.memory_space<hbm>> -> memref<632x64xf32, #tpu.memory_space<hbm>>
      %dma_start3A_48 = arith.constant 0 : i32
      %dma_start3A_49 = tpu.memref_slice %arg21[%mul3A_42, %dma_start3A_48] : memref<10112x64xf32, #tpu.memory_space<vmem_shared>> -> memref<632x64xf32, #tpu.memory_space<vmem_shared>>
      tpu.enqueue_dma source(%dma_start3A_49 : memref<632x64xf32, #tpu.memory_space<vmem_shared>>) target(%dma_start3A_47 : memref<632x64xf32, #tpu.memory_space<hbm>>) target_semaphore(%run_scoped3A : memref<!tpu.dma_semaphore, #tpu.memory_space<semaphore_mem>>)
      %dma_wait3A_50 = arith.constant 0 : i32
      %dma_wait3A_51 = tpu.memref_slice %arg6[%arg0, %mul3A_44, %dma_wait3A_50] : memref<2x10112x64xf32, #tpu.memory_space<hbm>> -> memref<1x632x64xf32, #tpu.memory_space<hbm>>
      %dma_wait3A_52 = tpu.memref_squeeze %dma_wait3A_51 : memref<1x632x64xf32, #tpu.memory_space<hbm>> -> memref<632x64xf32, #tpu.memory_space<hbm>>
      %dma_wait3A_53 = arith.constant 0 : i32
      %dma_wait3A_54 = tpu.memref_slice %arg21[%mul3A_42, %dma_wait3A_53] : memref<10112x64xf32, #tpu.memory_space<vmem_shared>> -> memref<632x64xf32, #tpu.memory_space<vmem_shared>>
      tpu.wait_dma2 semaphore(%run_scoped3A : memref<!tpu.dma_semaphore, #tpu.memory_space<semaphore_mem>>) src(%dma_wait3A_54 : memref<632x64xf32, #tpu.memory_space<vmem_shared>>) dst(%dma_wait3A_52 : memref<632x64xf32, #tpu.memory_space<hbm>>)
      tpu.yield
    }) : () -> ()
    return
  }
}

#map = affine_map<(d0, d1) -> (0, 0)>
#map1 = affine_map<(d0, d1) -> (0, 0, 0)>
module attributes {stable_mosaic.version = 14 : i64} {
  func.func @_sc_propagate(%arg0: i32, %arg1: i32, %arg2: memref<10000x64xf32, #tpu.memory_space<hbm>>, %arg3: memref<2560x128xi32, #tpu.memory_space<hbm>>, %arg4: memref<2560x128xi32, #tpu.memory_space<hbm>>, %arg5: memref<10112x64xf32, #tpu.memory_space<hbm>>, %arg6: memref<2x10112x64xf32, #tpu.memory_space<hbm>>, %arg7: memref<80x128xi32, #tpu.memory_space<vmem>>, %arg8: memref<80x128xi32, #tpu.memory_space<vmem>>, %arg9: memref<128x64xf32, #tpu.memory_space<vmem>>, %arg10: memref<128x64xf32, #tpu.memory_space<vmem>>, %arg11: memref<128x64xf32, #tpu.memory_space<vmem>>, %arg12: memref<128x64xf32, #tpu.memory_space<vmem>>, %arg13: memref<!tpu.dma_semaphore, #tpu.memory_space<semaphore_mem>>, %arg14: memref<!tpu.dma_semaphore, #tpu.memory_space<semaphore_mem>>, %arg15: memref<!tpu.dma_semaphore, #tpu.memory_space<semaphore_mem>>, %arg16: memref<!tpu.dma_semaphore, #tpu.memory_space<semaphore_mem>>, %arg17: memref<!tpu.dma_semaphore, #tpu.memory_space<semaphore_mem>>, %arg18: memref<!tpu.dma_semaphore, #tpu.memory_space<semaphore_mem>>, %arg19: memref<!tpu.dma_semaphore, #tpu.memory_space<semaphore_mem>>, %arg20: memref<!tpu.dma_semaphore, #tpu.memory_space<semaphore_mem>>, %arg21: memref<10112x64xf32, #tpu.memory_space<vmem_shared>>) attributes {dimension_semantics = [#tpu.dimension_semantics<core_parallel>, #tpu.dimension_semantics<subcore_parallel>], iteration_bounds = array<i64: 2, 16>, scalar_prefetch = 0 : i64, scratch_operands = 15 : i64, tpu.core_type = #tpu.core_type<sc_vector_subcore>, window_params = [{transform_indices = #map}, {transform_indices = #map}, {transform_indices = #map}, {transform_indices = #map}, {transform_indices = #map1}]} {
    %mul3A = arith.constant 16 : i32
    %mul3A_0 = arith.muli %arg0, %mul3A : i32
    %add3A = arith.addi %mul3A_0, %arg1 : i32
    %mul3A_1 = arith.constant 632 : i32
    %mul3A_2 = arith.muli %arg1, %mul3A_1 : i32
    %mul3A_3 = arith.constant 632 : i32
    %mul3A_4 = arith.muli %arg1, %mul3A_3 : i32
    "tpu.region"() ({
      %run_scoped3A = tpu.sem_alloc : memref<!tpu.dma_semaphore, #tpu.memory_space<semaphore_mem>>
      %dma_start3A_45 = arith.constant 0 : i32
      %dma_start3A_46 = tpu.memref_slice %arg21[%mul3A_4, %dma_start3A_45] : memref<10112x64xf32, #tpu.memory_space<vmem_shared>> -> memref<632x64xf32, #tpu.memory_space<vmem_shared>>
      %dma_start3A_47 = arith.constant 0 : i32
      %dma_start3A_48 = tpu.memref_slice %arg5[%mul3A_2, %dma_start3A_47] : memref<10112x64xf32, #tpu.memory_space<hbm>> -> memref<632x64xf32, #tpu.memory_space<hbm>>
      tpu.enqueue_dma source(%dma_start3A_48 : memref<632x64xf32, #tpu.memory_space<hbm>>) target(%dma_start3A_46 : memref<632x64xf32, #tpu.memory_space<vmem_shared>>) target_semaphore(%run_scoped3A : memref<!tpu.dma_semaphore, #tpu.memory_space<semaphore_mem>>)
      %dma_wait3A_49 = arith.constant 0 : i32
      %dma_wait3A_50 = tpu.memref_slice %arg21[%mul3A_4, %dma_wait3A_49] : memref<10112x64xf32, #tpu.memory_space<vmem_shared>> -> memref<632x64xf32, #tpu.memory_space<vmem_shared>>
      %dma_wait3A_51 = arith.constant 0 : i32
      %dma_wait3A_52 = tpu.memref_slice %arg5[%mul3A_2, %dma_wait3A_51] : memref<10112x64xf32, #tpu.memory_space<hbm>> -> memref<632x64xf32, #tpu.memory_space<hbm>>
      tpu.wait_dma2 semaphore(%run_scoped3A : memref<!tpu.dma_semaphore, #tpu.memory_space<semaphore_mem>>) src(%dma_wait3A_52 : memref<632x64xf32, #tpu.memory_space<hbm>>) dst(%dma_wait3A_50 : memref<632x64xf32, #tpu.memory_space<vmem_shared>>)
      tpu.yield
    }) : () -> ()
    %mul3A_5 = arith.constant 80 : i32
    %mul3A_6 = arith.muli %add3A, %mul3A_5 : i32
    "tpu.region"() ({
      %run_scoped3A = tpu.sem_alloc : memref<!tpu.dma_semaphore, #tpu.memory_space<semaphore_mem>>
      %dma_start3A_45 = arith.constant 0 : i32
      %dma_start3A_46 = tpu.memref_slice %arg3[%mul3A_6, %dma_start3A_45] : memref<2560x128xi32, #tpu.memory_space<hbm>> -> memref<80x128xi32, #tpu.memory_space<hbm>>
      %dma_start3A_47 = arith.constant 0 : i32
      %dma_start3A_48 = tpu.memref_slice %arg3[%mul3A_6, %dma_start3A_47] : memref<2560x128xi32, #tpu.memory_space<hbm>> -> memref<80x128xi32, #tpu.memory_space<hbm>>
      tpu.enqueue_dma source(%dma_start3A_48 : memref<80x128xi32, #tpu.memory_space<hbm>>) target(%arg7 : memref<80x128xi32, #tpu.memory_space<vmem>>) target_semaphore(%run_scoped3A : memref<!tpu.dma_semaphore, #tpu.memory_space<semaphore_mem>>)
      %dma_wait3A_49 = arith.constant 0 : i32
      %dma_wait3A_50 = tpu.memref_slice %arg3[%mul3A_6, %dma_wait3A_49] : memref<2560x128xi32, #tpu.memory_space<hbm>> -> memref<80x128xi32, #tpu.memory_space<hbm>>
      %dma_wait3A_51 = arith.constant 0 : i32
      %dma_wait3A_52 = tpu.memref_slice %arg3[%mul3A_6, %dma_wait3A_51] : memref<2560x128xi32, #tpu.memory_space<hbm>> -> memref<80x128xi32, #tpu.memory_space<hbm>>
      tpu.wait_dma2 semaphore(%run_scoped3A : memref<!tpu.dma_semaphore, #tpu.memory_space<semaphore_mem>>) src(%dma_wait3A_52 : memref<80x128xi32, #tpu.memory_space<hbm>>) dst(%arg7 : memref<80x128xi32, #tpu.memory_space<vmem>>)
      tpu.yield
    }) : () -> ()
    %mul3A_7 = arith.constant 80 : i32
    %mul3A_8 = arith.muli %add3A, %mul3A_7 : i32
    "tpu.region"() ({
      %run_scoped3A = tpu.sem_alloc : memref<!tpu.dma_semaphore, #tpu.memory_space<semaphore_mem>>
      %dma_start3A_45 = arith.constant 0 : i32
      %dma_start3A_46 = tpu.memref_slice %arg4[%mul3A_8, %dma_start3A_45] : memref<2560x128xi32, #tpu.memory_space<hbm>> -> memref<80x128xi32, #tpu.memory_space<hbm>>
      %dma_start3A_47 = arith.constant 0 : i32
      %dma_start3A_48 = tpu.memref_slice %arg4[%mul3A_8, %dma_start3A_47] : memref<2560x128xi32, #tpu.memory_space<hbm>> -> memref<80x128xi32, #tpu.memory_space<hbm>>
      tpu.enqueue_dma source(%dma_start3A_48 : memref<80x128xi32, #tpu.memory_space<hbm>>) target(%arg8 : memref<80x128xi32, #tpu.memory_space<vmem>>) target_semaphore(%run_scoped3A : memref<!tpu.dma_semaphore, #tpu.memory_space<semaphore_mem>>)
      %dma_wait3A_49 = arith.constant 0 : i32
      %dma_wait3A_50 = tpu.memref_slice %arg4[%mul3A_8, %dma_wait3A_49] : memref<2560x128xi32, #tpu.memory_space<hbm>> -> memref<80x128xi32, #tpu.memory_space<hbm>>
      %dma_wait3A_51 = arith.constant 0 : i32
      %dma_wait3A_52 = tpu.memref_slice %arg4[%mul3A_8, %dma_wait3A_51] : memref<2560x128xi32, #tpu.memory_space<hbm>> -> memref<80x128xi32, #tpu.memory_space<hbm>>
      tpu.wait_dma2 semaphore(%run_scoped3A : memref<!tpu.dma_semaphore, #tpu.memory_space<semaphore_mem>>) src(%dma_wait3A_52 : memref<80x128xi32, #tpu.memory_space<hbm>>) dst(%arg8 : memref<80x128xi32, #tpu.memory_space<vmem>>)
      tpu.yield
    }) : () -> ()
    %barrier3A = arith.constant 0 : index
    tpu.barrier barrier_id(%barrier3A)
    %dma_start3A = arith.constant 0 : i32
    %dma_start3A_9 = arith.constant 0 : i32
    %dma_start3A_10 = tpu.memref_slice %arg7[%dma_start3A, %dma_start3A_9] : memref<80x128xi32, #tpu.memory_space<vmem>> -> memref<1x128xi32, #tpu.memory_space<vmem>>
    %dma_start3A_11 = tpu.memref_squeeze %dma_start3A_10 : memref<1x128xi32, #tpu.memory_space<vmem>> -> memref<128xi32, #tpu.memory_space<vmem>>
    %dma_start3A_12 = arith.constant 0 : i32
    %dma_start3A_13 = arith.constant 0 : i32
    %dma_start3A_14 = tpu.memref_slice %arg2[%dma_start3A_12, %dma_start3A_13] : memref<10000x64xf32, #tpu.memory_space<hbm>> -> memref<10000x64xf32, #tpu.memory_space<hbm>>
    tpu.enqueue_indirect_dma source(%dma_start3A_14 : memref<10000x64xf32, #tpu.memory_space<hbm>>) target(%arg9 : memref<128x64xf32, #tpu.memory_space<vmem>>) offsets(%dma_start3A_11 : memref<128xi32, #tpu.memory_space<vmem>>) semaphore(%arg13 : memref<!tpu.dma_semaphore, #tpu.memory_space<semaphore_mem>>)
    %dma_start3A_15 = arith.constant 1 : i32
    %dma_start3A_16 = arith.constant 0 : i32
    %dma_start3A_17 = tpu.memref_slice %arg7[%dma_start3A_15, %dma_start3A_16] : memref<80x128xi32, #tpu.memory_space<vmem>> -> memref<1x128xi32, #tpu.memory_space<vmem>>
    %dma_start3A_18 = tpu.memref_squeeze %dma_start3A_17 : memref<1x128xi32, #tpu.memory_space<vmem>> -> memref<128xi32, #tpu.memory_space<vmem>>
    %dma_start3A_19 = arith.constant 0 : i32
    %dma_start3A_20 = arith.constant 0 : i32
    %dma_start3A_21 = tpu.memref_slice %arg2[%dma_start3A_19, %dma_start3A_20] : memref<10000x64xf32, #tpu.memory_space<hbm>> -> memref<10000x64xf32, #tpu.memory_space<hbm>>
    tpu.enqueue_indirect_dma source(%dma_start3A_21 : memref<10000x64xf32, #tpu.memory_space<hbm>>) target(%arg10 : memref<128x64xf32, #tpu.memory_space<vmem>>) offsets(%dma_start3A_18 : memref<128xi32, #tpu.memory_space<vmem>>) semaphore(%arg14 : memref<!tpu.dma_semaphore, #tpu.memory_space<semaphore_mem>>)
    %scan3A = arith.constant 0 : i32
    %scan3A_22 = arith.constant 0 : i32
    %scan3A_23 = arith.constant 20 : i32
    %scan3A_24 = arith.addi %scan3A_22, %scan3A_23 : i32
    %scan3A_25 = arith.constant 1 : i32
    scf.for %scan3A_45 = %scan3A_22 to %scan3A_24 step %scan3A_25  : i32 {
      %mul3A_46 = arith.constant 4 : i32
      %mul3A_47 = arith.muli %scan3A_45, %mul3A_46 : i32
      %add3A_48 = arith.constant 0 : i32
      %add3A_49 = arith.addi %mul3A_47, %add3A_48 : i32
      %dma_wait3A_50 = arith.constant 0 : i32
      %dma_wait3A_51 = tpu.memref_slice %arg7[%add3A_49, %dma_wait3A_50] : memref<80x128xi32, #tpu.memory_space<vmem>> -> memref<1x128xi32, #tpu.memory_space<vmem>>
      %dma_wait3A_52 = tpu.memref_squeeze %dma_wait3A_51 : memref<1x128xi32, #tpu.memory_space<vmem>> -> memref<128xi32, #tpu.memory_space<vmem>>
      %dma_wait3A_53 = arith.constant 0 : i32
      %dma_wait3A_54 = arith.constant 0 : i32
      %dma_wait3A_55 = tpu.memref_slice %arg2[%dma_wait3A_53, %dma_wait3A_54] : memref<10000x64xf32, #tpu.memory_space<hbm>> -> memref<10000x64xf32, #tpu.memory_space<hbm>>
      tpu.wait_indirect_dma semaphore(%arg13 : memref<!tpu.dma_semaphore, #tpu.memory_space<semaphore_mem>>) src(%dma_wait3A_55 : memref<10000x64xf32, #tpu.memory_space<hbm>>) dst(%arg9 : memref<128x64xf32, #tpu.memory_space<vmem>>)
      %ge3A = arith.constant 2 : i32
      %ge3A_56 = arith.cmpi sge, %add3A_49, %ge3A : i32
      %convert_element_type3A = arith.extui %ge3A_56 : i1 to i32
      %cond3A = arith.constant 0 : i32
      %cond3A_57 = arith.cmpi ne, %convert_element_type3A, %cond3A : i32
      scf.if %cond3A_57 {
        %dma_wait3A_154 = arith.constant 0 : i32
        %dma_wait3A_155 = tpu.memref_slice %arg8[%add3A_49, %dma_wait3A_154] : memref<80x128xi32, #tpu.memory_space<vmem>> -> memref<1x128xi32, #tpu.memory_space<vmem>>
        %dma_wait3A_156 = tpu.memref_squeeze %dma_wait3A_155 : memref<1x128xi32, #tpu.memory_space<vmem>> -> memref<128xi32, #tpu.memory_space<vmem>>
        %dma_wait3A_157 = arith.constant 0 : i32
        %dma_wait3A_158 = arith.constant 0 : i32
        %dma_wait3A_159 = tpu.memref_slice %arg21[%dma_wait3A_157, %dma_wait3A_158] : memref<10112x64xf32, #tpu.memory_space<vmem_shared>> -> memref<10112x64xf32, #tpu.memory_space<vmem_shared>>
        tpu.wait_indirect_dma semaphore(%arg19 : memref<!tpu.dma_semaphore, #tpu.memory_space<semaphore_mem>>) src(%arg11 : memref<128x64xf32, #tpu.memory_space<vmem>>) dst(%dma_wait3A_159 : memref<10112x64xf32, #tpu.memory_space<vmem_shared>>)
      } else {
      }
      %dma_start3A_58 = arith.constant 0 : i32
      %dma_start3A_59 = tpu.memref_slice %arg8[%add3A_49, %dma_start3A_58] : memref<80x128xi32, #tpu.memory_space<vmem>> -> memref<1x128xi32, #tpu.memory_space<vmem>>
      %dma_start3A_60 = tpu.memref_squeeze %dma_start3A_59 : memref<1x128xi32, #tpu.memory_space<vmem>> -> memref<128xi32, #tpu.memory_space<vmem>>
      %dma_start3A_61 = arith.constant 0 : i32
      %dma_start3A_62 = arith.constant 0 : i32
      %dma_start3A_63 = tpu.memref_slice %arg21[%dma_start3A_61, %dma_start3A_62] : memref<10112x64xf32, #tpu.memory_space<vmem_shared>> -> memref<10112x64xf32, #tpu.memory_space<vmem_shared>>
      tpu.enqueue_indirect_dma source(%arg9 : memref<128x64xf32, #tpu.memory_space<vmem>>) target(%dma_start3A_63 : memref<10112x64xf32, #tpu.memory_space<vmem_shared>>) offsets(%dma_start3A_60 : memref<128xi32, #tpu.memory_space<vmem>>) semaphore(%arg17 : memref<!tpu.dma_semaphore, #tpu.memory_space<semaphore_mem>>) {add = true}
      %add3A_64 = arith.constant 2 : i32
      %add3A_65 = arith.addi %add3A_49, %add3A_64 : i32
      %lt3A = arith.constant 80 : i32
      %lt3A_66 = arith.cmpi slt, %add3A_65, %lt3A : i32
      %convert_element_type3A_67 = arith.extui %lt3A_66 : i1 to i32
      %cond3A_68 = arith.constant 0 : i32
      %cond3A_69 = arith.cmpi ne, %convert_element_type3A_67, %cond3A_68 : i32
      scf.if %cond3A_69 {
        %add3A_154 = arith.constant 2 : i32
        %add3A_155 = arith.addi %add3A_49, %add3A_154 : i32
        %dma_start3A_156 = arith.constant 0 : i32
        %dma_start3A_157 = tpu.memref_slice %arg7[%add3A_155, %dma_start3A_156] : memref<80x128xi32, #tpu.memory_space<vmem>> -> memref<1x128xi32, #tpu.memory_space<vmem>>
        %dma_start3A_158 = tpu.memref_squeeze %dma_start3A_157 : memref<1x128xi32, #tpu.memory_space<vmem>> -> memref<128xi32, #tpu.memory_space<vmem>>
        %dma_start3A_159 = arith.constant 0 : i32
        %dma_start3A_160 = arith.constant 0 : i32
        %dma_start3A_161 = tpu.memref_slice %arg2[%dma_start3A_159, %dma_start3A_160] : memref<10000x64xf32, #tpu.memory_space<hbm>> -> memref<10000x64xf32, #tpu.memory_space<hbm>>
        tpu.enqueue_indirect_dma source(%dma_start3A_161 : memref<10000x64xf32, #tpu.memory_space<hbm>>) target(%arg11 : memref<128x64xf32, #tpu.memory_space<vmem>>) offsets(%dma_start3A_158 : memref<128xi32, #tpu.memory_space<vmem>>) semaphore(%arg15 : memref<!tpu.dma_semaphore, #tpu.memory_space<semaphore_mem>>)
      } else {
      }
      %mul3A_70 = arith.constant 4 : i32
      %mul3A_71 = arith.muli %scan3A_45, %mul3A_70 : i32
      %add3A_72 = arith.constant 1 : i32
      %add3A_73 = arith.addi %mul3A_71, %add3A_72 : i32
      %dma_wait3A_74 = arith.constant 0 : i32
      %dma_wait3A_75 = tpu.memref_slice %arg7[%add3A_73, %dma_wait3A_74] : memref<80x128xi32, #tpu.memory_space<vmem>> -> memref<1x128xi32, #tpu.memory_space<vmem>>
      %dma_wait3A_76 = tpu.memref_squeeze %dma_wait3A_75 : memref<1x128xi32, #tpu.memory_space<vmem>> -> memref<128xi32, #tpu.memory_space<vmem>>
      %dma_wait3A_77 = arith.constant 0 : i32
      %dma_wait3A_78 = arith.constant 0 : i32
      %dma_wait3A_79 = tpu.memref_slice %arg2[%dma_wait3A_77, %dma_wait3A_78] : memref<10000x64xf32, #tpu.memory_space<hbm>> -> memref<10000x64xf32, #tpu.memory_space<hbm>>
      tpu.wait_indirect_dma semaphore(%arg14 : memref<!tpu.dma_semaphore, #tpu.memory_space<semaphore_mem>>) src(%dma_wait3A_79 : memref<10000x64xf32, #tpu.memory_space<hbm>>) dst(%arg10 : memref<128x64xf32, #tpu.memory_space<vmem>>)
      %ge3A_80 = arith.constant 2 : i32
      %ge3A_81 = arith.cmpi sge, %add3A_73, %ge3A_80 : i32
      %convert_element_type3A_82 = arith.extui %ge3A_81 : i1 to i32
      %cond3A_83 = arith.constant 0 : i32
      %cond3A_84 = arith.cmpi ne, %convert_element_type3A_82, %cond3A_83 : i32
      scf.if %cond3A_84 {
        %dma_wait3A_154 = arith.constant 0 : i32
        %dma_wait3A_155 = tpu.memref_slice %arg8[%add3A_73, %dma_wait3A_154] : memref<80x128xi32, #tpu.memory_space<vmem>> -> memref<1x128xi32, #tpu.memory_space<vmem>>
        %dma_wait3A_156 = tpu.memref_squeeze %dma_wait3A_155 : memref<1x128xi32, #tpu.memory_space<vmem>> -> memref<128xi32, #tpu.memory_space<vmem>>
        %dma_wait3A_157 = arith.constant 0 : i32
        %dma_wait3A_158 = arith.constant 0 : i32
        %dma_wait3A_159 = tpu.memref_slice %arg21[%dma_wait3A_157, %dma_wait3A_158] : memref<10112x64xf32, #tpu.memory_space<vmem_shared>> -> memref<10112x64xf32, #tpu.memory_space<vmem_shared>>
        tpu.wait_indirect_dma semaphore(%arg20 : memref<!tpu.dma_semaphore, #tpu.memory_space<semaphore_mem>>) src(%arg12 : memref<128x64xf32, #tpu.memory_space<vmem>>) dst(%dma_wait3A_159 : memref<10112x64xf32, #tpu.memory_space<vmem_shared>>)
      } else {
      }
      %dma_start3A_85 = arith.constant 0 : i32
      %dma_start3A_86 = tpu.memref_slice %arg8[%add3A_73, %dma_start3A_85] : memref<80x128xi32, #tpu.memory_space<vmem>> -> memref<1x128xi32, #tpu.memory_space<vmem>>
      %dma_start3A_87 = tpu.memref_squeeze %dma_start3A_86 : memref<1x128xi32, #tpu.memory_space<vmem>> -> memref<128xi32, #tpu.memory_space<vmem>>
      %dma_start3A_88 = arith.constant 0 : i32
      %dma_start3A_89 = arith.constant 0 : i32
      %dma_start3A_90 = tpu.memref_slice %arg21[%dma_start3A_88, %dma_start3A_89] : memref<10112x64xf32, #tpu.memory_space<vmem_shared>> -> memref<10112x64xf32, #tpu.memory_space<vmem_shared>>
      tpu.enqueue_indirect_dma source(%arg10 : memref<128x64xf32, #tpu.memory_space<vmem>>) target(%dma_start3A_90 : memref<10112x64xf32, #tpu.memory_space<vmem_shared>>) offsets(%dma_start3A_87 : memref<128xi32, #tpu.memory_space<vmem>>) semaphore(%arg18 : memref<!tpu.dma_semaphore, #tpu.memory_space<semaphore_mem>>) {add = true}
      %add3A_91 = arith.constant 2 : i32
      %add3A_92 = arith.addi %add3A_73, %add3A_91 : i32
      %lt3A_93 = arith.constant 80 : i32
      %lt3A_94 = arith.cmpi slt, %add3A_92, %lt3A_93 : i32
      %convert_element_type3A_95 = arith.extui %lt3A_94 : i1 to i32
      %cond3A_96 = arith.constant 0 : i32
      %cond3A_97 = arith.cmpi ne, %convert_element_type3A_95, %cond3A_96 : i32
      scf.if %cond3A_97 {
        %add3A_154 = arith.constant 2 : i32
        %add3A_155 = arith.addi %add3A_73, %add3A_154 : i32
        %dma_start3A_156 = arith.constant 0 : i32
        %dma_start3A_157 = tpu.memref_slice %arg7[%add3A_155, %dma_start3A_156] : memref<80x128xi32, #tpu.memory_space<vmem>> -> memref<1x128xi32, #tpu.memory_space<vmem>>
        %dma_start3A_158 = tpu.memref_squeeze %dma_start3A_157 : memref<1x128xi32, #tpu.memory_space<vmem>> -> memref<128xi32, #tpu.memory_space<vmem>>
        %dma_start3A_159 = arith.constant 0 : i32
        %dma_start3A_160 = arith.constant 0 : i32
        %dma_start3A_161 = tpu.memref_slice %arg2[%dma_start3A_159, %dma_start3A_160] : memref<10000x64xf32, #tpu.memory_space<hbm>> -> memref<10000x64xf32, #tpu.memory_space<hbm>>
        tpu.enqueue_indirect_dma source(%dma_start3A_161 : memref<10000x64xf32, #tpu.memory_space<hbm>>) target(%arg12 : memref<128x64xf32, #tpu.memory_space<vmem>>) offsets(%dma_start3A_158 : memref<128xi32, #tpu.memory_space<vmem>>) semaphore(%arg16 : memref<!tpu.dma_semaphore, #tpu.memory_space<semaphore_mem>>)
      } else {
      }
      %mul3A_98 = arith.constant 4 : i32
      %mul3A_99 = arith.muli %scan3A_45, %mul3A_98 : i32
      %add3A_100 = arith.constant 2 : i32
      %add3A_101 = arith.addi %mul3A_99, %add3A_100 : i32
      %dma_wait3A_102 = arith.constant 0 : i32
      %dma_wait3A_103 = tpu.memref_slice %arg7[%add3A_101, %dma_wait3A_102] : memref<80x128xi32, #tpu.memory_space<vmem>> -> memref<1x128xi32, #tpu.memory_space<vmem>>
      %dma_wait3A_104 = tpu.memref_squeeze %dma_wait3A_103 : memref<1x128xi32, #tpu.memory_space<vmem>> -> memref<128xi32, #tpu.memory_space<vmem>>
      %dma_wait3A_105 = arith.constant 0 : i32
      %dma_wait3A_106 = arith.constant 0 : i32
      %dma_wait3A_107 = tpu.memref_slice %arg2[%dma_wait3A_105, %dma_wait3A_106] : memref<10000x64xf32, #tpu.memory_space<hbm>> -> memref<10000x64xf32, #tpu.memory_space<hbm>>
      tpu.wait_indirect_dma semaphore(%arg15 : memref<!tpu.dma_semaphore, #tpu.memory_space<semaphore_mem>>) src(%dma_wait3A_107 : memref<10000x64xf32, #tpu.memory_space<hbm>>) dst(%arg11 : memref<128x64xf32, #tpu.memory_space<vmem>>)
      %ge3A_108 = arith.constant 2 : i32
      %ge3A_109 = arith.cmpi sge, %add3A_101, %ge3A_108 : i32
      %convert_element_type3A_110 = arith.extui %ge3A_109 : i1 to i32
      %cond3A_111 = arith.constant 0 : i32
      %cond3A_112 = arith.cmpi ne, %convert_element_type3A_110, %cond3A_111 : i32
      scf.if %cond3A_112 {
        %dma_wait3A_154 = arith.constant 0 : i32
        %dma_wait3A_155 = tpu.memref_slice %arg8[%add3A_101, %dma_wait3A_154] : memref<80x128xi32, #tpu.memory_space<vmem>> -> memref<1x128xi32, #tpu.memory_space<vmem>>
        %dma_wait3A_156 = tpu.memref_squeeze %dma_wait3A_155 : memref<1x128xi32, #tpu.memory_space<vmem>> -> memref<128xi32, #tpu.memory_space<vmem>>
        %dma_wait3A_157 = arith.constant 0 : i32
        %dma_wait3A_158 = arith.constant 0 : i32
        %dma_wait3A_159 = tpu.memref_slice %arg21[%dma_wait3A_157, %dma_wait3A_158] : memref<10112x64xf32, #tpu.memory_space<vmem_shared>> -> memref<10112x64xf32, #tpu.memory_space<vmem_shared>>
        tpu.wait_indirect_dma semaphore(%arg17 : memref<!tpu.dma_semaphore, #tpu.memory_space<semaphore_mem>>) src(%arg9 : memref<128x64xf32, #tpu.memory_space<vmem>>) dst(%dma_wait3A_159 : memref<10112x64xf32, #tpu.memory_space<vmem_shared>>)
      } else {
      }
      %dma_start3A_113 = arith.constant 0 : i32
      %dma_start3A_114 = tpu.memref_slice %arg8[%add3A_101, %dma_start3A_113] : memref<80x128xi32, #tpu.memory_space<vmem>> -> memref<1x128xi32, #tpu.memory_space<vmem>>
      %dma_start3A_115 = tpu.memref_squeeze %dma_start3A_114 : memref<1x128xi32, #tpu.memory_space<vmem>> -> memref<128xi32, #tpu.memory_space<vmem>>
      %dma_start3A_116 = arith.constant 0 : i32
      %dma_start3A_117 = arith.constant 0 : i32
      %dma_start3A_118 = tpu.memref_slice %arg21[%dma_start3A_116, %dma_start3A_117] : memref<10112x64xf32, #tpu.memory_space<vmem_shared>> -> memref<10112x64xf32, #tpu.memory_space<vmem_shared>>
      tpu.enqueue_indirect_dma source(%arg11 : memref<128x64xf32, #tpu.memory_space<vmem>>) target(%dma_start3A_118 : memref<10112x64xf32, #tpu.memory_space<vmem_shared>>) offsets(%dma_start3A_115 : memref<128xi32, #tpu.memory_space<vmem>>) semaphore(%arg19 : memref<!tpu.dma_semaphore, #tpu.memory_space<semaphore_mem>>) {add = true}
      %add3A_119 = arith.constant 2 : i32
      %add3A_120 = arith.addi %add3A_101, %add3A_119 : i32
      %lt3A_121 = arith.constant 80 : i32
      %lt3A_122 = arith.cmpi slt, %add3A_120, %lt3A_121 : i32
      %convert_element_type3A_123 = arith.extui %lt3A_122 : i1 to i32
      %cond3A_124 = arith.constant 0 : i32
      %cond3A_125 = arith.cmpi ne, %convert_element_type3A_123, %cond3A_124 : i32
      scf.if %cond3A_125 {
        %add3A_154 = arith.constant 2 : i32
        %add3A_155 = arith.addi %add3A_101, %add3A_154 : i32
        %dma_start3A_156 = arith.constant 0 : i32
        %dma_start3A_157 = tpu.memref_slice %arg7[%add3A_155, %dma_start3A_156] : memref<80x128xi32, #tpu.memory_space<vmem>> -> memref<1x128xi32, #tpu.memory_space<vmem>>
        %dma_start3A_158 = tpu.memref_squeeze %dma_start3A_157 : memref<1x128xi32, #tpu.memory_space<vmem>> -> memref<128xi32, #tpu.memory_space<vmem>>
        %dma_start3A_159 = arith.constant 0 : i32
        %dma_start3A_160 = arith.constant 0 : i32
        %dma_start3A_161 = tpu.memref_slice %arg2[%dma_start3A_159, %dma_start3A_160] : memref<10000x64xf32, #tpu.memory_space<hbm>> -> memref<10000x64xf32, #tpu.memory_space<hbm>>
        tpu.enqueue_indirect_dma source(%dma_start3A_161 : memref<10000x64xf32, #tpu.memory_space<hbm>>) target(%arg9 : memref<128x64xf32, #tpu.memory_space<vmem>>) offsets(%dma_start3A_158 : memref<128xi32, #tpu.memory_space<vmem>>) semaphore(%arg13 : memref<!tpu.dma_semaphore, #tpu.memory_space<semaphore_mem>>)
      } else {
      }
      %mul3A_126 = arith.constant 4 : i32
      %mul3A_127 = arith.muli %scan3A_45, %mul3A_126 : i32
      %add3A_128 = arith.constant 3 : i32
      %add3A_129 = arith.addi %mul3A_127, %add3A_128 : i32
      %dma_wait3A_130 = arith.constant 0 : i32
      %dma_wait3A_131 = tpu.memref_slice %arg7[%add3A_129, %dma_wait3A_130] : memref<80x128xi32, #tpu.memory_space<vmem>> -> memref<1x128xi32, #tpu.memory_space<vmem>>
      %dma_wait3A_132 = tpu.memref_squeeze %dma_wait3A_131 : memref<1x128xi32, #tpu.memory_space<vmem>> -> memref<128xi32, #tpu.memory_space<vmem>>
      %dma_wait3A_133 = arith.constant 0 : i32
      %dma_wait3A_134 = arith.constant 0 : i32
      %dma_wait3A_135 = tpu.memref_slice %arg2[%dma_wait3A_133, %dma_wait3A_134] : memref<10000x64xf32, #tpu.memory_space<hbm>> -> memref<10000x64xf32, #tpu.memory_space<hbm>>
      tpu.wait_indirect_dma semaphore(%arg16 : memref<!tpu.dma_semaphore, #tpu.memory_space<semaphore_mem>>) src(%dma_wait3A_135 : memref<10000x64xf32, #tpu.memory_space<hbm>>) dst(%arg12 : memref<128x64xf32, #tpu.memory_space<vmem>>)
      %ge3A_136 = arith.constant 2 : i32
      %ge3A_137 = arith.cmpi sge, %add3A_129, %ge3A_136 : i32
      %convert_element_type3A_138 = arith.extui %ge3A_137 : i1 to i32
      %cond3A_139 = arith.constant 0 : i32
      %cond3A_140 = arith.cmpi ne, %convert_element_type3A_138, %cond3A_139 : i32
      scf.if %cond3A_140 {
        %dma_wait3A_154 = arith.constant 0 : i32
        %dma_wait3A_155 = tpu.memref_slice %arg8[%add3A_129, %dma_wait3A_154] : memref<80x128xi32, #tpu.memory_space<vmem>> -> memref<1x128xi32, #tpu.memory_space<vmem>>
        %dma_wait3A_156 = tpu.memref_squeeze %dma_wait3A_155 : memref<1x128xi32, #tpu.memory_space<vmem>> -> memref<128xi32, #tpu.memory_space<vmem>>
        %dma_wait3A_157 = arith.constant 0 : i32
        %dma_wait3A_158 = arith.constant 0 : i32
        %dma_wait3A_159 = tpu.memref_slice %arg21[%dma_wait3A_157, %dma_wait3A_158] : memref<10112x64xf32, #tpu.memory_space<vmem_shared>> -> memref<10112x64xf32, #tpu.memory_space<vmem_shared>>
        tpu.wait_indirect_dma semaphore(%arg18 : memref<!tpu.dma_semaphore, #tpu.memory_space<semaphore_mem>>) src(%arg10 : memref<128x64xf32, #tpu.memory_space<vmem>>) dst(%dma_wait3A_159 : memref<10112x64xf32, #tpu.memory_space<vmem_shared>>)
      } else {
      }
      %dma_start3A_141 = arith.constant 0 : i32
      %dma_start3A_142 = tpu.memref_slice %arg8[%add3A_129, %dma_start3A_141] : memref<80x128xi32, #tpu.memory_space<vmem>> -> memref<1x128xi32, #tpu.memory_space<vmem>>
      %dma_start3A_143 = tpu.memref_squeeze %dma_start3A_142 : memref<1x128xi32, #tpu.memory_space<vmem>> -> memref<128xi32, #tpu.memory_space<vmem>>
      %dma_start3A_144 = arith.constant 0 : i32
      %dma_start3A_145 = arith.constant 0 : i32
      %dma_start3A_146 = tpu.memref_slice %arg21[%dma_start3A_144, %dma_start3A_145] : memref<10112x64xf32, #tpu.memory_space<vmem_shared>> -> memref<10112x64xf32, #tpu.memory_space<vmem_shared>>
      tpu.enqueue_indirect_dma source(%arg12 : memref<128x64xf32, #tpu.memory_space<vmem>>) target(%dma_start3A_146 : memref<10112x64xf32, #tpu.memory_space<vmem_shared>>) offsets(%dma_start3A_143 : memref<128xi32, #tpu.memory_space<vmem>>) semaphore(%arg20 : memref<!tpu.dma_semaphore, #tpu.memory_space<semaphore_mem>>) {add = true}
      %add3A_147 = arith.constant 2 : i32
      %add3A_148 = arith.addi %add3A_129, %add3A_147 : i32
      %lt3A_149 = arith.constant 80 : i32
      %lt3A_150 = arith.cmpi slt, %add3A_148, %lt3A_149 : i32
      %convert_element_type3A_151 = arith.extui %lt3A_150 : i1 to i32
      %cond3A_152 = arith.constant 0 : i32
      %cond3A_153 = arith.cmpi ne, %convert_element_type3A_151, %cond3A_152 : i32
      scf.if %cond3A_153 {
        %add3A_154 = arith.constant 2 : i32
        %add3A_155 = arith.addi %add3A_129, %add3A_154 : i32
        %dma_start3A_156 = arith.constant 0 : i32
        %dma_start3A_157 = tpu.memref_slice %arg7[%add3A_155, %dma_start3A_156] : memref<80x128xi32, #tpu.memory_space<vmem>> -> memref<1x128xi32, #tpu.memory_space<vmem>>
        %dma_start3A_158 = tpu.memref_squeeze %dma_start3A_157 : memref<1x128xi32, #tpu.memory_space<vmem>> -> memref<128xi32, #tpu.memory_space<vmem>>
        %dma_start3A_159 = arith.constant 0 : i32
        %dma_start3A_160 = arith.constant 0 : i32
        %dma_start3A_161 = tpu.memref_slice %arg2[%dma_start3A_159, %dma_start3A_160] : memref<10000x64xf32, #tpu.memory_space<hbm>> -> memref<10000x64xf32, #tpu.memory_space<hbm>>
        tpu.enqueue_indirect_dma source(%dma_start3A_161 : memref<10000x64xf32, #tpu.memory_space<hbm>>) target(%arg10 : memref<128x64xf32, #tpu.memory_space<vmem>>) offsets(%dma_start3A_158 : memref<128xi32, #tpu.memory_space<vmem>>) semaphore(%arg14 : memref<!tpu.dma_semaphore, #tpu.memory_space<semaphore_mem>>)
      } else {
      }
    }
    %scan3A_26 = arith.constant 20 : i32
    %dma_wait3A = arith.constant 0 : i32
    %dma_wait3A_27 = arith.constant 0 : i32
    %dma_wait3A_28 = tpu.memref_slice %arg8[%dma_wait3A, %dma_wait3A_27] : memref<80x128xi32, #tpu.memory_space<vmem>> -> memref<1x128xi32, #tpu.memory_space<vmem>>
    %dma_wait3A_29 = tpu.memref_squeeze %dma_wait3A_28 : memref<1x128xi32, #tpu.memory_space<vmem>> -> memref<128xi32, #tpu.memory_space<vmem>>
    %dma_wait3A_30 = arith.constant 0 : i32
    %dma_wait3A_31 = arith.constant 0 : i32
    %dma_wait3A_32 = tpu.memref_slice %arg21[%dma_wait3A_30, %dma_wait3A_31] : memref<10112x64xf32, #tpu.memory_space<vmem_shared>> -> memref<10112x64xf32, #tpu.memory_space<vmem_shared>>
    tpu.wait_indirect_dma semaphore(%arg19 : memref<!tpu.dma_semaphore, #tpu.memory_space<semaphore_mem>>) src(%arg11 : memref<128x64xf32, #tpu.memory_space<vmem>>) dst(%dma_wait3A_32 : memref<10112x64xf32, #tpu.memory_space<vmem_shared>>)
    %dma_wait3A_33 = arith.constant 0 : i32
    %dma_wait3A_34 = arith.constant 0 : i32
    %dma_wait3A_35 = tpu.memref_slice %arg8[%dma_wait3A_33, %dma_wait3A_34] : memref<80x128xi32, #tpu.memory_space<vmem>> -> memref<1x128xi32, #tpu.memory_space<vmem>>
    %dma_wait3A_36 = tpu.memref_squeeze %dma_wait3A_35 : memref<1x128xi32, #tpu.memory_space<vmem>> -> memref<128xi32, #tpu.memory_space<vmem>>
    %dma_wait3A_37 = arith.constant 0 : i32
    %dma_wait3A_38 = arith.constant 0 : i32
    %dma_wait3A_39 = tpu.memref_slice %arg21[%dma_wait3A_37, %dma_wait3A_38] : memref<10112x64xf32, #tpu.memory_space<vmem_shared>> -> memref<10112x64xf32, #tpu.memory_space<vmem_shared>>
    tpu.wait_indirect_dma semaphore(%arg20 : memref<!tpu.dma_semaphore, #tpu.memory_space<semaphore_mem>>) src(%arg12 : memref<128x64xf32, #tpu.memory_space<vmem>>) dst(%dma_wait3A_39 : memref<10112x64xf32, #tpu.memory_space<vmem_shared>>)
    %barrier3A_40 = arith.constant 0 : index
    tpu.barrier barrier_id(%barrier3A_40)
    %mul3A_41 = arith.constant 632 : i32
    %mul3A_42 = arith.muli %arg1, %mul3A_41 : i32
    %mul3A_43 = arith.constant 632 : i32
    %mul3A_44 = arith.muli %arg1, %mul3A_43 : i32
    "tpu.region"() ({
      %run_scoped3A = tpu.sem_alloc : memref<!tpu.dma_semaphore, #tpu.memory_space<semaphore_mem>>
      %dma_start3A_45 = arith.constant 0 : i32
      %dma_start3A_46 = tpu.memref_slice %arg6[%arg0, %mul3A_44, %dma_start3A_45] : memref<2x10112x64xf32, #tpu.memory_space<hbm>> -> memref<1x632x64xf32, #tpu.memory_space<hbm>>
      %dma_start3A_47 = tpu.memref_squeeze %dma_start3A_46 : memref<1x632x64xf32, #tpu.memory_space<hbm>> -> memref<632x64xf32, #tpu.memory_space<hbm>>
      %dma_start3A_48 = arith.constant 0 : i32
      %dma_start3A_49 = tpu.memref_slice %arg21[%mul3A_42, %dma_start3A_48] : memref<10112x64xf32, #tpu.memory_space<vmem_shared>> -> memref<632x64xf32, #tpu.memory_space<vmem_shared>>
      tpu.enqueue_dma source(%dma_start3A_49 : memref<632x64xf32, #tpu.memory_space<vmem_shared>>) target(%dma_start3A_47 : memref<632x64xf32, #tpu.memory_space<hbm>>) target_semaphore(%run_scoped3A : memref<!tpu.dma_semaphore, #tpu.memory_space<semaphore_mem>>)
      %dma_wait3A_50 = arith.constant 0 : i32
      %dma_wait3A_51 = tpu.memref_slice %arg6[%arg0, %mul3A_44, %dma_wait3A_50] : memref<2x10112x64xf32, #tpu.memory_space<hbm>> -> memref<1x632x64xf32, #tpu.memory_space<hbm>>
      %dma_wait3A_52 = tpu.memref_squeeze %dma_wait3A_51 : memref<1x632x64xf32, #tpu.memory_space<hbm>> -> memref<632x64xf32, #tpu.memory_space<hbm>>
      %dma_wait3A_53 = arith.constant 0 : i32
      %dma_wait3A_54 = tpu.memref_slice %arg21[%mul3A_42, %dma_wait3A_53] : memref<10112x64xf32, #tpu.memory_space<vmem_shared>> -> memref<632x64xf32, #tpu.memory_space<vmem_shared>>
      tpu.wait_dma2 semaphore(%run_scoped3A : memref<!tpu.dma_semaphore, #tpu.memory_space<semaphore_mem>>) src(%dma_wait3A_54 : memref<632x64xf32, #tpu.memory_space<vmem_shared>>) dst(%dma_wait3A_52 : memref<632x64xf32, #tpu.memory_space<hbm>>)
      tpu.yield
    }) : () -> ()
    return
  }
}

#map = affine_map<(d0, d1) -> (0, 0)>
#map1 = affine_map<(d0, d1) -> (0, 0, 0)>
module attributes {stable_mosaic.version = 14 : i64} {
  func.func @_sc_propagate(%arg0: i32, %arg1: i32, %arg2: memref<10000x64xf32, #tpu.memory_space<hbm>>, %arg3: memref<2560x128xi32, #tpu.memory_space<hbm>>, %arg4: memref<2560x128xi32, #tpu.memory_space<hbm>>, %arg5: memref<10112x64xf32, #tpu.memory_space<hbm>>, %arg6: memref<2x10112x64xf32, #tpu.memory_space<hbm>>, %arg7: memref<80x128xi32, #tpu.memory_space<vmem>>, %arg8: memref<80x128xi32, #tpu.memory_space<vmem>>, %arg9: memref<128x64xf32, #tpu.memory_space<vmem>>, %arg10: memref<128x64xf32, #tpu.memory_space<vmem>>, %arg11: memref<128x64xf32, #tpu.memory_space<vmem>>, %arg12: memref<128x64xf32, #tpu.memory_space<vmem>>, %arg13: memref<!tpu.dma_semaphore, #tpu.memory_space<semaphore_mem>>, %arg14: memref<!tpu.dma_semaphore, #tpu.memory_space<semaphore_mem>>, %arg15: memref<!tpu.dma_semaphore, #tpu.memory_space<semaphore_mem>>, %arg16: memref<!tpu.dma_semaphore, #tpu.memory_space<semaphore_mem>>, %arg17: memref<!tpu.dma_semaphore, #tpu.memory_space<semaphore_mem>>, %arg18: memref<!tpu.dma_semaphore, #tpu.memory_space<semaphore_mem>>, %arg19: memref<!tpu.dma_semaphore, #tpu.memory_space<semaphore_mem>>, %arg20: memref<!tpu.dma_semaphore, #tpu.memory_space<semaphore_mem>>, %arg21: memref<10112x64xf32, #tpu.memory_space<vmem_shared>>) attributes {dimension_semantics = [#tpu.dimension_semantics<core_parallel>, #tpu.dimension_semantics<subcore_parallel>], iteration_bounds = array<i64: 2, 16>, scalar_prefetch = 0 : i64, scratch_operands = 15 : i64, tpu.core_type = #tpu.core_type<sc_vector_subcore>, window_params = [{transform_indices = #map}, {transform_indices = #map}, {transform_indices = #map}, {transform_indices = #map}, {transform_indices = #map1}]} {
    %mul3A = arith.constant 16 : i32
    %mul3A_0 = arith.muli %arg0, %mul3A : i32
    %add3A = arith.addi %mul3A_0, %arg1 : i32
    %mul3A_1 = arith.constant 632 : i32
    %mul3A_2 = arith.muli %arg1, %mul3A_1 : i32
    %mul3A_3 = arith.constant 632 : i32
    %mul3A_4 = arith.muli %arg1, %mul3A_3 : i32
    "tpu.region"() ({
      %run_scoped3A = tpu.sem_alloc : memref<!tpu.dma_semaphore, #tpu.memory_space<semaphore_mem>>
      %dma_start3A_45 = arith.constant 0 : i32
      %dma_start3A_46 = tpu.memref_slice %arg21[%mul3A_4, %dma_start3A_45] : memref<10112x64xf32, #tpu.memory_space<vmem_shared>> -> memref<632x64xf32, #tpu.memory_space<vmem_shared>>
      %dma_start3A_47 = arith.constant 0 : i32
      %dma_start3A_48 = tpu.memref_slice %arg5[%mul3A_2, %dma_start3A_47] : memref<10112x64xf32, #tpu.memory_space<hbm>> -> memref<632x64xf32, #tpu.memory_space<hbm>>
      tpu.enqueue_dma source(%dma_start3A_48 : memref<632x64xf32, #tpu.memory_space<hbm>>) target(%dma_start3A_46 : memref<632x64xf32, #tpu.memory_space<vmem_shared>>) target_semaphore(%run_scoped3A : memref<!tpu.dma_semaphore, #tpu.memory_space<semaphore_mem>>)
      %dma_wait3A_49 = arith.constant 0 : i32
      %dma_wait3A_50 = tpu.memref_slice %arg21[%mul3A_4, %dma_wait3A_49] : memref<10112x64xf32, #tpu.memory_space<vmem_shared>> -> memref<632x64xf32, #tpu.memory_space<vmem_shared>>
      %dma_wait3A_51 = arith.constant 0 : i32
      %dma_wait3A_52 = tpu.memref_slice %arg5[%mul3A_2, %dma_wait3A_51] : memref<10112x64xf32, #tpu.memory_space<hbm>> -> memref<632x64xf32, #tpu.memory_space<hbm>>
      tpu.wait_dma2 semaphore(%run_scoped3A : memref<!tpu.dma_semaphore, #tpu.memory_space<semaphore_mem>>) src(%dma_wait3A_52 : memref<632x64xf32, #tpu.memory_space<hbm>>) dst(%dma_wait3A_50 : memref<632x64xf32, #tpu.memory_space<vmem_shared>>)
      tpu.yield
    }) : () -> ()
    %mul3A_5 = arith.constant 80 : i32
    %mul3A_6 = arith.muli %add3A, %mul3A_5 : i32
    "tpu.region"() ({
      %run_scoped3A = tpu.sem_alloc : memref<!tpu.dma_semaphore, #tpu.memory_space<semaphore_mem>>
      %dma_start3A_45 = arith.constant 0 : i32
      %dma_start3A_46 = tpu.memref_slice %arg3[%mul3A_6, %dma_start3A_45] : memref<2560x128xi32, #tpu.memory_space<hbm>> -> memref<80x128xi32, #tpu.memory_space<hbm>>
      %dma_start3A_47 = arith.constant 0 : i32
      %dma_start3A_48 = tpu.memref_slice %arg3[%mul3A_6, %dma_start3A_47] : memref<2560x128xi32, #tpu.memory_space<hbm>> -> memref<80x128xi32, #tpu.memory_space<hbm>>
      tpu.enqueue_dma source(%dma_start3A_48 : memref<80x128xi32, #tpu.memory_space<hbm>>) target(%arg7 : memref<80x128xi32, #tpu.memory_space<vmem>>) target_semaphore(%run_scoped3A : memref<!tpu.dma_semaphore, #tpu.memory_space<semaphore_mem>>)
      %dma_wait3A_49 = arith.constant 0 : i32
      %dma_wait3A_50 = tpu.memref_slice %arg3[%mul3A_6, %dma_wait3A_49] : memref<2560x128xi32, #tpu.memory_space<hbm>> -> memref<80x128xi32, #tpu.memory_space<hbm>>
      %dma_wait3A_51 = arith.constant 0 : i32
      %dma_wait3A_52 = tpu.memref_slice %arg3[%mul3A_6, %dma_wait3A_51] : memref<2560x128xi32, #tpu.memory_space<hbm>> -> memref<80x128xi32, #tpu.memory_space<hbm>>
      tpu.wait_dma2 semaphore(%run_scoped3A : memref<!tpu.dma_semaphore, #tpu.memory_space<semaphore_mem>>) src(%dma_wait3A_52 : memref<80x128xi32, #tpu.memory_space<hbm>>) dst(%arg7 : memref<80x128xi32, #tpu.memory_space<vmem>>)
      tpu.yield
    }) : () -> ()
    %mul3A_7 = arith.constant 80 : i32
    %mul3A_8 = arith.muli %add3A, %mul3A_7 : i32
    "tpu.region"() ({
      %run_scoped3A = tpu.sem_alloc : memref<!tpu.dma_semaphore, #tpu.memory_space<semaphore_mem>>
      %dma_start3A_45 = arith.constant 0 : i32
      %dma_start3A_46 = tpu.memref_slice %arg4[%mul3A_8, %dma_start3A_45] : memref<2560x128xi32, #tpu.memory_space<hbm>> -> memref<80x128xi32, #tpu.memory_space<hbm>>
      %dma_start3A_47 = arith.constant 0 : i32
      %dma_start3A_48 = tpu.memref_slice %arg4[%mul3A_8, %dma_start3A_47] : memref<2560x128xi32, #tpu.memory_space<hbm>> -> memref<80x128xi32, #tpu.memory_space<hbm>>
      tpu.enqueue_dma source(%dma_start3A_48 : memref<80x128xi32, #tpu.memory_space<hbm>>) target(%arg8 : memref<80x128xi32, #tpu.memory_space<vmem>>) target_semaphore(%run_scoped3A : memref<!tpu.dma_semaphore, #tpu.memory_space<semaphore_mem>>)
      %dma_wait3A_49 = arith.constant 0 : i32
      %dma_wait3A_50 = tpu.memref_slice %arg4[%mul3A_8, %dma_wait3A_49] : memref<2560x128xi32, #tpu.memory_space<hbm>> -> memref<80x128xi32, #tpu.memory_space<hbm>>
      %dma_wait3A_51 = arith.constant 0 : i32
      %dma_wait3A_52 = tpu.memref_slice %arg4[%mul3A_8, %dma_wait3A_51] : memref<2560x128xi32, #tpu.memory_space<hbm>> -> memref<80x128xi32, #tpu.memory_space<hbm>>
      tpu.wait_dma2 semaphore(%run_scoped3A : memref<!tpu.dma_semaphore, #tpu.memory_space<semaphore_mem>>) src(%dma_wait3A_52 : memref<80x128xi32, #tpu.memory_space<hbm>>) dst(%arg8 : memref<80x128xi32, #tpu.memory_space<vmem>>)
      tpu.yield
    }) : () -> ()
    %barrier3A = arith.constant 0 : index
    tpu.barrier barrier_id(%barrier3A)
    %dma_start3A = arith.constant 0 : i32
    %dma_start3A_9 = arith.constant 0 : i32
    %dma_start3A_10 = tpu.memref_slice %arg7[%dma_start3A, %dma_start3A_9] : memref<80x128xi32, #tpu.memory_space<vmem>> -> memref<1x128xi32, #tpu.memory_space<vmem>>
    %dma_start3A_11 = tpu.memref_squeeze %dma_start3A_10 : memref<1x128xi32, #tpu.memory_space<vmem>> -> memref<128xi32, #tpu.memory_space<vmem>>
    %dma_start3A_12 = arith.constant 0 : i32
    %dma_start3A_13 = arith.constant 0 : i32
    %dma_start3A_14 = tpu.memref_slice %arg2[%dma_start3A_12, %dma_start3A_13] : memref<10000x64xf32, #tpu.memory_space<hbm>> -> memref<10000x64xf32, #tpu.memory_space<hbm>>
    tpu.enqueue_indirect_dma source(%dma_start3A_14 : memref<10000x64xf32, #tpu.memory_space<hbm>>) target(%arg9 : memref<128x64xf32, #tpu.memory_space<vmem>>) offsets(%dma_start3A_11 : memref<128xi32, #tpu.memory_space<vmem>>) semaphore(%arg13 : memref<!tpu.dma_semaphore, #tpu.memory_space<semaphore_mem>>)
    %dma_start3A_15 = arith.constant 1 : i32
    %dma_start3A_16 = arith.constant 0 : i32
    %dma_start3A_17 = tpu.memref_slice %arg7[%dma_start3A_15, %dma_start3A_16] : memref<80x128xi32, #tpu.memory_space<vmem>> -> memref<1x128xi32, #tpu.memory_space<vmem>>
    %dma_start3A_18 = tpu.memref_squeeze %dma_start3A_17 : memref<1x128xi32, #tpu.memory_space<vmem>> -> memref<128xi32, #tpu.memory_space<vmem>>
    %dma_start3A_19 = arith.constant 0 : i32
    %dma_start3A_20 = arith.constant 0 : i32
    %dma_start3A_21 = tpu.memref_slice %arg2[%dma_start3A_19, %dma_start3A_20] : memref<10000x64xf32, #tpu.memory_space<hbm>> -> memref<10000x64xf32, #tpu.memory_space<hbm>>
    tpu.enqueue_indirect_dma source(%dma_start3A_21 : memref<10000x64xf32, #tpu.memory_space<hbm>>) target(%arg10 : memref<128x64xf32, #tpu.memory_space<vmem>>) offsets(%dma_start3A_18 : memref<128xi32, #tpu.memory_space<vmem>>) semaphore(%arg14 : memref<!tpu.dma_semaphore, #tpu.memory_space<semaphore_mem>>)
    %scan3A = arith.constant 0 : i32
    %scan3A_22 = arith.constant 0 : i32
    %scan3A_23 = arith.constant 20 : i32
    %scan3A_24 = arith.addi %scan3A_22, %scan3A_23 : i32
    %scan3A_25 = arith.constant 1 : i32
    scf.for %scan3A_45 = %scan3A_22 to %scan3A_24 step %scan3A_25  : i32 {
      %mul3A_46 = arith.constant 4 : i32
      %mul3A_47 = arith.muli %scan3A_45, %mul3A_46 : i32
      %add3A_48 = arith.constant 0 : i32
      %add3A_49 = arith.addi %mul3A_47, %add3A_48 : i32
      %dma_wait3A_50 = arith.constant 0 : i32
      %dma_wait3A_51 = tpu.memref_slice %arg7[%add3A_49, %dma_wait3A_50] : memref<80x128xi32, #tpu.memory_space<vmem>> -> memref<1x128xi32, #tpu.memory_space<vmem>>
      %dma_wait3A_52 = tpu.memref_squeeze %dma_wait3A_51 : memref<1x128xi32, #tpu.memory_space<vmem>> -> memref<128xi32, #tpu.memory_space<vmem>>
      %dma_wait3A_53 = arith.constant 0 : i32
      %dma_wait3A_54 = arith.constant 0 : i32
      %dma_wait3A_55 = tpu.memref_slice %arg2[%dma_wait3A_53, %dma_wait3A_54] : memref<10000x64xf32, #tpu.memory_space<hbm>> -> memref<10000x64xf32, #tpu.memory_space<hbm>>
      tpu.wait_indirect_dma semaphore(%arg13 : memref<!tpu.dma_semaphore, #tpu.memory_space<semaphore_mem>>) src(%dma_wait3A_55 : memref<10000x64xf32, #tpu.memory_space<hbm>>) dst(%arg9 : memref<128x64xf32, #tpu.memory_space<vmem>>)
      %ge3A = arith.constant 2 : i32
      %ge3A_56 = arith.cmpi sge, %add3A_49, %ge3A : i32
      %convert_element_type3A = arith.extui %ge3A_56 : i1 to i32
      %cond3A = arith.constant 0 : i32
      %cond3A_57 = arith.cmpi ne, %convert_element_type3A, %cond3A : i32
      scf.if %cond3A_57 {
        %dma_wait3A_154 = arith.constant 0 : i32
        %dma_wait3A_155 = tpu.memref_slice %arg8[%add3A_49, %dma_wait3A_154] : memref<80x128xi32, #tpu.memory_space<vmem>> -> memref<1x128xi32, #tpu.memory_space<vmem>>
        %dma_wait3A_156 = tpu.memref_squeeze %dma_wait3A_155 : memref<1x128xi32, #tpu.memory_space<vmem>> -> memref<128xi32, #tpu.memory_space<vmem>>
        %dma_wait3A_157 = arith.constant 0 : i32
        %dma_wait3A_158 = arith.constant 0 : i32
        %dma_wait3A_159 = tpu.memref_slice %arg21[%dma_wait3A_157, %dma_wait3A_158] : memref<10112x64xf32, #tpu.memory_space<vmem_shared>> -> memref<10112x64xf32, #tpu.memory_space<vmem_shared>>
        tpu.wait_indirect_dma semaphore(%arg19 : memref<!tpu.dma_semaphore, #tpu.memory_space<semaphore_mem>>) src(%arg11 : memref<128x64xf32, #tpu.memory_space<vmem>>) dst(%dma_wait3A_159 : memref<10112x64xf32, #tpu.memory_space<vmem_shared>>)
      } else {
      }
      %dma_start3A_58 = arith.constant 0 : i32
      %dma_start3A_59 = tpu.memref_slice %arg8[%add3A_49, %dma_start3A_58] : memref<80x128xi32, #tpu.memory_space<vmem>> -> memref<1x128xi32, #tpu.memory_space<vmem>>
      %dma_start3A_60 = tpu.memref_squeeze %dma_start3A_59 : memref<1x128xi32, #tpu.memory_space<vmem>> -> memref<128xi32, #tpu.memory_space<vmem>>
      %dma_start3A_61 = arith.constant 0 : i32
      %dma_start3A_62 = arith.constant 0 : i32
      %dma_start3A_63 = tpu.memref_slice %arg21[%dma_start3A_61, %dma_start3A_62] : memref<10112x64xf32, #tpu.memory_space<vmem_shared>> -> memref<10112x64xf32, #tpu.memory_space<vmem_shared>>
      tpu.enqueue_indirect_dma source(%arg9 : memref<128x64xf32, #tpu.memory_space<vmem>>) target(%dma_start3A_63 : memref<10112x64xf32, #tpu.memory_space<vmem_shared>>) offsets(%dma_start3A_60 : memref<128xi32, #tpu.memory_space<vmem>>) semaphore(%arg17 : memref<!tpu.dma_semaphore, #tpu.memory_space<semaphore_mem>>) {add = true}
      %add3A_64 = arith.constant 2 : i32
      %add3A_65 = arith.addi %add3A_49, %add3A_64 : i32
      %lt3A = arith.constant 80 : i32
      %lt3A_66 = arith.cmpi slt, %add3A_65, %lt3A : i32
      %convert_element_type3A_67 = arith.extui %lt3A_66 : i1 to i32
      %cond3A_68 = arith.constant 0 : i32
      %cond3A_69 = arith.cmpi ne, %convert_element_type3A_67, %cond3A_68 : i32
      scf.if %cond3A_69 {
        %add3A_154 = arith.constant 2 : i32
        %add3A_155 = arith.addi %add3A_49, %add3A_154 : i32
        %dma_start3A_156 = arith.constant 0 : i32
        %dma_start3A_157 = tpu.memref_slice %arg7[%add3A_155, %dma_start3A_156] : memref<80x128xi32, #tpu.memory_space<vmem>> -> memref<1x128xi32, #tpu.memory_space<vmem>>
        %dma_start3A_158 = tpu.memref_squeeze %dma_start3A_157 : memref<1x128xi32, #tpu.memory_space<vmem>> -> memref<128xi32, #tpu.memory_space<vmem>>
        %dma_start3A_159 = arith.constant 0 : i32
        %dma_start3A_160 = arith.constant 0 : i32
        %dma_start3A_161 = tpu.memref_slice %arg2[%dma_start3A_159, %dma_start3A_160] : memref<10000x64xf32, #tpu.memory_space<hbm>> -> memref<10000x64xf32, #tpu.memory_space<hbm>>
        tpu.enqueue_indirect_dma source(%dma_start3A_161 : memref<10000x64xf32, #tpu.memory_space<hbm>>) target(%arg11 : memref<128x64xf32, #tpu.memory_space<vmem>>) offsets(%dma_start3A_158 : memref<128xi32, #tpu.memory_space<vmem>>) semaphore(%arg15 : memref<!tpu.dma_semaphore, #tpu.memory_space<semaphore_mem>>)
      } else {
      }
      %mul3A_70 = arith.constant 4 : i32
      %mul3A_71 = arith.muli %scan3A_45, %mul3A_70 : i32
      %add3A_72 = arith.constant 1 : i32
      %add3A_73 = arith.addi %mul3A_71, %add3A_72 : i32
      %dma_wait3A_74 = arith.constant 0 : i32
      %dma_wait3A_75 = tpu.memref_slice %arg7[%add3A_73, %dma_wait3A_74] : memref<80x128xi32, #tpu.memory_space<vmem>> -> memref<1x128xi32, #tpu.memory_space<vmem>>
      %dma_wait3A_76 = tpu.memref_squeeze %dma_wait3A_75 : memref<1x128xi32, #tpu.memory_space<vmem>> -> memref<128xi32, #tpu.memory_space<vmem>>
      %dma_wait3A_77 = arith.constant 0 : i32
      %dma_wait3A_78 = arith.constant 0 : i32
      %dma_wait3A_79 = tpu.memref_slice %arg2[%dma_wait3A_77, %dma_wait3A_78] : memref<10000x64xf32, #tpu.memory_space<hbm>> -> memref<10000x64xf32, #tpu.memory_space<hbm>>
      tpu.wait_indirect_dma semaphore(%arg14 : memref<!tpu.dma_semaphore, #tpu.memory_space<semaphore_mem>>) src(%dma_wait3A_79 : memref<10000x64xf32, #tpu.memory_space<hbm>>) dst(%arg10 : memref<128x64xf32, #tpu.memory_space<vmem>>)
      %ge3A_80 = arith.constant 2 : i32
      %ge3A_81 = arith.cmpi sge, %add3A_73, %ge3A_80 : i32
      %convert_element_type3A_82 = arith.extui %ge3A_81 : i1 to i32
      %cond3A_83 = arith.constant 0 : i32
      %cond3A_84 = arith.cmpi ne, %convert_element_type3A_82, %cond3A_83 : i32
      scf.if %cond3A_84 {
        %dma_wait3A_154 = arith.constant 0 : i32
        %dma_wait3A_155 = tpu.memref_slice %arg8[%add3A_73, %dma_wait3A_154] : memref<80x128xi32, #tpu.memory_space<vmem>> -> memref<1x128xi32, #tpu.memory_space<vmem>>
        %dma_wait3A_156 = tpu.memref_squeeze %dma_wait3A_155 : memref<1x128xi32, #tpu.memory_space<vmem>> -> memref<128xi32, #tpu.memory_space<vmem>>
        %dma_wait3A_157 = arith.constant 0 : i32
        %dma_wait3A_158 = arith.constant 0 : i32
        %dma_wait3A_159 = tpu.memref_slice %arg21[%dma_wait3A_157, %dma_wait3A_158] : memref<10112x64xf32, #tpu.memory_space<vmem_shared>> -> memref<10112x64xf32, #tpu.memory_space<vmem_shared>>
        tpu.wait_indirect_dma semaphore(%arg20 : memref<!tpu.dma_semaphore, #tpu.memory_space<semaphore_mem>>) src(%arg12 : memref<128x64xf32, #tpu.memory_space<vmem>>) dst(%dma_wait3A_159 : memref<10112x64xf32, #tpu.memory_space<vmem_shared>>)
      } else {
      }
      %dma_start3A_85 = arith.constant 0 : i32
      %dma_start3A_86 = tpu.memref_slice %arg8[%add3A_73, %dma_start3A_85] : memref<80x128xi32, #tpu.memory_space<vmem>> -> memref<1x128xi32, #tpu.memory_space<vmem>>
      %dma_start3A_87 = tpu.memref_squeeze %dma_start3A_86 : memref<1x128xi32, #tpu.memory_space<vmem>> -> memref<128xi32, #tpu.memory_space<vmem>>
      %dma_start3A_88 = arith.constant 0 : i32
      %dma_start3A_89 = arith.constant 0 : i32
      %dma_start3A_90 = tpu.memref_slice %arg21[%dma_start3A_88, %dma_start3A_89] : memref<10112x64xf32, #tpu.memory_space<vmem_shared>> -> memref<10112x64xf32, #tpu.memory_space<vmem_shared>>
      tpu.enqueue_indirect_dma source(%arg10 : memref<128x64xf32, #tpu.memory_space<vmem>>) target(%dma_start3A_90 : memref<10112x64xf32, #tpu.memory_space<vmem_shared>>) offsets(%dma_start3A_87 : memref<128xi32, #tpu.memory_space<vmem>>) semaphore(%arg18 : memref<!tpu.dma_semaphore, #tpu.memory_space<semaphore_mem>>) {add = true}
      %add3A_91 = arith.constant 2 : i32
      %add3A_92 = arith.addi %add3A_73, %add3A_91 : i32
      %lt3A_93 = arith.constant 80 : i32
      %lt3A_94 = arith.cmpi slt, %add3A_92, %lt3A_93 : i32
      %convert_element_type3A_95 = arith.extui %lt3A_94 : i1 to i32
      %cond3A_96 = arith.constant 0 : i32
      %cond3A_97 = arith.cmpi ne, %convert_element_type3A_95, %cond3A_96 : i32
      scf.if %cond3A_97 {
        %add3A_154 = arith.constant 2 : i32
        %add3A_155 = arith.addi %add3A_73, %add3A_154 : i32
        %dma_start3A_156 = arith.constant 0 : i32
        %dma_start3A_157 = tpu.memref_slice %arg7[%add3A_155, %dma_start3A_156] : memref<80x128xi32, #tpu.memory_space<vmem>> -> memref<1x128xi32, #tpu.memory_space<vmem>>
        %dma_start3A_158 = tpu.memref_squeeze %dma_start3A_157 : memref<1x128xi32, #tpu.memory_space<vmem>> -> memref<128xi32, #tpu.memory_space<vmem>>
        %dma_start3A_159 = arith.constant 0 : i32
        %dma_start3A_160 = arith.constant 0 : i32
        %dma_start3A_161 = tpu.memref_slice %arg2[%dma_start3A_159, %dma_start3A_160] : memref<10000x64xf32, #tpu.memory_space<hbm>> -> memref<10000x64xf32, #tpu.memory_space<hbm>>
        tpu.enqueue_indirect_dma source(%dma_start3A_161 : memref<10000x64xf32, #tpu.memory_space<hbm>>) target(%arg12 : memref<128x64xf32, #tpu.memory_space<vmem>>) offsets(%dma_start3A_158 : memref<128xi32, #tpu.memory_space<vmem>>) semaphore(%arg16 : memref<!tpu.dma_semaphore, #tpu.memory_space<semaphore_mem>>)
      } else {
      }
      %mul3A_98 = arith.constant 4 : i32
      %mul3A_99 = arith.muli %scan3A_45, %mul3A_98 : i32
      %add3A_100 = arith.constant 2 : i32
      %add3A_101 = arith.addi %mul3A_99, %add3A_100 : i32
      %dma_wait3A_102 = arith.constant 0 : i32
      %dma_wait3A_103 = tpu.memref_slice %arg7[%add3A_101, %dma_wait3A_102] : memref<80x128xi32, #tpu.memory_space<vmem>> -> memref<1x128xi32, #tpu.memory_space<vmem>>
      %dma_wait3A_104 = tpu.memref_squeeze %dma_wait3A_103 : memref<1x128xi32, #tpu.memory_space<vmem>> -> memref<128xi32, #tpu.memory_space<vmem>>
      %dma_wait3A_105 = arith.constant 0 : i32
      %dma_wait3A_106 = arith.constant 0 : i32
      %dma_wait3A_107 = tpu.memref_slice %arg2[%dma_wait3A_105, %dma_wait3A_106] : memref<10000x64xf32, #tpu.memory_space<hbm>> -> memref<10000x64xf32, #tpu.memory_space<hbm>>
      tpu.wait_indirect_dma semaphore(%arg15 : memref<!tpu.dma_semaphore, #tpu.memory_space<semaphore_mem>>) src(%dma_wait3A_107 : memref<10000x64xf32, #tpu.memory_space<hbm>>) dst(%arg11 : memref<128x64xf32, #tpu.memory_space<vmem>>)
      %ge3A_108 = arith.constant 2 : i32
      %ge3A_109 = arith.cmpi sge, %add3A_101, %ge3A_108 : i32
      %convert_element_type3A_110 = arith.extui %ge3A_109 : i1 to i32
      %cond3A_111 = arith.constant 0 : i32
      %cond3A_112 = arith.cmpi ne, %convert_element_type3A_110, %cond3A_111 : i32
      scf.if %cond3A_112 {
        %dma_wait3A_154 = arith.constant 0 : i32
        %dma_wait3A_155 = tpu.memref_slice %arg8[%add3A_101, %dma_wait3A_154] : memref<80x128xi32, #tpu.memory_space<vmem>> -> memref<1x128xi32, #tpu.memory_space<vmem>>
        %dma_wait3A_156 = tpu.memref_squeeze %dma_wait3A_155 : memref<1x128xi32, #tpu.memory_space<vmem>> -> memref<128xi32, #tpu.memory_space<vmem>>
        %dma_wait3A_157 = arith.constant 0 : i32
        %dma_wait3A_158 = arith.constant 0 : i32
        %dma_wait3A_159 = tpu.memref_slice %arg21[%dma_wait3A_157, %dma_wait3A_158] : memref<10112x64xf32, #tpu.memory_space<vmem_shared>> -> memref<10112x64xf32, #tpu.memory_space<vmem_shared>>
        tpu.wait_indirect_dma semaphore(%arg17 : memref<!tpu.dma_semaphore, #tpu.memory_space<semaphore_mem>>) src(%arg9 : memref<128x64xf32, #tpu.memory_space<vmem>>) dst(%dma_wait3A_159 : memref<10112x64xf32, #tpu.memory_space<vmem_shared>>)
      } else {
      }
      %dma_start3A_113 = arith.constant 0 : i32
      %dma_start3A_114 = tpu.memref_slice %arg8[%add3A_101, %dma_start3A_113] : memref<80x128xi32, #tpu.memory_space<vmem>> -> memref<1x128xi32, #tpu.memory_space<vmem>>
      %dma_start3A_115 = tpu.memref_squeeze %dma_start3A_114 : memref<1x128xi32, #tpu.memory_space<vmem>> -> memref<128xi32, #tpu.memory_space<vmem>>
      %dma_start3A_116 = arith.constant 0 : i32
      %dma_start3A_117 = arith.constant 0 : i32
      %dma_start3A_118 = tpu.memref_slice %arg21[%dma_start3A_116, %dma_start3A_117] : memref<10112x64xf32, #tpu.memory_space<vmem_shared>> -> memref<10112x64xf32, #tpu.memory_space<vmem_shared>>
      tpu.enqueue_indirect_dma source(%arg11 : memref<128x64xf32, #tpu.memory_space<vmem>>) target(%dma_start3A_118 : memref<10112x64xf32, #tpu.memory_space<vmem_shared>>) offsets(%dma_start3A_115 : memref<128xi32, #tpu.memory_space<vmem>>) semaphore(%arg19 : memref<!tpu.dma_semaphore, #tpu.memory_space<semaphore_mem>>) {add = true}
      %add3A_119 = arith.constant 2 : i32
      %add3A_120 = arith.addi %add3A_101, %add3A_119 : i32
      %lt3A_121 = arith.constant 80 : i32
      %lt3A_122 = arith.cmpi slt, %add3A_120, %lt3A_121 : i32
      %convert_element_type3A_123 = arith.extui %lt3A_122 : i1 to i32
      %cond3A_124 = arith.constant 0 : i32
      %cond3A_125 = arith.cmpi ne, %convert_element_type3A_123, %cond3A_124 : i32
      scf.if %cond3A_125 {
        %add3A_154 = arith.constant 2 : i32
        %add3A_155 = arith.addi %add3A_101, %add3A_154 : i32
        %dma_start3A_156 = arith.constant 0 : i32
        %dma_start3A_157 = tpu.memref_slice %arg7[%add3A_155, %dma_start3A_156] : memref<80x128xi32, #tpu.memory_space<vmem>> -> memref<1x128xi32, #tpu.memory_space<vmem>>
        %dma_start3A_158 = tpu.memref_squeeze %dma_start3A_157 : memref<1x128xi32, #tpu.memory_space<vmem>> -> memref<128xi32, #tpu.memory_space<vmem>>
        %dma_start3A_159 = arith.constant 0 : i32
        %dma_start3A_160 = arith.constant 0 : i32
        %dma_start3A_161 = tpu.memref_slice %arg2[%dma_start3A_159, %dma_start3A_160] : memref<10000x64xf32, #tpu.memory_space<hbm>> -> memref<10000x64xf32, #tpu.memory_space<hbm>>
        tpu.enqueue_indirect_dma source(%dma_start3A_161 : memref<10000x64xf32, #tpu.memory_space<hbm>>) target(%arg9 : memref<128x64xf32, #tpu.memory_space<vmem>>) offsets(%dma_start3A_158 : memref<128xi32, #tpu.memory_space<vmem>>) semaphore(%arg13 : memref<!tpu.dma_semaphore, #tpu.memory_space<semaphore_mem>>)
      } else {
      }
      %mul3A_126 = arith.constant 4 : i32
      %mul3A_127 = arith.muli %scan3A_45, %mul3A_126 : i32
      %add3A_128 = arith.constant 3 : i32
      %add3A_129 = arith.addi %mul3A_127, %add3A_128 : i32
      %dma_wait3A_130 = arith.constant 0 : i32
      %dma_wait3A_131 = tpu.memref_slice %arg7[%add3A_129, %dma_wait3A_130] : memref<80x128xi32, #tpu.memory_space<vmem>> -> memref<1x128xi32, #tpu.memory_space<vmem>>
      %dma_wait3A_132 = tpu.memref_squeeze %dma_wait3A_131 : memref<1x128xi32, #tpu.memory_space<vmem>> -> memref<128xi32, #tpu.memory_space<vmem>>
      %dma_wait3A_133 = arith.constant 0 : i32
      %dma_wait3A_134 = arith.constant 0 : i32
      %dma_wait3A_135 = tpu.memref_slice %arg2[%dma_wait3A_133, %dma_wait3A_134] : memref<10000x64xf32, #tpu.memory_space<hbm>> -> memref<10000x64xf32, #tpu.memory_space<hbm>>
      tpu.wait_indirect_dma semaphore(%arg16 : memref<!tpu.dma_semaphore, #tpu.memory_space<semaphore_mem>>) src(%dma_wait3A_135 : memref<10000x64xf32, #tpu.memory_space<hbm>>) dst(%arg12 : memref<128x64xf32, #tpu.memory_space<vmem>>)
      %ge3A_136 = arith.constant 2 : i32
      %ge3A_137 = arith.cmpi sge, %add3A_129, %ge3A_136 : i32
      %convert_element_type3A_138 = arith.extui %ge3A_137 : i1 to i32
      %cond3A_139 = arith.constant 0 : i32
      %cond3A_140 = arith.cmpi ne, %convert_element_type3A_138, %cond3A_139 : i32
      scf.if %cond3A_140 {
        %dma_wait3A_154 = arith.constant 0 : i32
        %dma_wait3A_155 = tpu.memref_slice %arg8[%add3A_129, %dma_wait3A_154] : memref<80x128xi32, #tpu.memory_space<vmem>> -> memref<1x128xi32, #tpu.memory_space<vmem>>
        %dma_wait3A_156 = tpu.memref_squeeze %dma_wait3A_155 : memref<1x128xi32, #tpu.memory_space<vmem>> -> memref<128xi32, #tpu.memory_space<vmem>>
        %dma_wait3A_157 = arith.constant 0 : i32
        %dma_wait3A_158 = arith.constant 0 : i32
        %dma_wait3A_159 = tpu.memref_slice %arg21[%dma_wait3A_157, %dma_wait3A_158] : memref<10112x64xf32, #tpu.memory_space<vmem_shared>> -> memref<10112x64xf32, #tpu.memory_space<vmem_shared>>
        tpu.wait_indirect_dma semaphore(%arg18 : memref<!tpu.dma_semaphore, #tpu.memory_space<semaphore_mem>>) src(%arg10 : memref<128x64xf32, #tpu.memory_space<vmem>>) dst(%dma_wait3A_159 : memref<10112x64xf32, #tpu.memory_space<vmem_shared>>)
      } else {
      }
      %dma_start3A_141 = arith.constant 0 : i32
      %dma_start3A_142 = tpu.memref_slice %arg8[%add3A_129, %dma_start3A_141] : memref<80x128xi32, #tpu.memory_space<vmem>> -> memref<1x128xi32, #tpu.memory_space<vmem>>
      %dma_start3A_143 = tpu.memref_squeeze %dma_start3A_142 : memref<1x128xi32, #tpu.memory_space<vmem>> -> memref<128xi32, #tpu.memory_space<vmem>>
      %dma_start3A_144 = arith.constant 0 : i32
      %dma_start3A_145 = arith.constant 0 : i32
      %dma_start3A_146 = tpu.memref_slice %arg21[%dma_start3A_144, %dma_start3A_145] : memref<10112x64xf32, #tpu.memory_space<vmem_shared>> -> memref<10112x64xf32, #tpu.memory_space<vmem_shared>>
      tpu.enqueue_indirect_dma source(%arg12 : memref<128x64xf32, #tpu.memory_space<vmem>>) target(%dma_start3A_146 : memref<10112x64xf32, #tpu.memory_space<vmem_shared>>) offsets(%dma_start3A_143 : memref<128xi32, #tpu.memory_space<vmem>>) semaphore(%arg20 : memref<!tpu.dma_semaphore, #tpu.memory_space<semaphore_mem>>) {add = true}
      %add3A_147 = arith.constant 2 : i32
      %add3A_148 = arith.addi %add3A_129, %add3A_147 : i32
      %lt3A_149 = arith.constant 80 : i32
      %lt3A_150 = arith.cmpi slt, %add3A_148, %lt3A_149 : i32
      %convert_element_type3A_151 = arith.extui %lt3A_150 : i1 to i32
      %cond3A_152 = arith.constant 0 : i32
      %cond3A_153 = arith.cmpi ne, %convert_element_type3A_151, %cond3A_152 : i32
      scf.if %cond3A_153 {
        %add3A_154 = arith.constant 2 : i32
        %add3A_155 = arith.addi %add3A_129, %add3A_154 : i32
        %dma_start3A_156 = arith.constant 0 : i32
        %dma_start3A_157 = tpu.memref_slice %arg7[%add3A_155, %dma_start3A_156] : memref<80x128xi32, #tpu.memory_space<vmem>> -> memref<1x128xi32, #tpu.memory_space<vmem>>
        %dma_start3A_158 = tpu.memref_squeeze %dma_start3A_157 : memref<1x128xi32, #tpu.memory_space<vmem>> -> memref<128xi32, #tpu.memory_space<vmem>>
        %dma_start3A_159 = arith.constant 0 : i32
        %dma_start3A_160 = arith.constant 0 : i32
        %dma_start3A_161 = tpu.memref_slice %arg2[%dma_start3A_159, %dma_start3A_160] : memref<10000x64xf32, #tpu.memory_space<hbm>> -> memref<10000x64xf32, #tpu.memory_space<hbm>>
        tpu.enqueue_indirect_dma source(%dma_start3A_161 : memref<10000x64xf32, #tpu.memory_space<hbm>>) target(%arg10 : memref<128x64xf32, #tpu.memory_space<vmem>>) offsets(%dma_start3A_158 : memref<128xi32, #tpu.memory_space<vmem>>) semaphore(%arg14 : memref<!tpu.dma_semaphore, #tpu.memory_space<semaphore_mem>>)
      } else {
      }
    }
    %scan3A_26 = arith.constant 20 : i32
    %dma_wait3A = arith.constant 0 : i32
    %dma_wait3A_27 = arith.constant 0 : i32
    %dma_wait3A_28 = tpu.memref_slice %arg8[%dma_wait3A, %dma_wait3A_27] : memref<80x128xi32, #tpu.memory_space<vmem>> -> memref<1x128xi32, #tpu.memory_space<vmem>>
    %dma_wait3A_29 = tpu.memref_squeeze %dma_wait3A_28 : memref<1x128xi32, #tpu.memory_space<vmem>> -> memref<128xi32, #tpu.memory_space<vmem>>
    %dma_wait3A_30 = arith.constant 0 : i32
    %dma_wait3A_31 = arith.constant 0 : i32
    %dma_wait3A_32 = tpu.memref_slice %arg21[%dma_wait3A_30, %dma_wait3A_31] : memref<10112x64xf32, #tpu.memory_space<vmem_shared>> -> memref<10112x64xf32, #tpu.memory_space<vmem_shared>>
    tpu.wait_indirect_dma semaphore(%arg19 : memref<!tpu.dma_semaphore, #tpu.memory_space<semaphore_mem>>) src(%arg11 : memref<128x64xf32, #tpu.memory_space<vmem>>) dst(%dma_wait3A_32 : memref<10112x64xf32, #tpu.memory_space<vmem_shared>>)
    %dma_wait3A_33 = arith.constant 0 : i32
    %dma_wait3A_34 = arith.constant 0 : i32
    %dma_wait3A_35 = tpu.memref_slice %arg8[%dma_wait3A_33, %dma_wait3A_34] : memref<80x128xi32, #tpu.memory_space<vmem>> -> memref<1x128xi32, #tpu.memory_space<vmem>>
    %dma_wait3A_36 = tpu.memref_squeeze %dma_wait3A_35 : memref<1x128xi32, #tpu.memory_space<vmem>> -> memref<128xi32, #tpu.memory_space<vmem>>
    %dma_wait3A_37 = arith.constant 0 : i32
    %dma_wait3A_38 = arith.constant 0 : i32
    %dma_wait3A_39 = tpu.memref_slice %arg21[%dma_wait3A_37, %dma_wait3A_38] : memref<10112x64xf32, #tpu.memory_space<vmem_shared>> -> memref<10112x64xf32, #tpu.memory_space<vmem_shared>>
    tpu.wait_indirect_dma semaphore(%arg20 : memref<!tpu.dma_semaphore, #tpu.memory_space<semaphore_mem>>) src(%arg12 : memref<128x64xf32, #tpu.memory_space<vmem>>) dst(%dma_wait3A_39 : memref<10112x64xf32, #tpu.memory_space<vmem_shared>>)
    %barrier3A_40 = arith.constant 0 : index
    tpu.barrier barrier_id(%barrier3A_40)
    %mul3A_41 = arith.constant 632 : i32
    %mul3A_42 = arith.muli %arg1, %mul3A_41 : i32
    %mul3A_43 = arith.constant 632 : i32
    %mul3A_44 = arith.muli %arg1, %mul3A_43 : i32
    "tpu.region"() ({
      %run_scoped3A = tpu.sem_alloc : memref<!tpu.dma_semaphore, #tpu.memory_space<semaphore_mem>>
      %dma_start3A_45 = arith.constant 0 : i32
      %dma_start3A_46 = tpu.memref_slice %arg6[%arg0, %mul3A_44, %dma_start3A_45] : memref<2x10112x64xf32, #tpu.memory_space<hbm>> -> memref<1x632x64xf32, #tpu.memory_space<hbm>>
      %dma_start3A_47 = tpu.memref_squeeze %dma_start3A_46 : memref<1x632x64xf32, #tpu.memory_space<hbm>> -> memref<632x64xf32, #tpu.memory_space<hbm>>
      %dma_start3A_48 = arith.constant 0 : i32
      %dma_start3A_49 = tpu.memref_slice %arg21[%mul3A_42, %dma_start3A_48] : memref<10112x64xf32, #tpu.memory_space<vmem_shared>> -> memref<632x64xf32, #tpu.memory_space<vmem_shared>>
      tpu.enqueue_dma source(%dma_start3A_49 : memref<632x64xf32, #tpu.memory_space<vmem_shared>>) target(%dma_start3A_47 : memref<632x64xf32, #tpu.memory_space<hbm>>) target_semaphore(%run_scoped3A : memref<!tpu.dma_semaphore, #tpu.memory_space<semaphore_mem>>)
      %dma_wait3A_50 = arith.constant 0 : i32
      %dma_wait3A_51 = tpu.memref_slice %arg6[%arg0, %mul3A_44, %dma_wait3A_50] : memref<2x10112x64xf32, #tpu.memory_space<hbm>> -> memref<1x632x64xf32, #tpu.memory_space<hbm>>
      %dma_wait3A_52 = tpu.memref_squeeze %dma_wait3A_51 : memref<1x632x64xf32, #tpu.memory_space<hbm>> -> memref<632x64xf32, #tpu.memory_space<hbm>>
      %dma_wait3A_53 = arith.constant 0 : i32
      %dma_wait3A_54 = tpu.memref_slice %arg21[%mul3A_42, %dma_wait3A_53] : memref<10112x64xf32, #tpu.memory_space<vmem_shared>> -> memref<632x64xf32, #tpu.memory_space<vmem_shared>>
      tpu.wait_dma2 semaphore(%run_scoped3A : memref<!tpu.dma_semaphore, #tpu.memory_space<semaphore_mem>>) src(%dma_wait3A_54 : memref<632x64xf32, #tpu.memory_space<vmem_shared>>) dst(%dma_wait3A_52 : memref<632x64xf32, #tpu.memory_space<hbm>>)
      tpu.yield
    }) : () -> ()
    return
  }
}

#map = affine_map<(d0, d1) -> (0, 0)>
#map1 = affine_map<(d0, d1) -> (0, 0, 0)>
module attributes {stable_mosaic.version = 14 : i64} {
  func.func @_sc_propagate(%arg0: i32, %arg1: i32, %arg2: memref<10000x64xf32, #tpu.memory_space<hbm>>, %arg3: memref<2560x128xi32, #tpu.memory_space<hbm>>, %arg4: memref<2560x128xi32, #tpu.memory_space<hbm>>, %arg5: memref<10112x64xf32, #tpu.memory_space<hbm>>, %arg6: memref<2x10112x64xf32, #tpu.memory_space<hbm>>, %arg7: memref<80x128xi32, #tpu.memory_space<vmem>>, %arg8: memref<80x128xi32, #tpu.memory_space<vmem>>, %arg9: memref<128x64xf32, #tpu.memory_space<vmem>>, %arg10: memref<128x64xf32, #tpu.memory_space<vmem>>, %arg11: memref<128x64xf32, #tpu.memory_space<vmem>>, %arg12: memref<128x64xf32, #tpu.memory_space<vmem>>, %arg13: memref<!tpu.dma_semaphore, #tpu.memory_space<semaphore_mem>>, %arg14: memref<!tpu.dma_semaphore, #tpu.memory_space<semaphore_mem>>, %arg15: memref<!tpu.dma_semaphore, #tpu.memory_space<semaphore_mem>>, %arg16: memref<!tpu.dma_semaphore, #tpu.memory_space<semaphore_mem>>, %arg17: memref<!tpu.dma_semaphore, #tpu.memory_space<semaphore_mem>>, %arg18: memref<!tpu.dma_semaphore, #tpu.memory_space<semaphore_mem>>, %arg19: memref<!tpu.dma_semaphore, #tpu.memory_space<semaphore_mem>>, %arg20: memref<!tpu.dma_semaphore, #tpu.memory_space<semaphore_mem>>, %arg21: memref<10112x64xf32, #tpu.memory_space<vmem_shared>>) attributes {dimension_semantics = [#tpu.dimension_semantics<core_parallel>, #tpu.dimension_semantics<subcore_parallel>], iteration_bounds = array<i64: 2, 16>, scalar_prefetch = 0 : i64, scratch_operands = 15 : i64, tpu.core_type = #tpu.core_type<sc_vector_subcore>, window_params = [{transform_indices = #map}, {transform_indices = #map}, {transform_indices = #map}, {transform_indices = #map}, {transform_indices = #map1}]} {
    %mul3A = arith.constant 16 : i32
    %mul3A_0 = arith.muli %arg0, %mul3A : i32
    %add3A = arith.addi %mul3A_0, %arg1 : i32
    %mul3A_1 = arith.constant 632 : i32
    %mul3A_2 = arith.muli %arg1, %mul3A_1 : i32
    %mul3A_3 = arith.constant 632 : i32
    %mul3A_4 = arith.muli %arg1, %mul3A_3 : i32
    "tpu.region"() ({
      %run_scoped3A = tpu.sem_alloc : memref<!tpu.dma_semaphore, #tpu.memory_space<semaphore_mem>>
      %dma_start3A_45 = arith.constant 0 : i32
      %dma_start3A_46 = tpu.memref_slice %arg21[%mul3A_4, %dma_start3A_45] : memref<10112x64xf32, #tpu.memory_space<vmem_shared>> -> memref<632x64xf32, #tpu.memory_space<vmem_shared>>
      %dma_start3A_47 = arith.constant 0 : i32
      %dma_start3A_48 = tpu.memref_slice %arg5[%mul3A_2, %dma_start3A_47] : memref<10112x64xf32, #tpu.memory_space<hbm>> -> memref<632x64xf32, #tpu.memory_space<hbm>>
      tpu.enqueue_dma source(%dma_start3A_48 : memref<632x64xf32, #tpu.memory_space<hbm>>) target(%dma_start3A_46 : memref<632x64xf32, #tpu.memory_space<vmem_shared>>) target_semaphore(%run_scoped3A : memref<!tpu.dma_semaphore, #tpu.memory_space<semaphore_mem>>)
      %dma_wait3A_49 = arith.constant 0 : i32
      %dma_wait3A_50 = tpu.memref_slice %arg21[%mul3A_4, %dma_wait3A_49] : memref<10112x64xf32, #tpu.memory_space<vmem_shared>> -> memref<632x64xf32, #tpu.memory_space<vmem_shared>>
      %dma_wait3A_51 = arith.constant 0 : i32
      %dma_wait3A_52 = tpu.memref_slice %arg5[%mul3A_2, %dma_wait3A_51] : memref<10112x64xf32, #tpu.memory_space<hbm>> -> memref<632x64xf32, #tpu.memory_space<hbm>>
      tpu.wait_dma2 semaphore(%run_scoped3A : memref<!tpu.dma_semaphore, #tpu.memory_space<semaphore_mem>>) src(%dma_wait3A_52 : memref<632x64xf32, #tpu.memory_space<hbm>>) dst(%dma_wait3A_50 : memref<632x64xf32, #tpu.memory_space<vmem_shared>>)
      tpu.yield
    }) : () -> ()
    %mul3A_5 = arith.constant 80 : i32
    %mul3A_6 = arith.muli %add3A, %mul3A_5 : i32
    "tpu.region"() ({
      %run_scoped3A = tpu.sem_alloc : memref<!tpu.dma_semaphore, #tpu.memory_space<semaphore_mem>>
      %dma_start3A_45 = arith.constant 0 : i32
      %dma_start3A_46 = tpu.memref_slice %arg3[%mul3A_6, %dma_start3A_45] : memref<2560x128xi32, #tpu.memory_space<hbm>> -> memref<80x128xi32, #tpu.memory_space<hbm>>
      %dma_start3A_47 = arith.constant 0 : i32
      %dma_start3A_48 = tpu.memref_slice %arg3[%mul3A_6, %dma_start3A_47] : memref<2560x128xi32, #tpu.memory_space<hbm>> -> memref<80x128xi32, #tpu.memory_space<hbm>>
      tpu.enqueue_dma source(%dma_start3A_48 : memref<80x128xi32, #tpu.memory_space<hbm>>) target(%arg7 : memref<80x128xi32, #tpu.memory_space<vmem>>) target_semaphore(%run_scoped3A : memref<!tpu.dma_semaphore, #tpu.memory_space<semaphore_mem>>)
      %dma_wait3A_49 = arith.constant 0 : i32
      %dma_wait3A_50 = tpu.memref_slice %arg3[%mul3A_6, %dma_wait3A_49] : memref<2560x128xi32, #tpu.memory_space<hbm>> -> memref<80x128xi32, #tpu.memory_space<hbm>>
      %dma_wait3A_51 = arith.constant 0 : i32
      %dma_wait3A_52 = tpu.memref_slice %arg3[%mul3A_6, %dma_wait3A_51] : memref<2560x128xi32, #tpu.memory_space<hbm>> -> memref<80x128xi32, #tpu.memory_space<hbm>>
      tpu.wait_dma2 semaphore(%run_scoped3A : memref<!tpu.dma_semaphore, #tpu.memory_space<semaphore_mem>>) src(%dma_wait3A_52 : memref<80x128xi32, #tpu.memory_space<hbm>>) dst(%arg7 : memref<80x128xi32, #tpu.memory_space<vmem>>)
      tpu.yield
    }) : () -> ()
    %mul3A_7 = arith.constant 80 : i32
    %mul3A_8 = arith.muli %add3A, %mul3A_7 : i32
    "tpu.region"() ({
      %run_scoped3A = tpu.sem_alloc : memref<!tpu.dma_semaphore, #tpu.memory_space<semaphore_mem>>
      %dma_start3A_45 = arith.constant 0 : i32
      %dma_start3A_46 = tpu.memref_slice %arg4[%mul3A_8, %dma_start3A_45] : memref<2560x128xi32, #tpu.memory_space<hbm>> -> memref<80x128xi32, #tpu.memory_space<hbm>>
      %dma_start3A_47 = arith.constant 0 : i32
      %dma_start3A_48 = tpu.memref_slice %arg4[%mul3A_8, %dma_start3A_47] : memref<2560x128xi32, #tpu.memory_space<hbm>> -> memref<80x128xi32, #tpu.memory_space<hbm>>
      tpu.enqueue_dma source(%dma_start3A_48 : memref<80x128xi32, #tpu.memory_space<hbm>>) target(%arg8 : memref<80x128xi32, #tpu.memory_space<vmem>>) target_semaphore(%run_scoped3A : memref<!tpu.dma_semaphore, #tpu.memory_space<semaphore_mem>>)
      %dma_wait3A_49 = arith.constant 0 : i32
      %dma_wait3A_50 = tpu.memref_slice %arg4[%mul3A_8, %dma_wait3A_49] : memref<2560x128xi32, #tpu.memory_space<hbm>> -> memref<80x128xi32, #tpu.memory_space<hbm>>
      %dma_wait3A_51 = arith.constant 0 : i32
      %dma_wait3A_52 = tpu.memref_slice %arg4[%mul3A_8, %dma_wait3A_51] : memref<2560x128xi32, #tpu.memory_space<hbm>> -> memref<80x128xi32, #tpu.memory_space<hbm>>
      tpu.wait_dma2 semaphore(%run_scoped3A : memref<!tpu.dma_semaphore, #tpu.memory_space<semaphore_mem>>) src(%dma_wait3A_52 : memref<80x128xi32, #tpu.memory_space<hbm>>) dst(%arg8 : memref<80x128xi32, #tpu.memory_space<vmem>>)
      tpu.yield
    }) : () -> ()
    %barrier3A = arith.constant 0 : index
    tpu.barrier barrier_id(%barrier3A)
    %dma_start3A = arith.constant 0 : i32
    %dma_start3A_9 = arith.constant 0 : i32
    %dma_start3A_10 = tpu.memref_slice %arg7[%dma_start3A, %dma_start3A_9] : memref<80x128xi32, #tpu.memory_space<vmem>> -> memref<1x128xi32, #tpu.memory_space<vmem>>
    %dma_start3A_11 = tpu.memref_squeeze %dma_start3A_10 : memref<1x128xi32, #tpu.memory_space<vmem>> -> memref<128xi32, #tpu.memory_space<vmem>>
    %dma_start3A_12 = arith.constant 0 : i32
    %dma_start3A_13 = arith.constant 0 : i32
    %dma_start3A_14 = tpu.memref_slice %arg2[%dma_start3A_12, %dma_start3A_13] : memref<10000x64xf32, #tpu.memory_space<hbm>> -> memref<10000x64xf32, #tpu.memory_space<hbm>>
    tpu.enqueue_indirect_dma source(%dma_start3A_14 : memref<10000x64xf32, #tpu.memory_space<hbm>>) target(%arg9 : memref<128x64xf32, #tpu.memory_space<vmem>>) offsets(%dma_start3A_11 : memref<128xi32, #tpu.memory_space<vmem>>) semaphore(%arg13 : memref<!tpu.dma_semaphore, #tpu.memory_space<semaphore_mem>>)
    %dma_start3A_15 = arith.constant 1 : i32
    %dma_start3A_16 = arith.constant 0 : i32
    %dma_start3A_17 = tpu.memref_slice %arg7[%dma_start3A_15, %dma_start3A_16] : memref<80x128xi32, #tpu.memory_space<vmem>> -> memref<1x128xi32, #tpu.memory_space<vmem>>
    %dma_start3A_18 = tpu.memref_squeeze %dma_start3A_17 : memref<1x128xi32, #tpu.memory_space<vmem>> -> memref<128xi32, #tpu.memory_space<vmem>>
    %dma_start3A_19 = arith.constant 0 : i32
    %dma_start3A_20 = arith.constant 0 : i32
    %dma_start3A_21 = tpu.memref_slice %arg2[%dma_start3A_19, %dma_start3A_20] : memref<10000x64xf32, #tpu.memory_space<hbm>> -> memref<10000x64xf32, #tpu.memory_space<hbm>>
    tpu.enqueue_indirect_dma source(%dma_start3A_21 : memref<10000x64xf32, #tpu.memory_space<hbm>>) target(%arg10 : memref<128x64xf32, #tpu.memory_space<vmem>>) offsets(%dma_start3A_18 : memref<128xi32, #tpu.memory_space<vmem>>) semaphore(%arg14 : memref<!tpu.dma_semaphore, #tpu.memory_space<semaphore_mem>>)
    %scan3A = arith.constant 0 : i32
    %scan3A_22 = arith.constant 0 : i32
    %scan3A_23 = arith.constant 20 : i32
    %scan3A_24 = arith.addi %scan3A_22, %scan3A_23 : i32
    %scan3A_25 = arith.constant 1 : i32
    scf.for %scan3A_45 = %scan3A_22 to %scan3A_24 step %scan3A_25  : i32 {
      %mul3A_46 = arith.constant 4 : i32
      %mul3A_47 = arith.muli %scan3A_45, %mul3A_46 : i32
      %add3A_48 = arith.constant 0 : i32
      %add3A_49 = arith.addi %mul3A_47, %add3A_48 : i32
      %dma_wait3A_50 = arith.constant 0 : i32
      %dma_wait3A_51 = tpu.memref_slice %arg7[%add3A_49, %dma_wait3A_50] : memref<80x128xi32, #tpu.memory_space<vmem>> -> memref<1x128xi32, #tpu.memory_space<vmem>>
      %dma_wait3A_52 = tpu.memref_squeeze %dma_wait3A_51 : memref<1x128xi32, #tpu.memory_space<vmem>> -> memref<128xi32, #tpu.memory_space<vmem>>
      %dma_wait3A_53 = arith.constant 0 : i32
      %dma_wait3A_54 = arith.constant 0 : i32
      %dma_wait3A_55 = tpu.memref_slice %arg2[%dma_wait3A_53, %dma_wait3A_54] : memref<10000x64xf32, #tpu.memory_space<hbm>> -> memref<10000x64xf32, #tpu.memory_space<hbm>>
      tpu.wait_indirect_dma semaphore(%arg13 : memref<!tpu.dma_semaphore, #tpu.memory_space<semaphore_mem>>) src(%dma_wait3A_55 : memref<10000x64xf32, #tpu.memory_space<hbm>>) dst(%arg9 : memref<128x64xf32, #tpu.memory_space<vmem>>)
      %ge3A = arith.constant 2 : i32
      %ge3A_56 = arith.cmpi sge, %add3A_49, %ge3A : i32
      %convert_element_type3A = arith.extui %ge3A_56 : i1 to i32
      %cond3A = arith.constant 0 : i32
      %cond3A_57 = arith.cmpi ne, %convert_element_type3A, %cond3A : i32
      scf.if %cond3A_57 {
        %dma_wait3A_154 = arith.constant 0 : i32
        %dma_wait3A_155 = tpu.memref_slice %arg8[%add3A_49, %dma_wait3A_154] : memref<80x128xi32, #tpu.memory_space<vmem>> -> memref<1x128xi32, #tpu.memory_space<vmem>>
        %dma_wait3A_156 = tpu.memref_squeeze %dma_wait3A_155 : memref<1x128xi32, #tpu.memory_space<vmem>> -> memref<128xi32, #tpu.memory_space<vmem>>
        %dma_wait3A_157 = arith.constant 0 : i32
        %dma_wait3A_158 = arith.constant 0 : i32
        %dma_wait3A_159 = tpu.memref_slice %arg21[%dma_wait3A_157, %dma_wait3A_158] : memref<10112x64xf32, #tpu.memory_space<vmem_shared>> -> memref<10112x64xf32, #tpu.memory_space<vmem_shared>>
        tpu.wait_indirect_dma semaphore(%arg19 : memref<!tpu.dma_semaphore, #tpu.memory_space<semaphore_mem>>) src(%arg11 : memref<128x64xf32, #tpu.memory_space<vmem>>) dst(%dma_wait3A_159 : memref<10112x64xf32, #tpu.memory_space<vmem_shared>>)
      } else {
      }
      %dma_start3A_58 = arith.constant 0 : i32
      %dma_start3A_59 = tpu.memref_slice %arg8[%add3A_49, %dma_start3A_58] : memref<80x128xi32, #tpu.memory_space<vmem>> -> memref<1x128xi32, #tpu.memory_space<vmem>>
      %dma_start3A_60 = tpu.memref_squeeze %dma_start3A_59 : memref<1x128xi32, #tpu.memory_space<vmem>> -> memref<128xi32, #tpu.memory_space<vmem>>
      %dma_start3A_61 = arith.constant 0 : i32
      %dma_start3A_62 = arith.constant 0 : i32
      %dma_start3A_63 = tpu.memref_slice %arg21[%dma_start3A_61, %dma_start3A_62] : memref<10112x64xf32, #tpu.memory_space<vmem_shared>> -> memref<10112x64xf32, #tpu.memory_space<vmem_shared>>
      tpu.enqueue_indirect_dma source(%arg9 : memref<128x64xf32, #tpu.memory_space<vmem>>) target(%dma_start3A_63 : memref<10112x64xf32, #tpu.memory_space<vmem_shared>>) offsets(%dma_start3A_60 : memref<128xi32, #tpu.memory_space<vmem>>) semaphore(%arg17 : memref<!tpu.dma_semaphore, #tpu.memory_space<semaphore_mem>>) {add = true}
      %add3A_64 = arith.constant 2 : i32
      %add3A_65 = arith.addi %add3A_49, %add3A_64 : i32
      %lt3A = arith.constant 80 : i32
      %lt3A_66 = arith.cmpi slt, %add3A_65, %lt3A : i32
      %convert_element_type3A_67 = arith.extui %lt3A_66 : i1 to i32
      %cond3A_68 = arith.constant 0 : i32
      %cond3A_69 = arith.cmpi ne, %convert_element_type3A_67, %cond3A_68 : i32
      scf.if %cond3A_69 {
        %add3A_154 = arith.constant 2 : i32
        %add3A_155 = arith.addi %add3A_49, %add3A_154 : i32
        %dma_start3A_156 = arith.constant 0 : i32
        %dma_start3A_157 = tpu.memref_slice %arg7[%add3A_155, %dma_start3A_156] : memref<80x128xi32, #tpu.memory_space<vmem>> -> memref<1x128xi32, #tpu.memory_space<vmem>>
        %dma_start3A_158 = tpu.memref_squeeze %dma_start3A_157 : memref<1x128xi32, #tpu.memory_space<vmem>> -> memref<128xi32, #tpu.memory_space<vmem>>
        %dma_start3A_159 = arith.constant 0 : i32
        %dma_start3A_160 = arith.constant 0 : i32
        %dma_start3A_161 = tpu.memref_slice %arg2[%dma_start3A_159, %dma_start3A_160] : memref<10000x64xf32, #tpu.memory_space<hbm>> -> memref<10000x64xf32, #tpu.memory_space<hbm>>
        tpu.enqueue_indirect_dma source(%dma_start3A_161 : memref<10000x64xf32, #tpu.memory_space<hbm>>) target(%arg11 : memref<128x64xf32, #tpu.memory_space<vmem>>) offsets(%dma_start3A_158 : memref<128xi32, #tpu.memory_space<vmem>>) semaphore(%arg15 : memref<!tpu.dma_semaphore, #tpu.memory_space<semaphore_mem>>)
      } else {
      }
      %mul3A_70 = arith.constant 4 : i32
      %mul3A_71 = arith.muli %scan3A_45, %mul3A_70 : i32
      %add3A_72 = arith.constant 1 : i32
      %add3A_73 = arith.addi %mul3A_71, %add3A_72 : i32
      %dma_wait3A_74 = arith.constant 0 : i32
      %dma_wait3A_75 = tpu.memref_slice %arg7[%add3A_73, %dma_wait3A_74] : memref<80x128xi32, #tpu.memory_space<vmem>> -> memref<1x128xi32, #tpu.memory_space<vmem>>
      %dma_wait3A_76 = tpu.memref_squeeze %dma_wait3A_75 : memref<1x128xi32, #tpu.memory_space<vmem>> -> memref<128xi32, #tpu.memory_space<vmem>>
      %dma_wait3A_77 = arith.constant 0 : i32
      %dma_wait3A_78 = arith.constant 0 : i32
      %dma_wait3A_79 = tpu.memref_slice %arg2[%dma_wait3A_77, %dma_wait3A_78] : memref<10000x64xf32, #tpu.memory_space<hbm>> -> memref<10000x64xf32, #tpu.memory_space<hbm>>
      tpu.wait_indirect_dma semaphore(%arg14 : memref<!tpu.dma_semaphore, #tpu.memory_space<semaphore_mem>>) src(%dma_wait3A_79 : memref<10000x64xf32, #tpu.memory_space<hbm>>) dst(%arg10 : memref<128x64xf32, #tpu.memory_space<vmem>>)
      %ge3A_80 = arith.constant 2 : i32
      %ge3A_81 = arith.cmpi sge, %add3A_73, %ge3A_80 : i32
      %convert_element_type3A_82 = arith.extui %ge3A_81 : i1 to i32
      %cond3A_83 = arith.constant 0 : i32
      %cond3A_84 = arith.cmpi ne, %convert_element_type3A_82, %cond3A_83 : i32
      scf.if %cond3A_84 {
        %dma_wait3A_154 = arith.constant 0 : i32
        %dma_wait3A_155 = tpu.memref_slice %arg8[%add3A_73, %dma_wait3A_154] : memref<80x128xi32, #tpu.memory_space<vmem>> -> memref<1x128xi32, #tpu.memory_space<vmem>>
        %dma_wait3A_156 = tpu.memref_squeeze %dma_wait3A_155 : memref<1x128xi32, #tpu.memory_space<vmem>> -> memref<128xi32, #tpu.memory_space<vmem>>
        %dma_wait3A_157 = arith.constant 0 : i32
        %dma_wait3A_158 = arith.constant 0 : i32
        %dma_wait3A_159 = tpu.memref_slice %arg21[%dma_wait3A_157, %dma_wait3A_158] : memref<10112x64xf32, #tpu.memory_space<vmem_shared>> -> memref<10112x64xf32, #tpu.memory_space<vmem_shared>>
        tpu.wait_indirect_dma semaphore(%arg20 : memref<!tpu.dma_semaphore, #tpu.memory_space<semaphore_mem>>) src(%arg12 : memref<128x64xf32, #tpu.memory_space<vmem>>) dst(%dma_wait3A_159 : memref<10112x64xf32, #tpu.memory_space<vmem_shared>>)
      } else {
      }
      %dma_start3A_85 = arith.constant 0 : i32
      %dma_start3A_86 = tpu.memref_slice %arg8[%add3A_73, %dma_start3A_85] : memref<80x128xi32, #tpu.memory_space<vmem>> -> memref<1x128xi32, #tpu.memory_space<vmem>>
      %dma_start3A_87 = tpu.memref_squeeze %dma_start3A_86 : memref<1x128xi32, #tpu.memory_space<vmem>> -> memref<128xi32, #tpu.memory_space<vmem>>
      %dma_start3A_88 = arith.constant 0 : i32
      %dma_start3A_89 = arith.constant 0 : i32
      %dma_start3A_90 = tpu.memref_slice %arg21[%dma_start3A_88, %dma_start3A_89] : memref<10112x64xf32, #tpu.memory_space<vmem_shared>> -> memref<10112x64xf32, #tpu.memory_space<vmem_shared>>
      tpu.enqueue_indirect_dma source(%arg10 : memref<128x64xf32, #tpu.memory_space<vmem>>) target(%dma_start3A_90 : memref<10112x64xf32, #tpu.memory_space<vmem_shared>>) offsets(%dma_start3A_87 : memref<128xi32, #tpu.memory_space<vmem>>) semaphore(%arg18 : memref<!tpu.dma_semaphore, #tpu.memory_space<semaphore_mem>>) {add = true}
      %add3A_91 = arith.constant 2 : i32
      %add3A_92 = arith.addi %add3A_73, %add3A_91 : i32
      %lt3A_93 = arith.constant 80 : i32
      %lt3A_94 = arith.cmpi slt, %add3A_92, %lt3A_93 : i32
      %convert_element_type3A_95 = arith.extui %lt3A_94 : i1 to i32
      %cond3A_96 = arith.constant 0 : i32
      %cond3A_97 = arith.cmpi ne, %convert_element_type3A_95, %cond3A_96 : i32
      scf.if %cond3A_97 {
        %add3A_154 = arith.constant 2 : i32
        %add3A_155 = arith.addi %add3A_73, %add3A_154 : i32
        %dma_start3A_156 = arith.constant 0 : i32
        %dma_start3A_157 = tpu.memref_slice %arg7[%add3A_155, %dma_start3A_156] : memref<80x128xi32, #tpu.memory_space<vmem>> -> memref<1x128xi32, #tpu.memory_space<vmem>>
        %dma_start3A_158 = tpu.memref_squeeze %dma_start3A_157 : memref<1x128xi32, #tpu.memory_space<vmem>> -> memref<128xi32, #tpu.memory_space<vmem>>
        %dma_start3A_159 = arith.constant 0 : i32
        %dma_start3A_160 = arith.constant 0 : i32
        %dma_start3A_161 = tpu.memref_slice %arg2[%dma_start3A_159, %dma_start3A_160] : memref<10000x64xf32, #tpu.memory_space<hbm>> -> memref<10000x64xf32, #tpu.memory_space<hbm>>
        tpu.enqueue_indirect_dma source(%dma_start3A_161 : memref<10000x64xf32, #tpu.memory_space<hbm>>) target(%arg12 : memref<128x64xf32, #tpu.memory_space<vmem>>) offsets(%dma_start3A_158 : memref<128xi32, #tpu.memory_space<vmem>>) semaphore(%arg16 : memref<!tpu.dma_semaphore, #tpu.memory_space<semaphore_mem>>)
      } else {
      }
      %mul3A_98 = arith.constant 4 : i32
      %mul3A_99 = arith.muli %scan3A_45, %mul3A_98 : i32
      %add3A_100 = arith.constant 2 : i32
      %add3A_101 = arith.addi %mul3A_99, %add3A_100 : i32
      %dma_wait3A_102 = arith.constant 0 : i32
      %dma_wait3A_103 = tpu.memref_slice %arg7[%add3A_101, %dma_wait3A_102] : memref<80x128xi32, #tpu.memory_space<vmem>> -> memref<1x128xi32, #tpu.memory_space<vmem>>
      %dma_wait3A_104 = tpu.memref_squeeze %dma_wait3A_103 : memref<1x128xi32, #tpu.memory_space<vmem>> -> memref<128xi32, #tpu.memory_space<vmem>>
      %dma_wait3A_105 = arith.constant 0 : i32
      %dma_wait3A_106 = arith.constant 0 : i32
      %dma_wait3A_107 = tpu.memref_slice %arg2[%dma_wait3A_105, %dma_wait3A_106] : memref<10000x64xf32, #tpu.memory_space<hbm>> -> memref<10000x64xf32, #tpu.memory_space<hbm>>
      tpu.wait_indirect_dma semaphore(%arg15 : memref<!tpu.dma_semaphore, #tpu.memory_space<semaphore_mem>>) src(%dma_wait3A_107 : memref<10000x64xf32, #tpu.memory_space<hbm>>) dst(%arg11 : memref<128x64xf32, #tpu.memory_space<vmem>>)
      %ge3A_108 = arith.constant 2 : i32
      %ge3A_109 = arith.cmpi sge, %add3A_101, %ge3A_108 : i32
      %convert_element_type3A_110 = arith.extui %ge3A_109 : i1 to i32
      %cond3A_111 = arith.constant 0 : i32
      %cond3A_112 = arith.cmpi ne, %convert_element_type3A_110, %cond3A_111 : i32
      scf.if %cond3A_112 {
        %dma_wait3A_154 = arith.constant 0 : i32
        %dma_wait3A_155 = tpu.memref_slice %arg8[%add3A_101, %dma_wait3A_154] : memref<80x128xi32, #tpu.memory_space<vmem>> -> memref<1x128xi32, #tpu.memory_space<vmem>>
        %dma_wait3A_156 = tpu.memref_squeeze %dma_wait3A_155 : memref<1x128xi32, #tpu.memory_space<vmem>> -> memref<128xi32, #tpu.memory_space<vmem>>
        %dma_wait3A_157 = arith.constant 0 : i32
        %dma_wait3A_158 = arith.constant 0 : i32
        %dma_wait3A_159 = tpu.memref_slice %arg21[%dma_wait3A_157, %dma_wait3A_158] : memref<10112x64xf32, #tpu.memory_space<vmem_shared>> -> memref<10112x64xf32, #tpu.memory_space<vmem_shared>>
        tpu.wait_indirect_dma semaphore(%arg17 : memref<!tpu.dma_semaphore, #tpu.memory_space<semaphore_mem>>) src(%arg9 : memref<128x64xf32, #tpu.memory_space<vmem>>) dst(%dma_wait3A_159 : memref<10112x64xf32, #tpu.memory_space<vmem_shared>>)
      } else {
      }
      %dma_start3A_113 = arith.constant 0 : i32
      %dma_start3A_114 = tpu.memref_slice %arg8[%add3A_101, %dma_start3A_113] : memref<80x128xi32, #tpu.memory_space<vmem>> -> memref<1x128xi32, #tpu.memory_space<vmem>>
      %dma_start3A_115 = tpu.memref_squeeze %dma_start3A_114 : memref<1x128xi32, #tpu.memory_space<vmem>> -> memref<128xi32, #tpu.memory_space<vmem>>
      %dma_start3A_116 = arith.constant 0 : i32
      %dma_start3A_117 = arith.constant 0 : i32
      %dma_start3A_118 = tpu.memref_slice %arg21[%dma_start3A_116, %dma_start3A_117] : memref<10112x64xf32, #tpu.memory_space<vmem_shared>> -> memref<10112x64xf32, #tpu.memory_space<vmem_shared>>
      tpu.enqueue_indirect_dma source(%arg11 : memref<128x64xf32, #tpu.memory_space<vmem>>) target(%dma_start3A_118 : memref<10112x64xf32, #tpu.memory_space<vmem_shared>>) offsets(%dma_start3A_115 : memref<128xi32, #tpu.memory_space<vmem>>) semaphore(%arg19 : memref<!tpu.dma_semaphore, #tpu.memory_space<semaphore_mem>>) {add = true}
      %add3A_119 = arith.constant 2 : i32
      %add3A_120 = arith.addi %add3A_101, %add3A_119 : i32
      %lt3A_121 = arith.constant 80 : i32
      %lt3A_122 = arith.cmpi slt, %add3A_120, %lt3A_121 : i32
      %convert_element_type3A_123 = arith.extui %lt3A_122 : i1 to i32
      %cond3A_124 = arith.constant 0 : i32
      %cond3A_125 = arith.cmpi ne, %convert_element_type3A_123, %cond3A_124 : i32
      scf.if %cond3A_125 {
        %add3A_154 = arith.constant 2 : i32
        %add3A_155 = arith.addi %add3A_101, %add3A_154 : i32
        %dma_start3A_156 = arith.constant 0 : i32
        %dma_start3A_157 = tpu.memref_slice %arg7[%add3A_155, %dma_start3A_156] : memref<80x128xi32, #tpu.memory_space<vmem>> -> memref<1x128xi32, #tpu.memory_space<vmem>>
        %dma_start3A_158 = tpu.memref_squeeze %dma_start3A_157 : memref<1x128xi32, #tpu.memory_space<vmem>> -> memref<128xi32, #tpu.memory_space<vmem>>
        %dma_start3A_159 = arith.constant 0 : i32
        %dma_start3A_160 = arith.constant 0 : i32
        %dma_start3A_161 = tpu.memref_slice %arg2[%dma_start3A_159, %dma_start3A_160] : memref<10000x64xf32, #tpu.memory_space<hbm>> -> memref<10000x64xf32, #tpu.memory_space<hbm>>
        tpu.enqueue_indirect_dma source(%dma_start3A_161 : memref<10000x64xf32, #tpu.memory_space<hbm>>) target(%arg9 : memref<128x64xf32, #tpu.memory_space<vmem>>) offsets(%dma_start3A_158 : memref<128xi32, #tpu.memory_space<vmem>>) semaphore(%arg13 : memref<!tpu.dma_semaphore, #tpu.memory_space<semaphore_mem>>)
      } else {
      }
      %mul3A_126 = arith.constant 4 : i32
      %mul3A_127 = arith.muli %scan3A_45, %mul3A_126 : i32
      %add3A_128 = arith.constant 3 : i32
      %add3A_129 = arith.addi %mul3A_127, %add3A_128 : i32
      %dma_wait3A_130 = arith.constant 0 : i32
      %dma_wait3A_131 = tpu.memref_slice %arg7[%add3A_129, %dma_wait3A_130] : memref<80x128xi32, #tpu.memory_space<vmem>> -> memref<1x128xi32, #tpu.memory_space<vmem>>
      %dma_wait3A_132 = tpu.memref_squeeze %dma_wait3A_131 : memref<1x128xi32, #tpu.memory_space<vmem>> -> memref<128xi32, #tpu.memory_space<vmem>>
      %dma_wait3A_133 = arith.constant 0 : i32
      %dma_wait3A_134 = arith.constant 0 : i32
      %dma_wait3A_135 = tpu.memref_slice %arg2[%dma_wait3A_133, %dma_wait3A_134] : memref<10000x64xf32, #tpu.memory_space<hbm>> -> memref<10000x64xf32, #tpu.memory_space<hbm>>
      tpu.wait_indirect_dma semaphore(%arg16 : memref<!tpu.dma_semaphore, #tpu.memory_space<semaphore_mem>>) src(%dma_wait3A_135 : memref<10000x64xf32, #tpu.memory_space<hbm>>) dst(%arg12 : memref<128x64xf32, #tpu.memory_space<vmem>>)
      %ge3A_136 = arith.constant 2 : i32
      %ge3A_137 = arith.cmpi sge, %add3A_129, %ge3A_136 : i32
      %convert_element_type3A_138 = arith.extui %ge3A_137 : i1 to i32
      %cond3A_139 = arith.constant 0 : i32
      %cond3A_140 = arith.cmpi ne, %convert_element_type3A_138, %cond3A_139 : i32
      scf.if %cond3A_140 {
        %dma_wait3A_154 = arith.constant 0 : i32
        %dma_wait3A_155 = tpu.memref_slice %arg8[%add3A_129, %dma_wait3A_154] : memref<80x128xi32, #tpu.memory_space<vmem>> -> memref<1x128xi32, #tpu.memory_space<vmem>>
        %dma_wait3A_156 = tpu.memref_squeeze %dma_wait3A_155 : memref<1x128xi32, #tpu.memory_space<vmem>> -> memref<128xi32, #tpu.memory_space<vmem>>
        %dma_wait3A_157 = arith.constant 0 : i32
        %dma_wait3A_158 = arith.constant 0 : i32
        %dma_wait3A_159 = tpu.memref_slice %arg21[%dma_wait3A_157, %dma_wait3A_158] : memref<10112x64xf32, #tpu.memory_space<vmem_shared>> -> memref<10112x64xf32, #tpu.memory_space<vmem_shared>>
        tpu.wait_indirect_dma semaphore(%arg18 : memref<!tpu.dma_semaphore, #tpu.memory_space<semaphore_mem>>) src(%arg10 : memref<128x64xf32, #tpu.memory_space<vmem>>) dst(%dma_wait3A_159 : memref<10112x64xf32, #tpu.memory_space<vmem_shared>>)
      } else {
      }
      %dma_start3A_141 = arith.constant 0 : i32
      %dma_start3A_142 = tpu.memref_slice %arg8[%add3A_129, %dma_start3A_141] : memref<80x128xi32, #tpu.memory_space<vmem>> -> memref<1x128xi32, #tpu.memory_space<vmem>>
      %dma_start3A_143 = tpu.memref_squeeze %dma_start3A_142 : memref<1x128xi32, #tpu.memory_space<vmem>> -> memref<128xi32, #tpu.memory_space<vmem>>
      %dma_start3A_144 = arith.constant 0 : i32
      %dma_start3A_145 = arith.constant 0 : i32
      %dma_start3A_146 = tpu.memref_slice %arg21[%dma_start3A_144, %dma_start3A_145] : memref<10112x64xf32, #tpu.memory_space<vmem_shared>> -> memref<10112x64xf32, #tpu.memory_space<vmem_shared>>
      tpu.enqueue_indirect_dma source(%arg12 : memref<128x64xf32, #tpu.memory_space<vmem>>) target(%dma_start3A_146 : memref<10112x64xf32, #tpu.memory_space<vmem_shared>>) offsets(%dma_start3A_143 : memref<128xi32, #tpu.memory_space<vmem>>) semaphore(%arg20 : memref<!tpu.dma_semaphore, #tpu.memory_space<semaphore_mem>>) {add = true}
      %add3A_147 = arith.constant 2 : i32
      %add3A_148 = arith.addi %add3A_129, %add3A_147 : i32
      %lt3A_149 = arith.constant 80 : i32
      %lt3A_150 = arith.cmpi slt, %add3A_148, %lt3A_149 : i32
      %convert_element_type3A_151 = arith.extui %lt3A_150 : i1 to i32
      %cond3A_152 = arith.constant 0 : i32
      %cond3A_153 = arith.cmpi ne, %convert_element_type3A_151, %cond3A_152 : i32
      scf.if %cond3A_153 {
        %add3A_154 = arith.constant 2 : i32
        %add3A_155 = arith.addi %add3A_129, %add3A_154 : i32
        %dma_start3A_156 = arith.constant 0 : i32
        %dma_start3A_157 = tpu.memref_slice %arg7[%add3A_155, %dma_start3A_156] : memref<80x128xi32, #tpu.memory_space<vmem>> -> memref<1x128xi32, #tpu.memory_space<vmem>>
        %dma_start3A_158 = tpu.memref_squeeze %dma_start3A_157 : memref<1x128xi32, #tpu.memory_space<vmem>> -> memref<128xi32, #tpu.memory_space<vmem>>
        %dma_start3A_159 = arith.constant 0 : i32
        %dma_start3A_160 = arith.constant 0 : i32
        %dma_start3A_161 = tpu.memref_slice %arg2[%dma_start3A_159, %dma_start3A_160] : memref<10000x64xf32, #tpu.memory_space<hbm>> -> memref<10000x64xf32, #tpu.memory_space<hbm>>
        tpu.enqueue_indirect_dma source(%dma_start3A_161 : memref<10000x64xf32, #tpu.memory_space<hbm>>) target(%arg10 : memref<128x64xf32, #tpu.memory_space<vmem>>) offsets(%dma_start3A_158 : memref<128xi32, #tpu.memory_space<vmem>>) semaphore(%arg14 : memref<!tpu.dma_semaphore, #tpu.memory_space<semaphore_mem>>)
      } else {
      }
    }
    %scan3A_26 = arith.constant 20 : i32
    %dma_wait3A = arith.constant 0 : i32
    %dma_wait3A_27 = arith.constant 0 : i32
    %dma_wait3A_28 = tpu.memref_slice %arg8[%dma_wait3A, %dma_wait3A_27] : memref<80x128xi32, #tpu.memory_space<vmem>> -> memref<1x128xi32, #tpu.memory_space<vmem>>
    %dma_wait3A_29 = tpu.memref_squeeze %dma_wait3A_28 : memref<1x128xi32, #tpu.memory_space<vmem>> -> memref<128xi32, #tpu.memory_space<vmem>>
    %dma_wait3A_30 = arith.constant 0 : i32
    %dma_wait3A_31 = arith.constant 0 : i32
    %dma_wait3A_32 = tpu.memref_slice %arg21[%dma_wait3A_30, %dma_wait3A_31] : memref<10112x64xf32, #tpu.memory_space<vmem_shared>> -> memref<10112x64xf32, #tpu.memory_space<vmem_shared>>
    tpu.wait_indirect_dma semaphore(%arg19 : memref<!tpu.dma_semaphore, #tpu.memory_space<semaphore_mem>>) src(%arg11 : memref<128x64xf32, #tpu.memory_space<vmem>>) dst(%dma_wait3A_32 : memref<10112x64xf32, #tpu.memory_space<vmem_shared>>)
    %dma_wait3A_33 = arith.constant 0 : i32
    %dma_wait3A_34 = arith.constant 0 : i32
    %dma_wait3A_35 = tpu.memref_slice %arg8[%dma_wait3A_33, %dma_wait3A_34] : memref<80x128xi32, #tpu.memory_space<vmem>> -> memref<1x128xi32, #tpu.memory_space<vmem>>
    %dma_wait3A_36 = tpu.memref_squeeze %dma_wait3A_35 : memref<1x128xi32, #tpu.memory_space<vmem>> -> memref<128xi32, #tpu.memory_space<vmem>>
    %dma_wait3A_37 = arith.constant 0 : i32
    %dma_wait3A_38 = arith.constant 0 : i32
    %dma_wait3A_39 = tpu.memref_slice %arg21[%dma_wait3A_37, %dma_wait3A_38] : memref<10112x64xf32, #tpu.memory_space<vmem_shared>> -> memref<10112x64xf32, #tpu.memory_space<vmem_shared>>
    tpu.wait_indirect_dma semaphore(%arg20 : memref<!tpu.dma_semaphore, #tpu.memory_space<semaphore_mem>>) src(%arg12 : memref<128x64xf32, #tpu.memory_space<vmem>>) dst(%dma_wait3A_39 : memref<10112x64xf32, #tpu.memory_space<vmem_shared>>)
    %barrier3A_40 = arith.constant 0 : index
    tpu.barrier barrier_id(%barrier3A_40)
    %mul3A_41 = arith.constant 632 : i32
    %mul3A_42 = arith.muli %arg1, %mul3A_41 : i32
    %mul3A_43 = arith.constant 632 : i32
    %mul3A_44 = arith.muli %arg1, %mul3A_43 : i32
    "tpu.region"() ({
      %run_scoped3A = tpu.sem_alloc : memref<!tpu.dma_semaphore, #tpu.memory_space<semaphore_mem>>
      %dma_start3A_45 = arith.constant 0 : i32
      %dma_start3A_46 = tpu.memref_slice %arg6[%arg0, %mul3A_44, %dma_start3A_45] : memref<2x10112x64xf32, #tpu.memory_space<hbm>> -> memref<1x632x64xf32, #tpu.memory_space<hbm>>
      %dma_start3A_47 = tpu.memref_squeeze %dma_start3A_46 : memref<1x632x64xf32, #tpu.memory_space<hbm>> -> memref<632x64xf32, #tpu.memory_space<hbm>>
      %dma_start3A_48 = arith.constant 0 : i32
      %dma_start3A_49 = tpu.memref_slice %arg21[%mul3A_42, %dma_start3A_48] : memref<10112x64xf32, #tpu.memory_space<vmem_shared>> -> memref<632x64xf32, #tpu.memory_space<vmem_shared>>
      tpu.enqueue_dma source(%dma_start3A_49 : memref<632x64xf32, #tpu.memory_space<vmem_shared>>) target(%dma_start3A_47 : memref<632x64xf32, #tpu.memory_space<hbm>>) target_semaphore(%run_scoped3A : memref<!tpu.dma_semaphore, #tpu.memory_space<semaphore_mem>>)
      %dma_wait3A_50 = arith.constant 0 : i32
      %dma_wait3A_51 = tpu.memref_slice %arg6[%arg0, %mul3A_44, %dma_wait3A_50] : memref<2x10112x64xf32, #tpu.memory_space<hbm>> -> memref<1x632x64xf32, #tpu.memory_space<hbm>>
      %dma_wait3A_52 = tpu.memref_squeeze %dma_wait3A_51 : memref<1x632x64xf32, #tpu.memory_space<hbm>> -> memref<632x64xf32, #tpu.memory_space<hbm>>
      %dma_wait3A_53 = arith.constant 0 : i32
      %dma_wait3A_54 = tpu.memref_slice %arg21[%mul3A_42, %dma_wait3A_53] : memref<10112x64xf32, #tpu.memory_space<vmem_shared>> -> memref<632x64xf32, #tpu.memory_space<vmem_shared>>
      tpu.wait_dma2 semaphore(%run_scoped3A : memref<!tpu.dma_semaphore, #tpu.memory_space<semaphore_mem>>) src(%dma_wait3A_54 : memref<632x64xf32, #tpu.memory_space<vmem_shared>>) dst(%dma_wait3A_52 : memref<632x64xf32, #tpu.memory_space<hbm>>)
      tpu.yield
    }) : () -> ()
    return
  }
}

#map = affine_map<(d0, d1) -> (0, 0)>
#map1 = affine_map<(d0, d1) -> (0, 0, 0)>
module attributes {stable_mosaic.version = 14 : i64} {
  func.func @_sc_pool(%arg0: i32, %arg1: i32, %arg2: memref<10240x64xf32, #tpu.memory_space<hbm>>, %arg3: memref<256x64xi32, #tpu.memory_space<hbm>>, %arg4: memref<10112x64xf32, #tpu.memory_space<hbm>>, %arg5: memref<10112x16xf32, #tpu.memory_space<hbm>>, %arg6: memref<128x16xf32, #tpu.memory_space<hbm>>, %arg7: memref<2x256x64xf32, #tpu.memory_space<hbm>>, %arg8: memref<2x256x16xf32, #tpu.memory_space<hbm>>, %arg9: memref<8x64xi32, #tpu.memory_space<vmem>>, %arg10: memref<64x64xf32, #tpu.memory_space<vmem>>, %arg11: memref<64x16xf32, #tpu.memory_space<vmem>>, %arg12: memref<384x64xf32, #tpu.memory_space<vmem_shared>>, %arg13: memref<384x16xf32, #tpu.memory_space<vmem_shared>>) attributes {dimension_semantics = [#tpu.dimension_semantics<core_parallel>, #tpu.dimension_semantics<subcore_parallel>], iteration_bounds = array<i64: 2, 16>, scalar_prefetch = 0 : i64, scratch_operands = 5 : i64, tpu.core_type = #tpu.core_type<sc_vector_subcore>, window_params = [{transform_indices = #map}, {transform_indices = #map}, {transform_indices = #map}, {transform_indices = #map}, {transform_indices = #map}, {transform_indices = #map1}, {transform_indices = #map1}]} {
    %mul3A = arith.constant 16 : i32
    %mul3A_0 = arith.muli %arg0, %mul3A : i32
    %add3A = arith.addi %mul3A_0, %arg1 : i32
    %mul3A_1 = arith.constant 24 : i32
    %mul3A_2 = arith.muli %arg1, %mul3A_1 : i32
    "tpu.region"() ({
      %run_scoped3A = tpu.sem_alloc : memref<!tpu.dma_semaphore, #tpu.memory_space<semaphore_mem>>
      %dma_start3A = arith.constant 0 : i32
      %dma_start3A_21 = tpu.memref_slice %arg12[%mul3A_2, %dma_start3A] : memref<384x64xf32, #tpu.memory_space<vmem_shared>> -> memref<24x64xf32, #tpu.memory_space<vmem_shared>>
      %dma_start3A_22 = arith.constant 0 : i32
      %dma_start3A_23 = arith.constant 0 : i32
      %dma_start3A_24 = tpu.memref_slice %arg4[%dma_start3A_22, %dma_start3A_23] : memref<10112x64xf32, #tpu.memory_space<hbm>> -> memref<24x64xf32, #tpu.memory_space<hbm>>
      tpu.enqueue_dma source(%dma_start3A_24 : memref<24x64xf32, #tpu.memory_space<hbm>>) target(%dma_start3A_21 : memref<24x64xf32, #tpu.memory_space<vmem_shared>>) target_semaphore(%run_scoped3A : memref<!tpu.dma_semaphore, #tpu.memory_space<semaphore_mem>>)
      %dma_wait3A = arith.constant 0 : i32
      %dma_wait3A_25 = tpu.memref_slice %arg12[%mul3A_2, %dma_wait3A] : memref<384x64xf32, #tpu.memory_space<vmem_shared>> -> memref<24x64xf32, #tpu.memory_space<vmem_shared>>
      %dma_wait3A_26 = arith.constant 0 : i32
      %dma_wait3A_27 = arith.constant 0 : i32
      %dma_wait3A_28 = tpu.memref_slice %arg4[%dma_wait3A_26, %dma_wait3A_27] : memref<10112x64xf32, #tpu.memory_space<hbm>> -> memref<24x64xf32, #tpu.memory_space<hbm>>
      tpu.wait_dma2 semaphore(%run_scoped3A : memref<!tpu.dma_semaphore, #tpu.memory_space<semaphore_mem>>) src(%dma_wait3A_28 : memref<24x64xf32, #tpu.memory_space<hbm>>) dst(%dma_wait3A_25 : memref<24x64xf32, #tpu.memory_space<vmem_shared>>)
      tpu.yield
    }) : () -> ()
    %mul3A_3 = arith.constant 24 : i32
    %mul3A_4 = arith.muli %arg1, %mul3A_3 : i32
    "tpu.region"() ({
      %run_scoped3A = tpu.sem_alloc : memref<!tpu.dma_semaphore, #tpu.memory_space<semaphore_mem>>
      %dma_start3A = arith.constant 0 : i32
      %dma_start3A_21 = tpu.memref_slice %arg13[%mul3A_4, %dma_start3A] : memref<384x16xf32, #tpu.memory_space<vmem_shared>> -> memref<24x16xf32, #tpu.memory_space<vmem_shared>>
      %dma_start3A_22 = arith.constant 0 : i32
      %dma_start3A_23 = arith.constant 0 : i32
      %dma_start3A_24 = tpu.memref_slice %arg5[%dma_start3A_22, %dma_start3A_23] : memref<10112x16xf32, #tpu.memory_space<hbm>> -> memref<24x16xf32, #tpu.memory_space<hbm>>
      tpu.enqueue_dma source(%dma_start3A_24 : memref<24x16xf32, #tpu.memory_space<hbm>>) target(%dma_start3A_21 : memref<24x16xf32, #tpu.memory_space<vmem_shared>>) target_semaphore(%run_scoped3A : memref<!tpu.dma_semaphore, #tpu.memory_space<semaphore_mem>>)
      %dma_wait3A = arith.constant 0 : i32
      %dma_wait3A_25 = tpu.memref_slice %arg13[%mul3A_4, %dma_wait3A] : memref<384x16xf32, #tpu.memory_space<vmem_shared>> -> memref<24x16xf32, #tpu.memory_space<vmem_shared>>
      %dma_wait3A_26 = arith.constant 0 : i32
      %dma_wait3A_27 = arith.constant 0 : i32
      %dma_wait3A_28 = tpu.memref_slice %arg5[%dma_wait3A_26, %dma_wait3A_27] : memref<10112x16xf32, #tpu.memory_space<hbm>> -> memref<24x16xf32, #tpu.memory_space<hbm>>
      tpu.wait_dma2 semaphore(%run_scoped3A : memref<!tpu.dma_semaphore, #tpu.memory_space<semaphore_mem>>) src(%dma_wait3A_28 : memref<24x16xf32, #tpu.memory_space<hbm>>) dst(%dma_wait3A_25 : memref<24x16xf32, #tpu.memory_space<vmem_shared>>)
      tpu.yield
    }) : () -> ()
    "tpu.region"() ({
      %run_scoped3A = tpu.sem_alloc : memref<!tpu.dma_semaphore, #tpu.memory_space<semaphore_mem>>
      %dma_start3A = arith.constant 0 : i32
      %dma_start3A_21 = arith.constant 0 : i32
      %dma_start3A_22 = tpu.memref_slice %arg6[%dma_start3A, %dma_start3A_21] : memref<128x16xf32, #tpu.memory_space<hbm>> -> memref<64x16xf32, #tpu.memory_space<hbm>>
      %dma_start3A_23 = arith.constant 0 : i32
      %dma_start3A_24 = arith.constant 0 : i32
      %dma_start3A_25 = tpu.memref_slice %arg6[%dma_start3A_23, %dma_start3A_24] : memref<128x16xf32, #tpu.memory_space<hbm>> -> memref<64x16xf32, #tpu.memory_space<hbm>>
      tpu.enqueue_dma source(%dma_start3A_25 : memref<64x16xf32, #tpu.memory_space<hbm>>) target(%arg11 : memref<64x16xf32, #tpu.memory_space<vmem>>) target_semaphore(%run_scoped3A : memref<!tpu.dma_semaphore, #tpu.memory_space<semaphore_mem>>)
      %dma_wait3A = arith.constant 0 : i32
      %dma_wait3A_26 = arith.constant 0 : i32
      %dma_wait3A_27 = tpu.memref_slice %arg6[%dma_wait3A, %dma_wait3A_26] : memref<128x16xf32, #tpu.memory_space<hbm>> -> memref<64x16xf32, #tpu.memory_space<hbm>>
      %dma_wait3A_28 = arith.constant 0 : i32
      %dma_wait3A_29 = arith.constant 0 : i32
      %dma_wait3A_30 = tpu.memref_slice %arg6[%dma_wait3A_28, %dma_wait3A_29] : memref<128x16xf32, #tpu.memory_space<hbm>> -> memref<64x16xf32, #tpu.memory_space<hbm>>
      tpu.wait_dma2 semaphore(%run_scoped3A : memref<!tpu.dma_semaphore, #tpu.memory_space<semaphore_mem>>) src(%dma_wait3A_30 : memref<64x16xf32, #tpu.memory_space<hbm>>) dst(%arg11 : memref<64x16xf32, #tpu.memory_space<vmem>>)
      tpu.yield
    }) : () -> ()
    %mul3A_5 = arith.constant 8 : i32
    %mul3A_6 = arith.muli %add3A, %mul3A_5 : i32
    "tpu.region"() ({
      %run_scoped3A = tpu.sem_alloc : memref<!tpu.dma_semaphore, #tpu.memory_space<semaphore_mem>>
      %dma_start3A = arith.constant 0 : i32
      %dma_start3A_21 = tpu.memref_slice %arg3[%mul3A_6, %dma_start3A] : memref<256x64xi32, #tpu.memory_space<hbm>> -> memref<8x64xi32, #tpu.memory_space<hbm>>
      %dma_start3A_22 = arith.constant 0 : i32
      %dma_start3A_23 = tpu.memref_slice %arg3[%mul3A_6, %dma_start3A_22] : memref<256x64xi32, #tpu.memory_space<hbm>> -> memref<8x64xi32, #tpu.memory_space<hbm>>
      tpu.enqueue_dma source(%dma_start3A_23 : memref<8x64xi32, #tpu.memory_space<hbm>>) target(%arg9 : memref<8x64xi32, #tpu.memory_space<vmem>>) target_semaphore(%run_scoped3A : memref<!tpu.dma_semaphore, #tpu.memory_space<semaphore_mem>>)
      %dma_wait3A = arith.constant 0 : i32
      %dma_wait3A_24 = tpu.memref_slice %arg3[%mul3A_6, %dma_wait3A] : memref<256x64xi32, #tpu.memory_space<hbm>> -> memref<8x64xi32, #tpu.memory_space<hbm>>
      %dma_wait3A_25 = arith.constant 0 : i32
      %dma_wait3A_26 = tpu.memref_slice %arg3[%mul3A_6, %dma_wait3A_25] : memref<256x64xi32, #tpu.memory_space<hbm>> -> memref<8x64xi32, #tpu.memory_space<hbm>>
      tpu.wait_dma2 semaphore(%run_scoped3A : memref<!tpu.dma_semaphore, #tpu.memory_space<semaphore_mem>>) src(%dma_wait3A_26 : memref<8x64xi32, #tpu.memory_space<hbm>>) dst(%arg9 : memref<8x64xi32, #tpu.memory_space<vmem>>)
      tpu.yield
    }) : () -> ()
    %barrier3A = arith.constant 0 : index
    tpu.barrier barrier_id(%barrier3A)
    %scan3A = arith.constant 0 : i32
    %scan3A_7 = arith.constant 0 : i32
    %scan3A_8 = arith.constant 5 : i32
    %scan3A_9 = arith.addi %scan3A_7, %scan3A_8 : i32
    %scan3A_10 = arith.constant 1 : i32
    scf.for %scan3A_21 = %scan3A_7 to %scan3A_9 step %scan3A_10  : i32 {
      %mul3A_22 = arith.constant 320 : i32
      %mul3A_23 = arith.muli %add3A, %mul3A_22 : i32
      %mul3A_24 = arith.constant 64 : i32
      %mul3A_25 = arith.muli %scan3A_21, %mul3A_24 : i32
      %add3A_26 = arith.addi %mul3A_23, %mul3A_25 : i32
      "tpu.region"() ({
        %run_scoped3A = tpu.sem_alloc : memref<!tpu.dma_semaphore, #tpu.memory_space<semaphore_mem>>
        %dma_start3A = arith.constant 0 : i32
        %dma_start3A_27 = tpu.memref_slice %arg2[%add3A_26, %dma_start3A] : memref<10240x64xf32, #tpu.memory_space<hbm>> -> memref<64x64xf32, #tpu.memory_space<hbm>>
        %dma_start3A_28 = arith.constant 0 : i32
        %dma_start3A_29 = tpu.memref_slice %arg2[%add3A_26, %dma_start3A_28] : memref<10240x64xf32, #tpu.memory_space<hbm>> -> memref<64x64xf32, #tpu.memory_space<hbm>>
        tpu.enqueue_dma source(%dma_start3A_29 : memref<64x64xf32, #tpu.memory_space<hbm>>) target(%arg10 : memref<64x64xf32, #tpu.memory_space<vmem>>) target_semaphore(%run_scoped3A : memref<!tpu.dma_semaphore, #tpu.memory_space<semaphore_mem>>)
        %dma_wait3A = arith.constant 0 : i32
        %dma_wait3A_30 = tpu.memref_slice %arg2[%add3A_26, %dma_wait3A] : memref<10240x64xf32, #tpu.memory_space<hbm>> -> memref<64x64xf32, #tpu.memory_space<hbm>>
        %dma_wait3A_31 = arith.constant 0 : i32
        %dma_wait3A_32 = tpu.memref_slice %arg2[%add3A_26, %dma_wait3A_31] : memref<10240x64xf32, #tpu.memory_space<hbm>> -> memref<64x64xf32, #tpu.memory_space<hbm>>
        tpu.wait_dma2 semaphore(%run_scoped3A : memref<!tpu.dma_semaphore, #tpu.memory_space<semaphore_mem>>) src(%dma_wait3A_32 : memref<64x64xf32, #tpu.memory_space<hbm>>) dst(%arg10 : memref<64x64xf32, #tpu.memory_space<vmem>>)
        tpu.yield
      }) : () -> ()
      "tpu.region"() ({
        %run_scoped3A = tpu.sem_alloc : memref<!tpu.dma_semaphore, #tpu.memory_space<semaphore_mem>>
        %dma_start3A = arith.constant 0 : i32
        %dma_start3A_27 = tpu.memref_slice %arg9[%scan3A_21, %dma_start3A] : memref<8x64xi32, #tpu.memory_space<vmem>> -> memref<1x64xi32, #tpu.memory_space<vmem>>
        %dma_start3A_28 = tpu.memref_squeeze %dma_start3A_27 : memref<1x64xi32, #tpu.memory_space<vmem>> -> memref<64xi32, #tpu.memory_space<vmem>>
        %dma_start3A_29 = arith.constant 0 : i32
        %dma_start3A_30 = arith.constant 0 : i32
        %dma_start3A_31 = tpu.memref_slice %arg12[%dma_start3A_29, %dma_start3A_30] : memref<384x64xf32, #tpu.memory_space<vmem_shared>> -> memref<384x64xf32, #tpu.memory_space<vmem_shared>>
        tpu.enqueue_indirect_dma source(%arg10 : memref<64x64xf32, #tpu.memory_space<vmem>>) target(%dma_start3A_31 : memref<384x64xf32, #tpu.memory_space<vmem_shared>>) offsets(%dma_start3A_28 : memref<64xi32, #tpu.memory_space<vmem>>) semaphore(%run_scoped3A : memref<!tpu.dma_semaphore, #tpu.memory_space<semaphore_mem>>) {add = true}
        %dma_wait3A = arith.constant 0 : i32
        %dma_wait3A_32 = tpu.memref_slice %arg9[%scan3A_21, %dma_wait3A] : memref<8x64xi32, #tpu.memory_space<vmem>> -> memref<1x64xi32, #tpu.memory_space<vmem>>
        %dma_wait3A_33 = tpu.memref_squeeze %dma_wait3A_32 : memref<1x64xi32, #tpu.memory_space<vmem>> -> memref<64xi32, #tpu.memory_space<vmem>>
        %dma_wait3A_34 = arith.constant 0 : i32
        %dma_wait3A_35 = arith.constant 0 : i32
        %dma_wait3A_36 = tpu.memref_slice %arg12[%dma_wait3A_34, %dma_wait3A_35] : memref<384x64xf32, #tpu.memory_space<vmem_shared>> -> memref<384x64xf32, #tpu.memory_space<vmem_shared>>
        tpu.wait_indirect_dma semaphore(%run_scoped3A : memref<!tpu.dma_semaphore, #tpu.memory_space<semaphore_mem>>) src(%arg10 : memref<64x64xf32, #tpu.memory_space<vmem>>) dst(%dma_wait3A_36 : memref<384x64xf32, #tpu.memory_space<vmem_shared>>)
        tpu.yield
      }) : () -> ()
      "tpu.region"() ({
        %run_scoped3A = tpu.sem_alloc : memref<!tpu.dma_semaphore, #tpu.memory_space<semaphore_mem>>
        %dma_start3A = arith.constant 0 : i32
        %dma_start3A_27 = tpu.memref_slice %arg9[%scan3A_21, %dma_start3A] : memref<8x64xi32, #tpu.memory_space<vmem>> -> memref<1x64xi32, #tpu.memory_space<vmem>>
        %dma_start3A_28 = tpu.memref_squeeze %dma_start3A_27 : memref<1x64xi32, #tpu.memory_space<vmem>> -> memref<64xi32, #tpu.memory_space<vmem>>
        %dma_start3A_29 = arith.constant 0 : i32
        %dma_start3A_30 = arith.constant 0 : i32
        %dma_start3A_31 = tpu.memref_slice %arg13[%dma_start3A_29, %dma_start3A_30] : memref<384x16xf32, #tpu.memory_space<vmem_shared>> -> memref<384x16xf32, #tpu.memory_space<vmem_shared>>
        tpu.enqueue_indirect_dma source(%arg11 : memref<64x16xf32, #tpu.memory_space<vmem>>) target(%dma_start3A_31 : memref<384x16xf32, #tpu.memory_space<vmem_shared>>) offsets(%dma_start3A_28 : memref<64xi32, #tpu.memory_space<vmem>>) semaphore(%run_scoped3A : memref<!tpu.dma_semaphore, #tpu.memory_space<semaphore_mem>>) {add = true}
        %dma_wait3A = arith.constant 0 : i32
        %dma_wait3A_32 = tpu.memref_slice %arg9[%scan3A_21, %dma_wait3A] : memref<8x64xi32, #tpu.memory_space<vmem>> -> memref<1x64xi32, #tpu.memory_space<vmem>>
        %dma_wait3A_33 = tpu.memref_squeeze %dma_wait3A_32 : memref<1x64xi32, #tpu.memory_space<vmem>> -> memref<64xi32, #tpu.memory_space<vmem>>
        %dma_wait3A_34 = arith.constant 0 : i32
        %dma_wait3A_35 = arith.constant 0 : i32
        %dma_wait3A_36 = tpu.memref_slice %arg13[%dma_wait3A_34, %dma_wait3A_35] : memref<384x16xf32, #tpu.memory_space<vmem_shared>> -> memref<384x16xf32, #tpu.memory_space<vmem_shared>>
        tpu.wait_indirect_dma semaphore(%run_scoped3A : memref<!tpu.dma_semaphore, #tpu.memory_space<semaphore_mem>>) src(%arg11 : memref<64x16xf32, #tpu.memory_space<vmem>>) dst(%dma_wait3A_36 : memref<384x16xf32, #tpu.memory_space<vmem_shared>>)
        tpu.yield
      }) : () -> ()
    }
    %scan3A_11 = arith.constant 5 : i32
    %barrier3A_12 = arith.constant 0 : index
    tpu.barrier barrier_id(%barrier3A_12)
    %mul3A_13 = arith.constant 16 : i32
    %mul3A_14 = arith.muli %arg1, %mul3A_13 : i32
    %mul3A_15 = arith.constant 16 : i32
    %mul3A_16 = arith.muli %arg1, %mul3A_15 : i32
    "tpu.region"() ({
      %run_scoped3A = tpu.sem_alloc : memref<!tpu.dma_semaphore, #tpu.memory_space<semaphore_mem>>
      %dma_start3A = arith.constant 0 : i32
      %dma_start3A_21 = tpu.memref_slice %arg7[%arg0, %mul3A_16, %dma_start3A] : memref<2x256x64xf32, #tpu.memory_space<hbm>> -> memref<1x16x64xf32, #tpu.memory_space<hbm>>
      %dma_start3A_22 = tpu.memref_squeeze %dma_start3A_21 : memref<1x16x64xf32, #tpu.memory_space<hbm>> -> memref<16x64xf32, #tpu.memory_space<hbm>>
      %dma_start3A_23 = arith.constant 0 : i32
      %dma_start3A_24 = tpu.memref_slice %arg12[%mul3A_14, %dma_start3A_23] : memref<384x64xf32, #tpu.memory_space<vmem_shared>> -> memref<16x64xf32, #tpu.memory_space<vmem_shared>>
      tpu.enqueue_dma source(%dma_start3A_24 : memref<16x64xf32, #tpu.memory_space<vmem_shared>>) target(%dma_start3A_22 : memref<16x64xf32, #tpu.memory_space<hbm>>) target_semaphore(%run_scoped3A : memref<!tpu.dma_semaphore, #tpu.memory_space<semaphore_mem>>)
      %dma_wait3A = arith.constant 0 : i32
      %dma_wait3A_25 = tpu.memref_slice %arg7[%arg0, %mul3A_16, %dma_wait3A] : memref<2x256x64xf32, #tpu.memory_space<hbm>> -> memref<1x16x64xf32, #tpu.memory_space<hbm>>
      %dma_wait3A_26 = tpu.memref_squeeze %dma_wait3A_25 : memref<1x16x64xf32, #tpu.memory_space<hbm>> -> memref<16x64xf32, #tpu.memory_space<hbm>>
      %dma_wait3A_27 = arith.constant 0 : i32
      %dma_wait3A_28 = tpu.memref_slice %arg12[%mul3A_14, %dma_wait3A_27] : memref<384x64xf32, #tpu.memory_space<vmem_shared>> -> memref<16x64xf32, #tpu.memory_space<vmem_shared>>
      tpu.wait_dma2 semaphore(%run_scoped3A : memref<!tpu.dma_semaphore, #tpu.memory_space<semaphore_mem>>) src(%dma_wait3A_28 : memref<16x64xf32, #tpu.memory_space<vmem_shared>>) dst(%dma_wait3A_26 : memref<16x64xf32, #tpu.memory_space<hbm>>)
      tpu.yield
    }) : () -> ()
    %mul3A_17 = arith.constant 16 : i32
    %mul3A_18 = arith.muli %arg1, %mul3A_17 : i32
    %mul3A_19 = arith.constant 16 : i32
    %mul3A_20 = arith.muli %arg1, %mul3A_19 : i32
    "tpu.region"() ({
      %run_scoped3A = tpu.sem_alloc : memref<!tpu.dma_semaphore, #tpu.memory_space<semaphore_mem>>
      %dma_start3A = arith.constant 0 : i32
      %dma_start3A_21 = tpu.memref_slice %arg8[%arg0, %mul3A_20, %dma_start3A] : memref<2x256x16xf32, #tpu.memory_space<hbm>> -> memref<1x16x16xf32, #tpu.memory_space<hbm>>
      %dma_start3A_22 = tpu.memref_squeeze %dma_start3A_21 : memref<1x16x16xf32, #tpu.memory_space<hbm>> -> memref<16x16xf32, #tpu.memory_space<hbm>>
      %dma_start3A_23 = arith.constant 0 : i32
      %dma_start3A_24 = tpu.memref_slice %arg13[%mul3A_18, %dma_start3A_23] : memref<384x16xf32, #tpu.memory_space<vmem_shared>> -> memref<16x16xf32, #tpu.memory_space<vmem_shared>>
      tpu.enqueue_dma source(%dma_start3A_24 : memref<16x16xf32, #tpu.memory_space<vmem_shared>>) target(%dma_start3A_22 : memref<16x16xf32, #tpu.memory_space<hbm>>) target_semaphore(%run_scoped3A : memref<!tpu.dma_semaphore, #tpu.memory_space<semaphore_mem>>)
      %dma_wait3A = arith.constant 0 : i32
      %dma_wait3A_25 = tpu.memref_slice %arg8[%arg0, %mul3A_20, %dma_wait3A] : memref<2x256x16xf32, #tpu.memory_space<hbm>> -> memref<1x16x16xf32, #tpu.memory_space<hbm>>
      %dma_wait3A_26 = tpu.memref_squeeze %dma_wait3A_25 : memref<1x16x16xf32, #tpu.memory_space<hbm>> -> memref<16x16xf32, #tpu.memory_space<hbm>>
      %dma_wait3A_27 = arith.constant 0 : i32
      %dma_wait3A_28 = tpu.memref_slice %arg13[%mul3A_18, %dma_wait3A_27] : memref<384x16xf32, #tpu.memory_space<vmem_shared>> -> memref<16x16xf32, #tpu.memory_space<vmem_shared>>
      tpu.wait_dma2 semaphore(%run_scoped3A : memref<!tpu.dma_semaphore, #tpu.memory_space<semaphore_mem>>) src(%dma_wait3A_28 : memref<16x16xf32, #tpu.memory_space<vmem_shared>>) dst(%dma_wait3A_26 : memref<16x16xf32, #tpu.memory_space<hbm>>)
      tpu.yield
    }) : () -> ()
    return
  }
}

module attributes {stable_mosaic.version = 14 : i64} {
  func.func @_tc_g0_body(%arg0: memref<10000x128xf32, #tpu.memory_space<vmem>>, %arg1: memref<128x64xf32, #tpu.memory_space<vmem>>, %arg2: memref<2x10112x16xf32, #tpu.memory_space<vmem>>, %arg3: memref<10000x64xf32, #tpu.memory_space<vmem>>, %arg4: memref<10000x1xf32, #tpu.memory_space<vmem>>) attributes {dimension_semantics = [], scalar_prefetch = 0 : i64, scratch_operands = 0 : i64, tpu.core_type = #tpu.core_type<tc>} {
    %get3A = arith.constant 0 : index
    %get3A_0 = arith.constant 0 : index
    %get3A_1 = arith.constant 0 : index
    %get3A_2 = vector.load %arg2[%get3A, %get3A_0, %get3A_1] : memref<2x10112x16xf32, #tpu.memory_space<vmem>>, vector<1x10000x1xf32>
    %get3A_3 = vector.shape_cast %get3A_2 : vector<1x10000x1xf32> to vector<10000x1xf32>
    %get3A_4 = arith.constant 1 : index
    %get3A_5 = arith.constant 0 : index
    %get3A_6 = arith.constant 0 : index
    %get3A_7 = vector.load %arg2[%get3A_4, %get3A_5, %get3A_6] : memref<2x10112x16xf32, #tpu.memory_space<vmem>>, vector<1x10000x1xf32>
    %get3A_8 = vector.shape_cast %get3A_7 : vector<1x10000x1xf32> to vector<10000x1xf32>
    %add3A = arith.addf %get3A_3, %get3A_8 : vector<10000x1xf32>
    %add3A_9 = arith.constant 1.000000e+00 : f32
    %add3A_10 = vector.broadcast %add3A_9 : f32 to vector<10000x1xf32>
    %add3A_11 = arith.addf %add3A, %add3A_10 : vector<10000x1xf32>
    %rsqrt3A = math.rsqrt %add3A_11 : vector<10000x1xf32>
    %get3A_12 = arith.constant 0 : index
    %get3A_13 = arith.constant 0 : index
    %get3A_14 = vector.load %arg0[%get3A_12, %get3A_13] : memref<10000x128xf32, #tpu.memory_space<vmem>>, vector<10000x128xf32>
    %get3A_15 = arith.constant 0 : index
    %get3A_16 = arith.constant 0 : index
    %get3A_17 = vector.load %arg1[%get3A_15, %get3A_16] : memref<128x64xf32, #tpu.memory_space<vmem>>, vector<128x64xf32>
    %dot_general3A = arith.constant dense<0.000000e+00> : vector<10000x64xf32>
    %dot_general3A_18 = tpu.matmul %get3A_14, %get3A_17, %dot_general3A {dimension_numbers = #tpu.dot_dimension_numbers<[1], [0], [0], [1], [0, 0, 1, 1], [], []>, transpose_lhs_hint = false} : vector<10000x128xf32>, vector<128x64xf32>, vector<10000x64xf32> -> vector<10000x64xf32>
    %mul3A = vector.broadcast %rsqrt3A : vector<10000x1xf32> to vector<10000x64xf32>
    %mul3A_19 = arith.mulf %mul3A, %dot_general3A_18 : vector<10000x64xf32>
    %swap3A = arith.constant 0 : index
    %swap3A_20 = arith.constant 0 : index
    %swap3A_21 = vector.load %arg3[%swap3A, %swap3A_20] : memref<10000x64xf32, #tpu.memory_space<vmem>>, vector<10000x64xf32>
    tpu.vector_store %arg3[%swap3A, %swap3A_20], %mul3A_19 {strides = array<i32>} : memref<10000x64xf32, #tpu.memory_space<vmem>>, vector<10000x64xf32>,
    %swap3A_22 = arith.constant 0 : index
    %swap3A_23 = arith.constant 0 : index
    %swap3A_24 = vector.load %arg4[%swap3A_22, %swap3A_23] : memref<10000x1xf32, #tpu.memory_space<vmem>>, vector<10000x1xf32>
    tpu.vector_store %arg4[%swap3A_22, %swap3A_23], %rsqrt3A {strides = array<i32>} : memref<10000x1xf32, #tpu.memory_space<vmem>>, vector<10000x1xf32>,
    return
  }
}

module attributes {stable_mosaic.version = 14 : i64} {
  func.func @_tc_epi_body(%arg0: memref<2x10112x64xf32, #tpu.memory_space<vmem>>, %arg1: memref<10000x64xf32, #tpu.memory_space<vmem>>, %arg2: memref<10000x1xf32, #tpu.memory_space<vmem>>, %arg3: memref<1x64xf32, #tpu.memory_space<vmem>>, %arg4: memref<64x64xf32, #tpu.memory_space<vmem>>, %arg5: memref<10000x64xf32, #tpu.memory_space<vmem>>) attributes {dimension_semantics = [], scalar_prefetch = 0 : i64, scratch_operands = 0 : i64, tpu.core_type = #tpu.core_type<tc>} {
    %get3A = arith.constant 0 : index
    %get3A_0 = arith.constant 0 : index
    %get3A_1 = vector.load %arg2[%get3A, %get3A_0] : memref<10000x1xf32, #tpu.memory_space<vmem>>, vector<10000x1xf32>
    %get3A_2 = arith.constant 0 : index
    %get3A_3 = arith.constant 0 : index
    %get3A_4 = arith.constant 0 : index
    %get3A_5 = vector.load %arg0[%get3A_2, %get3A_3, %get3A_4] : memref<2x10112x64xf32, #tpu.memory_space<vmem>>, vector<1x10000x64xf32>
    %get3A_6 = vector.shape_cast %get3A_5 : vector<1x10000x64xf32> to vector<10000x64xf32>
    %get3A_7 = arith.constant 1 : index
    %get3A_8 = arith.constant 0 : index
    %get3A_9 = arith.constant 0 : index
    %get3A_10 = vector.load %arg0[%get3A_7, %get3A_8, %get3A_9] : memref<2x10112x64xf32, #tpu.memory_space<vmem>>, vector<1x10000x64xf32>
    %get3A_11 = vector.shape_cast %get3A_10 : vector<1x10000x64xf32> to vector<10000x64xf32>
    %add3A = arith.addf %get3A_6, %get3A_11 : vector<10000x64xf32>
    %get3A_12 = arith.constant 0 : index
    %get3A_13 = arith.constant 0 : index
    %get3A_14 = vector.load %arg1[%get3A_12, %get3A_13] : memref<10000x64xf32, #tpu.memory_space<vmem>>, vector<10000x64xf32>
    %add3A_15 = arith.addf %add3A, %get3A_14 : vector<10000x64xf32>
    %mul3A = vector.broadcast %get3A_1 : vector<10000x1xf32> to vector<10000x64xf32>
    %mul3A_16 = arith.mulf %mul3A, %add3A_15 : vector<10000x64xf32>
    %get3A_17 = arith.constant 0 : index
    %get3A_18 = arith.constant 0 : index
    %get3A_19 = vector.load %arg3[%get3A_17, %get3A_18] : memref<1x64xf32, #tpu.memory_space<vmem>>, vector<1x64xf32>
    %add3A_20 = vector.broadcast %get3A_19 : vector<1x64xf32> to vector<10000x64xf32>
    %add3A_21 = arith.addf %mul3A_16, %add3A_20 : vector<10000x64xf32>
    %max3A = arith.constant 0.000000e+00 : f32
    %max3A_22 = vector.broadcast %max3A : f32 to vector<10000x64xf32>
    %max3A_23 = arith.maximumf %add3A_21, %max3A_22 : vector<10000x64xf32>
    %get3A_24 = arith.constant 0 : index
    %get3A_25 = arith.constant 0 : index
    %get3A_26 = vector.load %arg4[%get3A_24, %get3A_25] : memref<64x64xf32, #tpu.memory_space<vmem>>, vector<64x64xf32>
    %dot_general3A = arith.constant dense<0.000000e+00> : vector<10000x64xf32>
    %dot_general3A_27 = tpu.matmul %max3A_23, %get3A_26, %dot_general3A {dimension_numbers = #tpu.dot_dimension_numbers<[1], [0], [0], [1], [0, 0, 1, 1], [], []>, transpose_lhs_hint = false} : vector<10000x64xf32>, vector<64x64xf32>, vector<10000x64xf32> -> vector<10000x64xf32>
    %mul3A_28 = vector.broadcast %get3A_1 : vector<10000x1xf32> to vector<10000x64xf32>
    %mul3A_29 = arith.mulf %mul3A_28, %dot_general3A_27 : vector<10000x64xf32>
    %swap3A = arith.constant 0 : index
    %swap3A_30 = arith.constant 0 : index
    %swap3A_31 = vector.load %arg5[%swap3A, %swap3A_30] : memref<10000x64xf32, #tpu.memory_space<vmem>>, vector<10000x64xf32>
    tpu.vector_store %arg5[%swap3A, %swap3A_30], %mul3A_29 {strides = array<i32>} : memref<10000x64xf32, #tpu.memory_space<vmem>>, vector<10000x64xf32>,
    return
  }
}

module attributes {stable_mosaic.version = 14 : i64} {
  func.func @_tc_last_body(%arg0: memref<2x10112x64xf32, #tpu.memory_space<vmem>>, %arg1: memref<10000x64xf32, #tpu.memory_space<vmem>>, %arg2: memref<10000x1xf32, #tpu.memory_space<vmem>>, %arg3: memref<1x64xf32, #tpu.memory_space<vmem>>, %arg4: memref<10000x64xf32, #tpu.memory_space<vmem>>) attributes {dimension_semantics = [], scalar_prefetch = 0 : i64, scratch_operands = 0 : i64, tpu.core_type = #tpu.core_type<tc>} {
    %get3A = arith.constant 0 : index
    %get3A_0 = arith.constant 0 : index
    %get3A_1 = vector.load %arg2[%get3A, %get3A_0] : memref<10000x1xf32, #tpu.memory_space<vmem>>, vector<10000x1xf32>
    %get3A_2 = arith.constant 0 : index
    %get3A_3 = arith.constant 0 : index
    %get3A_4 = arith.constant 0 : index
    %get3A_5 = vector.load %arg0[%get3A_2, %get3A_3, %get3A_4] : memref<2x10112x64xf32, #tpu.memory_space<vmem>>, vector<1x10000x64xf32>
    %get3A_6 = vector.shape_cast %get3A_5 : vector<1x10000x64xf32> to vector<10000x64xf32>
    %get3A_7 = arith.constant 1 : index
    %get3A_8 = arith.constant 0 : index
    %get3A_9 = arith.constant 0 : index
    %get3A_10 = vector.load %arg0[%get3A_7, %get3A_8, %get3A_9] : memref<2x10112x64xf32, #tpu.memory_space<vmem>>, vector<1x10000x64xf32>
    %get3A_11 = vector.shape_cast %get3A_10 : vector<1x10000x64xf32> to vector<10000x64xf32>
    %add3A = arith.addf %get3A_6, %get3A_11 : vector<10000x64xf32>
    %get3A_12 = arith.constant 0 : index
    %get3A_13 = arith.constant 0 : index
    %get3A_14 = vector.load %arg1[%get3A_12, %get3A_13] : memref<10000x64xf32, #tpu.memory_space<vmem>>, vector<10000x64xf32>
    %add3A_15 = arith.addf %add3A, %get3A_14 : vector<10000x64xf32>
    %mul3A = vector.broadcast %get3A_1 : vector<10000x1xf32> to vector<10000x64xf32>
    %mul3A_16 = arith.mulf %mul3A, %add3A_15 : vector<10000x64xf32>
    %get3A_17 = arith.constant 0 : index
    %get3A_18 = arith.constant 0 : index
    %get3A_19 = vector.load %arg3[%get3A_17, %get3A_18] : memref<1x64xf32, #tpu.memory_space<vmem>>, vector<1x64xf32>
    %add3A_20 = vector.broadcast %get3A_19 : vector<1x64xf32> to vector<10000x64xf32>
    %add3A_21 = arith.addf %mul3A_16, %add3A_20 : vector<10000x64xf32>
    %max3A = arith.constant 0.000000e+00 : f32
    %max3A_22 = vector.broadcast %max3A : f32 to vector<10000x64xf32>
    %max3A_23 = arith.maximumf %add3A_21, %max3A_22 : vector<10000x64xf32>
    %swap3A = arith.constant 0 : index
    %swap3A_24 = arith.constant 0 : index
    %swap3A_25 = vector.load %arg4[%swap3A, %swap3A_24] : memref<10000x64xf32, #tpu.memory_space<vmem>>, vector<10000x64xf32>
    tpu.vector_store %arg4[%swap3A, %swap3A_24], %max3A_23 {strides = array<i32>} : memref<10000x64xf32, #tpu.memory_space<vmem>>, vector<10000x64xf32>,
    return
  }
}

module attributes {stable_mosaic.version = 14 : i64} {
  func.func @_tc_head_body(%arg0: memref<2x256x64xf32, #tpu.memory_space<vmem>>, %arg1: memref<2x256x16xf32, #tpu.memory_space<vmem>>, %arg2: memref<64x1xf32, #tpu.memory_space<vmem>>, %arg3: memref<1x1xf32, #tpu.memory_space<vmem>>, %arg4: memref<256x1xf32, #tpu.memory_space<vmem>>, %arg5: memref<256x64xf32, #tpu.memory_space<vmem>>) attributes {dimension_semantics = [], scalar_prefetch = 0 : i64, scratch_operands = 0 : i64, tpu.core_type = #tpu.core_type<tc>} {
    %get3A = arith.constant 0 : index
    %get3A_0 = arith.constant 0 : index
    %get3A_1 = arith.constant 0 : index
    %get3A_2 = vector.load %arg1[%get3A, %get3A_0, %get3A_1] : memref<2x256x16xf32, #tpu.memory_space<vmem>>, vector<1x256x1xf32>
    %get3A_3 = vector.shape_cast %get3A_2 : vector<1x256x1xf32> to vector<256x1xf32>
    %get3A_4 = arith.constant 1 : index
    %get3A_5 = arith.constant 0 : index
    %get3A_6 = arith.constant 0 : index
    %get3A_7 = vector.load %arg1[%get3A_4, %get3A_5, %get3A_6] : memref<2x256x16xf32, #tpu.memory_space<vmem>>, vector<1x256x1xf32>
    %get3A_8 = vector.shape_cast %get3A_7 : vector<1x256x1xf32> to vector<256x1xf32>
    %add3A = arith.addf %get3A_3, %get3A_8 : vector<256x1xf32>
    %max3A = arith.constant 1.000000e+00 : f32
    %max3A_9 = vector.broadcast %max3A : f32 to vector<256x1xf32>
    %max3A_10 = arith.maximumf %add3A, %max3A_9 : vector<256x1xf32>
    %get3A_11 = arith.constant 0 : index
    %get3A_12 = arith.constant 0 : index
    %get3A_13 = arith.constant 0 : index
    %get3A_14 = vector.load %arg0[%get3A_11, %get3A_12, %get3A_13] : memref<2x256x64xf32, #tpu.memory_space<vmem>>, vector<1x256x64xf32>
    %get3A_15 = vector.shape_cast %get3A_14 : vector<1x256x64xf32> to vector<256x64xf32>
    %get3A_16 = arith.constant 1 : index
    %get3A_17 = arith.constant 0 : index
    %get3A_18 = arith.constant 0 : index
    %get3A_19 = vector.load %arg0[%get3A_16, %get3A_17, %get3A_18] : memref<2x256x64xf32, #tpu.memory_space<vmem>>, vector<1x256x64xf32>
    %get3A_20 = vector.shape_cast %get3A_19 : vector<1x256x64xf32> to vector<256x64xf32>
    %add3A_21 = arith.addf %get3A_15, %get3A_20 : vector<256x64xf32>
    %div3A = vector.broadcast %max3A_10 : vector<256x1xf32> to vector<256x64xf32>
    %div3A_22 = arith.divf %add3A_21, %div3A : vector<256x64xf32>
    %swap3A = arith.constant 0 : index
    %swap3A_23 = arith.constant 0 : index
    %swap3A_24 = vector.load %arg5[%swap3A, %swap3A_23] : memref<256x64xf32, #tpu.memory_space<vmem>>, vector<256x64xf32>
    tpu.vector_store %arg5[%swap3A, %swap3A_23], %div3A_22 {strides = array<i32>} : memref<256x64xf32, #tpu.memory_space<vmem>>, vector<256x64xf32>,
    %get3A_25 = arith.constant 0 : index
    %get3A_26 = arith.constant 0 : index
    %get3A_27 = vector.load %arg2[%get3A_25, %get3A_26] : memref<64x1xf32, #tpu.memory_space<vmem>>, vector<64x1xf32>
    %dot_general3A = arith.constant dense<0.000000e+00> : vector<256x1xf32>
    %dot_general3A_28 = tpu.matmul %div3A_22, %get3A_27, %dot_general3A {dimension_numbers = #tpu.dot_dimension_numbers<[1], [0], [0], [1], [0, 0, 1, 1], [], []>, transpose_lhs_hint = false} : vector<256x64xf32>, vector<64x1xf32>, vector<256x1xf32> -> vector<256x1xf32>
    %get3A_29 = arith.constant 0 : index
    %get3A_30 = arith.constant 0 : index
    %get3A_31 = vector.load %arg3[%get3A_29, %get3A_30] : memref<1x1xf32, #tpu.memory_space<vmem>>, vector<1x1xf32>
    %add3A_32 = vector.broadcast %get3A_31 : vector<1x1xf32> to vector<256x1xf32>
    %add3A_33 = arith.addf %dot_general3A_28, %add3A_32 : vector<256x1xf32>
    %swap3A_34 = arith.constant 0 : index
    %swap3A_35 = arith.constant 0 : index
    %swap3A_36 = vector.load %arg4[%swap3A_34, %swap3A_35] : memref<256x1xf32, #tpu.memory_space<vmem>>, vector<256x1xf32>
    tpu.vector_store %arg4[%swap3A_34, %swap3A_35], %add3A_33 {strides = array<i32>} : memref<256x1xf32, #tpu.memory_space<vmem>>, vector<256x1xf32>,
    return
  }
}

</mosaic_0001>

<sc_bundles>
// kernel: kernel.14.cloned.1.call-start
scs
__scs_entry_jumppad:
0x0: {  	(pc) =	sbr.rel $0x88, $3  }
0x1: {  	(tag) =	ssettag $0x0;
	lr =	simm.s32 $0x1  }
0x2: {  	[smem:$0x3F94] =	sst lr;
	_ =	strace $0xD0000000  }
0x3: {  	_ = 	snop  }
0x4: {  	_ = 	snop  }
0x5: {  	_ = 	snop  }
0x6: {  	_ = 	snop  }
0x7: {  	_ = 	snop  }
__scs_overlays_trampoline_lowered:
0x8: {  	[smem:$0x3FA3] =	sst s0  }
0x9: {  	[smem:$0x3FA4] =	sst s1  }
0xa: {  	[smem:$0x3FA5] =	sst s2  }
0xb: {  	[smem:$0x3FA6] =	sst s3  }
0xc: {  	[smem:$0x3FA7] =	sst s4  }
0xd: {  	[smem:$0x3FA8] =	sst s5  }
0xe: {  	[smem:$0x3FA9] =	sst s6  }
0xf: {  	[smem:$0x3FAA] =	sst s7  }
0x10: {  	[smem:$0x3FAB] =	sst s8  }
0x11: {  	[smem:$0x3FAC] =	sst s9;
	s0 =	simm.s32 @!p0 $0x0  }
0x12: {  	s1 =	sld [smem:$0x3F92];
	s0 =	simm.s32 @p0 $0x1  }
0x13: {  	[smem:$0x3FAD] =	sst s0;
	s0 =	simm.s32 @!p1 $0x0  }
0x14: {  	s2 =	sld [smem:$0x3F91];
	s0 =	simm.s32 @p1 $0x1  }
0x15: {  	[smem:$0x3FAE] =	sst s0;
	s0 =	simm.s32 @!p2 $0x0  }
0x16: {  	s3 =	sld [smem:$0x3FDB];
	s0 =	simm.s32 @p2 $0x1  }
0x17: {  	s4 =	simm.s32 $0x1BF5;
	[smem:$0x3FB0] =	sst s0  }
0x18: {  	s0 =	sld [smem:$0x3F93];
	_ =	swait.ge [sflag:s4], $0x0  }
0x19: {  	s7 =	sld [smem:$0x3F94]  }
0x1a: {  	s8 =	sadd.s32 $0xFFFFE003, lr  }
0x1b: {  	s9 =	sadd.s32 $0xFFFFFEF7, lr;
	s5 =	simm.s32 $0xFFFFFFFF;
	p2 =	slt.u32 s8, $0xFFFFF086  }
0x1c: {  	p1 =	slt.u32 s9, $0xF7A;
	s5 =	simm.s32 @!p2 $0x0  }
0x1d: {  	s5 =	simm.s32 @p1 $0x1;
	p0 =	seq.s32 s7, s2  }
0x1e: {  	s7 =	smul.u32 @!p0 $0xF7A, s2;
	p2 =	seq.s32 @!p0 s5, $0x0  }
0x1f: {  	s9 =	smul.u32 $0xF7A, s1;
	s8 =	simm.s32 @!p0 $0x1BF5;
	p2 =	por !p2, p0  }
0x20: {  	[sflag:s8] =	ssyncset.s32 @!p0 $0xFFFFF086;
	s6 =	sadd.s32 @!p0 s3, s7;
	s7 =	simm.s32 @!p0 $0x108  }
0x21: {  	s3 =	sadd.s32 s3, s9;
	s6 =	sadd.s32 @!p0 $0x88, s6;
	s7 =	simm.s32 @p2 $0x1082  }
0x22: {  	[simem:s7], [sflag:s8] =	dma.local @!p0 [hbm:s6], $0xF7A  }
0x23: {  	s9 =	sor.u32 $0xD0000000, s2;
	s6 =	simm.s32 $0x108;
	_ =	swait.ge @!p0 [sflag:s8], $0x0  }
0x24: {  	s3 =	sadd.s32 $0x88, s3;
	s6 =	simm.s32 @!p1 $0x1082;
	[sflag:s4] =	ssyncset.s32 $0xFFFFF086  }
0x25: {  	[simem:s6], [sflag:s4] =	dma.local [hbm:s3], $0xF7A  }
0x26: {  	[smem:$0x3F94] =	sst s1;
	(tag) =	ssettag s2;
	_ =	strace s9  }
0x27: {  	s1 =	sld [smem:$0x3FA4]  }
0x28: {  	s2 =	sld [smem:$0x3FA5]  }
0x29: {  	s4 =	sld [smem:$0x3FA7]  }
0x2a: {  	p0 =	seq.s32 s5, $0x0;
	s5 =	sld [smem:$0x3FA8]  }
0x2b: {  	s6 =	sld [smem:$0x3FA9]  }
0x2c: {  	s7 =	sld [smem:$0x3FAA]  }
0x2d: {  	s3 =	simm.s32 $0x108;
	s8 =	sld [smem:$0x3FAB]  }
0x2e: {  	s3 =	simm.s32 @!p0 $0x1082;
	s9 =	sld [smem:$0x3FAC]  }
0x2f: {  	lr =	sadd.s32 s0, s3;
	s0 =	sld [smem:$0x3FA3]  }
0x30: {  	s3 =	sld [smem:$0x3FA6]  }
0x31: {  	[smem:$0x3FAF] =	sst s10  }
0x32: {  	s10 =	sld [smem:$0x3FAD];
	_ =	sdelay $0x3  }
0x33: {  	p0 =	seq.s32 s10, $0x1;
	s10 =	sld [smem:$0x3FAF];
	_ =	sdelay $0x3  }
0x34: {  	[smem:$0x3FAF] =	sst s10  }
0x35: {  	s10 =	sld [smem:$0x3FAE];
	_ =	sdelay $0x3  }
0x36: {  	p1 =	seq.s32 s10, $0x1;
	s10 =	sld [smem:$0x3FAF];
	_ =	sdelay $0x3  }
0x37: {  	[smem:$0x3FAF] =	sst s10  }
0x38: {  	s10 =	sld [smem:$0x3FB0]  }
0x39: {  	_ = 	snop;
	(pc) =	sbr.ind lr, $3  }
0x3a: {  	_ = 	snop  }
0x3b: {  	_ = 	snop  }
0x3c: {  	p2 =	seq.s32 s10, $0x1;
	s10 =	sld [smem:$0x3FAF]  }
0x3d: {  	_ =	shalt  }
0x3e: {  	_ =	shalt  }
0x3f: {  	_ =	shalt  }
0x40: {  	_ =	shalt  }
0x41: {  	_ =	shalt  }
0x42: {  	_ =	shalt  }
0x43: {  	_ =	shalt  }
0x44: {  	_ =	shalt  }
0x45: {  	_ =	shalt  }
0x46: {  	_ =	shalt  }
0x47: {  	_ =	shalt  }
0x48: {  	_ =	shalt  }
0x49: {  	_ =	shalt  }
0x4a: {  	_ =	shalt  }
0x4b: {  	_ =	shalt  }
0x4c: {  	_ =	shalt  }
0x4d: {  	_ =	shalt  }
0x4e: {  	_ =	shalt  }
0x4f: {  	_ =	shalt  }
0x50: {  	_ =	shalt  }
0x51: {  	_ =	shalt  }
0x52: {  	_ =	shalt  }
0x53: {  	_ =	shalt  }
0x54: {  	_ =	shalt  }
0x55: {  	_ =	shalt  }
0x56: {  	_ =	shalt  }
0x57: {  	_ =	shalt  }
0x58: {  	_ =	shalt  }
0x59: {  	_ =	shalt  }
0x5a: {  	_ =	shalt  }
0x5b: {  	_ =	shalt  }
0x5c: {  	_ =	shalt  }
0x5d: {  	_ =	shalt  }
0x5e: {  	_ =	shalt  }
0x5f: {  	_ =	shalt  }
0x60: {  	_ =	shalt  }
0x61: {  	_ =	shalt  }
0x62: {  	_ =	shalt  }
0x63: {  	_ =	shalt  }
0x64: {  	_ =	shalt  }
0x65: {  	_ =	shalt  }
0x66: {  	_ =	shalt  }
0x67: {  	_ =	shalt  }
0x68: {  	_ =	shalt  }
0x69: {  	_ =	shalt  }
0x6a: {  	_ =	shalt  }
0x6b: {  	_ =	shalt  }
0x6c: {  	_ =	shalt  }
0x6d: {  	_ =	shalt  }
0x6e: {  	_ =	shalt  }
0x6f: {  	_ =	shalt  }
0x70: {  	_ =	shalt  }
0x71: {  	_ =	shalt  }
0x72: {  	_ =	shalt  }
0x73: {  	_ =	shalt  }
0x74: {  	_ =	shalt  }
0x75: {  	_ =	shalt  }
0x76: {  	_ =	shalt  }
0x77: {  	_ =	shalt  }
0x78: {  	_ =	shalt  }
0x79: {  	_ =	shalt  }
0x7a: {  	_ =	shalt  }
0x7b: {  	_ =	shalt  }
0x7c: {  	_ =	shalt  }
0x7d: {  	_ =	shalt  }
0x7e: {  	_ =	shalt  }
0x7f: {  	_ =	shalt  }
0x80: {  	_ =	shalt  }
0x81: {  	_ =	shalt  }
0x82: {  	_ =	shalt  }
0x83: {  	_ =	shalt  }
0x84: {  	_ =	shalt  }
0x85: {  	_ =	shalt  }
0x86: {  	_ =	shalt  }
0x87: {  	_ =	shalt  }
.Lfunc_end0:
.L_simem_size_0:
called_computation_lowered:
.L_overlay_start_0:
0x88: {  	s2 =	sld [smem:$0x3FD9]  }
0x89: {  	s3 =	sld [smem:$0x3FFE];
	_ =	sdelay $0x1  }
0x8a: {  	s1 =	srdreg.scid  }
0x8b: {  	s0 =	sand.u32 $0x1, s1  }
0x8c: {  	s16 =	sshll.u32 s0, $0xA;
	s2 =	sadd.s32 s3, s2  }
0x8d: {  	s2 =	sadd.s32 s2, s16  }
0x8e: {  	[smem:$0x3FBB] =	sst s2  }
0x8f: {  	_ = 	snop  }
0x90: {  	(tm) =	ssettm $0x1  }
0x91: {  	s17 =	sld [smem:$0x3FFB];
	_ =	sdelay $0x3  }
0x92: {  	_ =	strace s17  }
0x93: {  	s2 =	sld [smem:$0x3FFC];
	_ =	sdelay $0x3  }
0x94: {  	_ =	strace s2  }
0x95: {  	s2 =	sld [smem:$0x3FFD];
	_ =	sdelay $0x3  }
0x96: {  	_ =	strace s2  }
0x97: {  	_ =	strace $0x8FFFFFFF  }
0x98: {  	s18 =	sld [smem:$0x3FDB];
	_ =	sdelay $0x1  }
0x99: {  	s19 =	simm.s32 $_scs_section_size  }
0x9a: {  	s4 =	simm.s32 $_size__tile_overlayer_lowered;
	s5 =	simm.s32 $_tile_overlayer_lowered  }
0x9b: {  	s22 =	simm.s32 $0x1BFF;
	s21 =	sshll.u32 s5, $0x1;
	s2 =	sadd.s32 s19, s18  }
0x9c: {  	s6 =	simm.s32 $0x0;
	s20 =	sshll.u32 s4, $0x1;
	s4 =	sadd.s32 s21, s2  }
0x9d: {  	[timem:s6], [sflag:s22] =	dma.local [hbm:s4], s20  }
0x9e: {  	_ =	swait.ge [sflag:s22], s20  }
0x9f: {  	s3 =	ssub.s32 $0x0, s20;
	[sflag:s22] =	ssyncset.done $0x0  }
0xa0: {  	[sflag:s22] =	ssyncadd.s32 s3;
	_ =	sdelay $0x1  }
0xa1: {  	s23 =	simm.s32 $0x1B8B  }
0xa2: {  	_ =	swait.ge [sflag:s23], $0x1  }
0xa3: {  	[sflag:s23] =	ssyncset.done $0x0  }
0xa4: {  	s25 =	simm.s32 $0x1B8E;
	s24 =	sld [smem:$0x3FFE];
	[sflag:s23] =	ssyncadd.s32 $0xFFFFFFFF  }
0xa5: {  	s26 =	simm.s32 $execute0_lowered;
	[smem:$0x3FD2] =	sst s25  }
0xa6: {  	s4 =	sshll.u32 s26, $0x1;
	_ =	strace $0x80000046;
	[dreg:$0x1] =	wrdreg $0xFFFFFFFF  }
0xa7: {  	s28 =	simm.s32 $_size_execute0_lowered;
	s2 =	sadd.s32 s2, s4;
	[dreg:$0x0] =	wrdreg $0x0  }
0xa8: {  	s4 =	sshll.u32 s28, $0x1;
	[dreg:$0x2] =	wrdreg s2  }
0xa9: {  	[dreg:$0x3] =	wrdreg s4  }
0xaa: {  	[dreg:$0x4] =	wrdreg $0xC0  }
0xab: {  	_ =	task [dreg:s6], $0x5FFFF  }
0xac: {  	[dreg:$0x1] =	wrdreg $0xFFFFFFFF  }
0xad: {  	[dreg:$0x0] =	wrdreg $0x60  }
0xae: {  	[dreg:$0x2] =	wrdreg s24  }
0xaf: {  	[dreg:$0x3] =	wrdreg $0x30000  }
0xb0: {  	[dreg:$0x4] =	wrdreg $0x9  }
0xb1: {  	_ =	task.clear_ibuf [dreg:s6], $0x5FFFF;
	_ =	strace $0x90000046  }
0xb2: {  	s29 =	simm.s32 $0x9;
	_ =	strace $0x80000048  }
0xb3: {  	_ =	swait.ge [sflag:s29], $0x1  }
0xb4: {  	[sflag:s29] =	ssyncadd.s32 $0xFFFFFFFF  }
0xb5: {  	_ =	strace $0x90000048  }
0xb6: {  	_ =	sfence  }
0xb7: {  	s30 =	sld [smem:$0x0];
	_ =	sdelay $0x2  }
0xb8: {  	s31 =	sshll.u32 s1, $0xD;
	s1 =	sshrl.u32 s1, $0x2  }
0xb9: {  	s3 =	sand.u32 $0x4000, s31;
	s1 =	sadd.s32 s1, s30  }
0xba: {  	s0 =	sor.u32 s3, s0;
	s1 =	sshll.u32 s1, $0x11  }
0xbb: {  	s0 =	sor.u32 s1, s0  }
0xbc: {  	s0 =	sadd.s32 $0x8F2B, s0  }
0xbd: {  	[sflag:s0] =	ssyncadd.remote.s32 $0x1  }
0xbe: {  	_ =	sfence.sel $0xFFFF  }
0xbf: {  	[dreg:$0x0] =	wrdreg $0xFFFFFFFF;
	(pc) =	sbr.abs _section_cstart, $3  }
0xc0: {  	[dreg:$0x1] =	wrdreg $0xFFFFFFFF  }
0xc1: {  	_ =	task.clear_ibuf [dreg:s6], $0x2FFFF;
	_ =	strace $0x9FFFFFFF  }
0xc2: {  	(tm) =	ssettm $0x7FFFFFFF  }
0xc3: {  	_ =	shalt  }
tec
execute0_lowered:
.L_overlay_start_1:
0x0: {  	(tag) =	ssettag $0x1  }
0x1: {  	s5 =	rddreg [dreg:$0x0]  }
0x2: {  	s0 =	srdreg.scid;
	s2 =	rddreg [dreg:$0x1]  }
0x3: {  	s3 =	simm.s32 $0x0;
	s12 =	simm.s32 $0x2800;
	s13 =	simm.s32 $0x80  }
0x4: {  	s14 =	simm.s32 $0x0;
	s4 =	sand.u32 $0x1, s0;
	s0 =	stileid.u32  }
0x5: {  	[smem:$0x7FF] =	sst s3;
	s1 =	sshll.u32 s4, $0x4;
	s7 =	smul.u32 $0x2780, s0  }
0x6: {  	s8 =	smul.u32 $0x27800, s4;
	s10 =	ssub.s32 $0x2, s4;
	s4 =	sadd.s32 $0x12400, s5  }
0x7: {  	s31 =	sshll.u32 s0, $0x6;
	s1 =	sor.u32 s0, s1;
	s11 =	sshrl.u32 s10, $0x1  }
0x8: {  	s6 =	smul.u32 $0x500, s1;
	s1 =	rddreg [dreg:$0x2];
	_ =	strace $0x80000047  }
0x9: {  	s29 =	sshrl.u32 s7, $0x3;
	s8 =	sadd.s32 s7, s8;
	s10 =	ssub.s32 s10, s11  }
0xa: {  	s30 =	sadd.s32 s7, s2;
	s11 =	simm.s32 $0x1;
	s8 =	sshrl.u32 s8, $0x3  }
0xb: {  	s9 =	sadd.s32 s6, s5;
	s6 =	sadd.s32 s29, s5;
	s8 =	sadd.s32 s8, s5  }
0xc: {  	s5 =	sadd.s32 $0xD400, s6;
	s6 =	sor.u32 $0x1C01, s31;
	s7 =	sadd.s32 $0x3400, s9  }
0xd: {  	s8 =	sadd.s32 $0x12600, s8;
	s9 =	smax.u32 s10, $0x1;
	s10 =	sshrl.u32 s30, $0x3  }
.LBB2_1:
0xe: {  	[spmem:s10], [sflag:s6] =	dma.local [hbm:s5], $0x4F0  }
0xf: {  	_ =	swait.ge [sflag:s11], $0x4F0  }
0x10: {  	[sflag:s11] =	ssyncset.done $0x0  }
0x11: {  	[sflag:s11] =	ssyncadd.s32 $0xFFFFFB10  }
0x12: {  	[tilespmem:s12], [sflag:$0x1] =	stream.linear.gather [hbm4b:s4+s3], $0x800, $0x38;
	[tilespmem:$0x5780] =	vst v63  }
0x13: {  	_ =	swait.ge [sflag:s11], $0x800  }
0x14: {  	[sflag:s11] =	ssyncset.done $0x0  }
0x15: {  	[sflag:s11] =	ssyncadd.s32 $0xFFFFF800  }
0x16: {  	[tilespmem:s3], [sflag:$0x1] =	stream.linear.gather [hbm4b:s7+s3], $0x2800, $0x38;
	[tilespmem:$0x5780] =	vst v63  }
0x17: {  	_ =	swait.ge [sflag:s11], $0x2800  }
0x18: {  	[sflag:s11] =	ssyncset.done $0x0  }
0x19: {  	[sflag:s11] =	ssyncadd.s32 $0xFFFFD800  }
0x1a: {  	s15 =	simm.s32 $0x0;
	[bflag:$0x0] =	sbarrier.arrive $0xFFFF  }
0x1b: {  	[spmem:s2] =	stream.indirect.scatter.add.f32 [tilespmem:s12], [sflag:$0x1], $0x10, s15, s13, $0xb8;
	[tilespmem:$0x5780] =	vst v63  }
0x1c: {  	_ =	swait.ge [sflag:s11], $0x800  }
0x1d: {  	s15 =	simm.s32 $0x200;
	[sflag:s11] =	ssyncset.done $0x0  }
.LBB2_2:
0x1e: {  	s16 =	sshra.s32 s15, $0x2;
	[sflag:s11] =	ssyncadd.s32 $0xFFFFF800;
	p0 =	sne.s32 s15, $0x9E00  }
0x1f: {  	[spmem:s2] =	stream.indirect.scatter.add.f32 [tilespmem:s12], [sflag:$0x1], $0x10, s16, s13, $0xb8;
	[tilespmem:$0x5780] =	vst v63  }
.Ltmp0:
0x20: {  	_ = 	snop;
	(pc) =	sbr.rel @p0 .LBB2_2-.Ltmp0, $4  }
0x21: {  	_ = 	snop  }
0x22: {  	s15 =	sadd.s32 $0x200, s15  }
0x23: {  	_ =	swait.ge [sflag:s11], $0x800  }
0x24: {  	[sflag:s11] =	ssyncset.done $0x0  }
0x25: {  	s14 =	sadd.s32 $0x1, s14  }
0x26: {  	[sflag:s11] =	ssyncadd.s32 $0xFFFFF800;
	p0 =	sne.s32 s14, s9  }
.Ltmp1:
0x27: {  	[bflag:$0x0] =	sbarrier.arrive $0xFFFF;
	(pc) =	sbr.rel @p0 .LBB2_1-.Ltmp1, $4  }
0x28: {  	[hbm:s8], [sflag:s6] =	dma.local [spmem:s10], $0x4F0  }
0x29: {  	_ =	swait.ge [sflag:s11], $0x4F0  }
0x2a: {  	[sflag:s11] =	ssyncset.done $0x0  }
0x2b: {  	[sflag:s11] =	ssyncadd.s32 $0xFFFFFB10  }
0x2c: {  	_ =	sfence.sel $0x180000  }
0x2d: {  	[bflag:$0x0] =	sbarrier.arrive $0xFFFF  }
0x2e: {  	p0 =	sne.s32 s0, $0x0;
	_ =	strace $0x90000047  }
0x2f: {  	s0 =	sadd.s32 @!p0 $0x100000, s1;
	[bflag:$0x2] =	sbarrier.arrive $0xFFFF  }
0x30: {  	[sflag:s0] =	ssyncadd.tile.s32 @!p0 $0x1;
	_ =	shalt  }
.Lfunc_end2:
_tile_overlayer_lowered:
.L_overlay_start_2:
0x31: {  	(tag) =	ssettag $0x2  }
0x32: {  	s0 =	rddreg [dreg:$0x0];
	s2 =	stileid.u32  }
0x33: {  	s1 =	rddreg [dreg:$0x1];
	p0 =	sne.s32 s2, $0x0  }
0x34: {  	s3 =	rddreg [dreg:$0x2];
	[bflag:$0x3] =	sbarrier.arrive $0xFFFF;
	s2 =	simm.s32 @!p0 $0x1C01  }
0x35: {  	[timem:s3], [sflag:s2] =	dma.local @!p0 [hbm:s0], s1  }
0x36: {  	s0 =	simm.s32 @!p0 $0x1  }
0x37: {  	_ =	swait.ge @!p0 [sflag:s0], s1  }
0x38: {  	s1 =	ssub.s32 @!p0 $0x0, s1;
	[sflag:s0] =	ssyncset.done @!p0 $0x0  }
0x39: {  	[sflag:s0] =	ssyncadd.s32 @!p0 s1  }
0x3a: {  	[bflag:$0x3] =	sbarrier.arrive $0xFFFF  }
0x3b: {  	_ =	shalt  }

// kernel: kernel.17.cloned.1.call-start
scs
__scs_entry_jumppad:
0x0: {  	(pc) =	sbr.rel $0x88, $3  }
0x1: {  	(tag) =	ssettag $0x0;
	lr =	simm.s32 $0x1  }
0x2: {  	[smem:$0x3F94] =	sst lr;
	_ =	strace $0xD0000000  }
0x3: {  	_ = 	snop  }
0x4: {  	_ = 	snop  }
0x5: {  	_ = 	snop  }
0x6: {  	_ = 	snop  }
0x7: {  	_ = 	snop  }
__scs_overlays_trampoline_lowered:
0x8: {  	[smem:$0x3FA3] =	sst s0  }
0x9: {  	[smem:$0x3FA4] =	sst s1  }
0xa: {  	[smem:$0x3FA5] =	sst s2  }
0xb: {  	[smem:$0x3FA6] =	sst s3  }
0xc: {  	[smem:$0x3FA7] =	sst s4  }
0xd: {  	[smem:$0x3FA8] =	sst s5  }
0xe: {  	[smem:$0x3FA9] =	sst s6  }
0xf: {  	[smem:$0x3FAA] =	sst s7  }
0x10: {  	[smem:$0x3FAB] =	sst s8  }
0x11: {  	[smem:$0x3FAC] =	sst s9;
	s0 =	simm.s32 @!p0 $0x0  }
0x12: {  	s1 =	sld [smem:$0x3F92];
	s0 =	simm.s32 @p0 $0x1  }
0x13: {  	[smem:$0x3FAD] =	sst s0;
	s0 =	simm.s32 @!p1 $0x0  }
0x14: {  	s2 =	sld [smem:$0x3F91];
	s0 =	simm.s32 @p1 $0x1  }
0x15: {  	[smem:$0x3FAE] =	sst s0;
	s0 =	simm.s32 @!p2 $0x0  }
0x16: {  	s3 =	sld [smem:$0x3FDB];
	s0 =	simm.s32 @p2 $0x1  }
0x17: {  	s4 =	simm.s32 $0x1BF5;
	[smem:$0x3FB0] =	sst s0  }
0x18: {  	s0 =	sld [smem:$0x3F93];
	_ =	swait.ge [sflag:s4], $0x0  }
0x19: {  	s7 =	sld [smem:$0x3F94]  }
0x1a: {  	s8 =	sadd.s32 $0xFFFFE003, lr  }
0x1b: {  	s9 =	sadd.s32 $0xFFFFFEF7, lr;
	s5 =	simm.s32 $0xFFFFFFFF;
	p2 =	slt.u32 s8, $0xFFFFF086  }
0x1c: {  	p1 =	slt.u32 s9, $0xF7A;
	s5 =	simm.s32 @!p2 $0x0  }
0x1d: {  	s5 =	simm.s32 @p1 $0x1;
	p0 =	seq.s32 s7, s2  }
0x1e: {  	s7 =	smul.u32 @!p0 $0xF7A, s2;
	p2 =	seq.s32 @!p0 s5, $0x0  }
0x1f: {  	s9 =	smul.u32 $0xF7A, s1;
	s8 =	simm.s32 @!p0 $0x1BF5;
	p2 =	por !p2, p0  }
0x20: {  	[sflag:s8] =	ssyncset.s32 @!p0 $0xFFFFF086;
	s6 =	sadd.s32 @!p0 s3, s7;
	s7 =	simm.s32 @!p0 $0x108  }
0x21: {  	s3 =	sadd.s32 s3, s9;
	s6 =	sadd.s32 @!p0 $0x88, s6;
	s7 =	simm.s32 @p2 $0x1082  }
0x22: {  	[simem:s7], [sflag:s8] =	dma.local @!p0 [hbm:s6], $0xF7A  }
0x23: {  	s9 =	sor.u32 $0xD0000000, s2;
	s6 =	simm.s32 $0x108;
	_ =	swait.ge @!p0 [sflag:s8], $0x0  }
0x24: {  	s3 =	sadd.s32 $0x88, s3;
	s6 =	simm.s32 @!p1 $0x1082;
	[sflag:s4] =	ssyncset.s32 $0xFFFFF086  }
0x25: {  	[simem:s6], [sflag:s4] =	dma.local [hbm:s3], $0xF7A  }
0x26: {  	[smem:$0x3F94] =	sst s1;
	(tag) =	ssettag s2;
	_ =	strace s9  }
0x27: {  	s1 =	sld [smem:$0x3FA4]  }
0x28: {  	s2 =	sld [smem:$0x3FA5]  }
0x29: {  	s4 =	sld [smem:$0x3FA7]  }
0x2a: {  	p0 =	seq.s32 s5, $0x0;
	s5 =	sld [smem:$0x3FA8]  }
0x2b: {  	s6 =	sld [smem:$0x3FA9]  }
0x2c: {  	s7 =	sld [smem:$0x3FAA]  }
0x2d: {  	s3 =	simm.s32 $0x108;
	s8 =	sld [smem:$0x3FAB]  }
0x2e: {  	s3 =	simm.s32 @!p0 $0x1082;
	s9 =	sld [smem:$0x3FAC]  }
0x2f: {  	lr =	sadd.s32 s0, s3;
	s0 =	sld [smem:$0x3FA3]  }
0x30: {  	s3 =	sld [smem:$0x3FA6]  }
0x31: {  	[smem:$0x3FAF] =	sst s10  }
0x32: {  	s10 =	sld [smem:$0x3FAD];
	_ =	sdelay $0x3  }
0x33: {  	p0 =	seq.s32 s10, $0x1;
	s10 =	sld [smem:$0x3FAF];
	_ =	sdelay $0x3  }
0x34: {  	[smem:$0x3FAF] =	sst s10  }
0x35: {  	s10 =	sld [smem:$0x3FAE];
	_ =	sdelay $0x3  }
0x36: {  	p1 =	seq.s32 s10, $0x1;
	s10 =	sld [smem:$0x3FAF];
	_ =	sdelay $0x3  }
0x37: {  	[smem:$0x3FAF] =	sst s10  }
0x38: {  	s10 =	sld [smem:$0x3FB0]  }
0x39: {  	_ = 	snop;
	(pc) =	sbr.ind lr, $3  }
0x3a: {  	_ = 	snop  }
0x3b: {  	_ = 	snop  }
0x3c: {  	p2 =	seq.s32 s10, $0x1;
	s10 =	sld [smem:$0x3FAF]  }
0x3d: {  	_ =	shalt  }
0x3e: {  	_ =	shalt  }
0x3f: {  	_ =	shalt  }
0x40: {  	_ =	shalt  }
0x41: {  	_ =	shalt  }
0x42: {  	_ =	shalt  }
0x43: {  	_ =	shalt  }
0x44: {  	_ =	shalt  }
0x45: {  	_ =	shalt  }
0x46: {  	_ =	shalt  }
0x47: {  	_ =	shalt  }
0x48: {  	_ =	shalt  }
0x49: {  	_ =	shalt  }
0x4a: {  	_ =	shalt  }
0x4b: {  	_ =	shalt  }
0x4c: {  	_ =	shalt  }
0x4d: {  	_ =	shalt  }
0x4e: {  	_ =	shalt  }
0x4f: {  	_ =	shalt  }
0x50: {  	_ =	shalt  }
0x51: {  	_ =	shalt  }
0x52: {  	_ =	shalt  }
0x53: {  	_ =	shalt  }
0x54: {  	_ =	shalt  }
0x55: {  	_ =	shalt  }
0x56: {  	_ =	shalt  }
0x57: {  	_ =	shalt  }
0x58: {  	_ =	shalt  }
0x59: {  	_ =	shalt  }
0x5a: {  	_ =	shalt  }
0x5b: {  	_ =	shalt  }
0x5c: {  	_ =	shalt  }
0x5d: {  	_ =	shalt  }
0x5e: {  	_ =	shalt  }
0x5f: {  	_ =	shalt  }
0x60: {  	_ =	shalt  }
0x61: {  	_ =	shalt  }
0x62: {  	_ =	shalt  }
0x63: {  	_ =	shalt  }
0x64: {  	_ =	shalt  }
0x65: {  	_ =	shalt  }
0x66: {  	_ =	shalt  }
0x67: {  	_ =	shalt  }
0x68: {  	_ =	shalt  }
0x69: {  	_ =	shalt  }
0x6a: {  	_ =	shalt  }
0x6b: {  	_ =	shalt  }
0x6c: {  	_ =	shalt  }
0x6d: {  	_ =	shalt  }
0x6e: {  	_ =	shalt  }
0x6f: {  	_ =	shalt  }
0x70: {  	_ =	shalt  }
0x71: {  	_ =	shalt  }
0x72: {  	_ =	shalt  }
0x73: {  	_ =	shalt  }
0x74: {  	_ =	shalt  }
0x75: {  	_ =	shalt  }
0x76: {  	_ =	shalt  }
0x77: {  	_ =	shalt  }
0x78: {  	_ =	shalt  }
0x79: {  	_ =	shalt  }
0x7a: {  	_ =	shalt  }
0x7b: {  	_ =	shalt  }
0x7c: {  	_ =	shalt  }
0x7d: {  	_ =	shalt  }
0x7e: {  	_ =	shalt  }
0x7f: {  	_ =	shalt  }
0x80: {  	_ =	shalt  }
0x81: {  	_ =	shalt  }
0x82: {  	_ =	shalt  }
0x83: {  	_ =	shalt  }
0x84: {  	_ =	shalt  }
0x85: {  	_ =	shalt  }
0x86: {  	_ =	shalt  }
0x87: {  	_ =	shalt  }
.Lfunc_end0:
.L_simem_size_0:
called_computation.1_lowered:
.L_overlay_start_0:
0x88: {  	s2 =	sld [smem:$0x3FD9]  }
0x89: {  	s3 =	sld [smem:$0x3FFE];
	_ =	sdelay $0x1  }
0x8a: {  	s1 =	srdreg.scid  }
0x8b: {  	s0 =	sand.u32 $0x1, s1  }
0x8c: {  	s16 =	sshll.u32 s0, $0xA;
	s2 =	sadd.s32 s3, s2  }
0x8d: {  	s2 =	sadd.s32 s2, s16  }
0x8e: {  	[smem:$0x3FBB] =	sst s2  }
0x8f: {  	_ = 	snop  }
0x90: {  	(tm) =	ssettm $0x1  }
0x91: {  	s17 =	sld [smem:$0x3FFB];
	_ =	sdelay $0x3  }
0x92: {  	_ =	strace s17  }
0x93: {  	s2 =	sld [smem:$0x3FFC];
	_ =	sdelay $0x3  }
0x94: {  	_ =	strace s2  }
0x95: {  	s2 =	sld [smem:$0x3FFD];
	_ =	sdelay $0x3  }
0x96: {  	_ =	strace s2  }
0x97: {  	_ =	strace $0x8FFFFFFF  }
0x98: {  	s18 =	sld [smem:$0x3FDB];
	_ =	sdelay $0x1  }
0x99: {  	s19 =	simm.s32 $_scs_section_size  }
0x9a: {  	s4 =	simm.s32 $_size__tile_overlayer_lowered;
	s5 =	simm.s32 $_tile_overlayer_lowered  }
0x9b: {  	s22 =	simm.s32 $0x1BFF;
	s21 =	sshll.u32 s5, $0x1;
	s2 =	sadd.s32 s19, s18  }
0x9c: {  	s6 =	simm.s32 $0x0;
	s20 =	sshll.u32 s4, $0x1;
	s4 =	sadd.s32 s21, s2  }
0x9d: {  	[timem:s6], [sflag:s22] =	dma.local [hbm:s4], s20  }
0x9e: {  	_ =	swait.ge [sflag:s22], s20  }
0x9f: {  	s3 =	ssub.s32 $0x0, s20;
	[sflag:s22] =	ssyncset.done $0x0  }
0xa0: {  	[sflag:s22] =	ssyncadd.s32 s3;
	_ =	sdelay $0x1  }
0xa1: {  	s23 =	simm.s32 $0x1B8B  }
0xa2: {  	_ =	swait.ge [sflag:s23], $0x1  }
0xa3: {  	[sflag:s23] =	ssyncset.done $0x0  }
0xa4: {  	s25 =	simm.s32 $0x1B8E;
	s24 =	sld [smem:$0x3FFE];
	[sflag:s23] =	ssyncadd.s32 $0xFFFFFFFF  }
0xa5: {  	s26 =	simm.s32 $execute0_lowered;
	[smem:$0x3FD2] =	sst s25  }
0xa6: {  	s4 =	sshll.u32 s26, $0x1;
	_ =	strace $0x80000049;
	[dreg:$0x1] =	wrdreg $0xFFFFFFFF  }
0xa7: {  	s28 =	simm.s32 $_size_execute0_lowered;
	s2 =	sadd.s32 s2, s4;
	[dreg:$0x0] =	wrdreg $0x0  }
0xa8: {  	s4 =	sshll.u32 s28, $0x1;
	[dreg:$0x2] =	wrdreg s2  }
0xa9: {  	[dreg:$0x3] =	wrdreg s4  }
0xaa: {  	[dreg:$0x4] =	wrdreg $0xC0  }
0xab: {  	_ =	task [dreg:s6], $0x5FFFF  }
0xac: {  	[dreg:$0x1] =	wrdreg $0xFFFFFFFF  }
0xad: {  	[dreg:$0x0] =	wrdreg $0x60  }
0xae: {  	[dreg:$0x2] =	wrdreg s24  }
0xaf: {  	[dreg:$0x3] =	wrdreg $0xD0000  }
0xb0: {  	[dreg:$0x4] =	wrdreg $0x9  }
0xb1: {  	_ =	task.clear_ibuf [dreg:s6], $0x5FFFF;
	_ =	strace $0x90000049  }
0xb2: {  	s29 =	simm.s32 $0x9;
	_ =	strace $0x8000004B  }
0xb3: {  	_ =	swait.ge [sflag:s29], $0x1  }
0xb4: {  	[sflag:s29] =	ssyncadd.s32 $0xFFFFFFFF  }
0xb5: {  	_ =	strace $0x9000004B  }
0xb6: {  	_ =	sfence  }
0xb7: {  	s30 =	sld [smem:$0x0];
	_ =	sdelay $0x2  }
0xb8: {  	s31 =	sshll.u32 s1, $0xD;
	s1 =	sshrl.u32 s1, $0x2  }
0xb9: {  	s3 =	sand.u32 $0x4000, s31;
	s1 =	sadd.s32 s1, s30  }
0xba: {  	s0 =	sor.u32 s3, s0;
	s1 =	sshll.u32 s1, $0x11  }
0xbb: {  	s0 =	sor.u32 s1, s0  }
0xbc: {  	s0 =	sadd.s32 $0x8F2B, s0  }
0xbd: {  	[sflag:s0] =	ssyncadd.remote.s32 $0x1  }
0xbe: {  	_ =	sfence.sel $0xFFFF  }
0xbf: {  	[dreg:$0x0] =	wrdreg $0xFFFFFFFF;
	(pc) =	sbr.abs _section_cstart, $3  }
0xc0: {  	[dreg:$0x1] =	wrdreg $0xFFFFFFFF  }
0xc1: {  	_ =	task.clear_ibuf [dreg:s6], $0x2FFFF;
	_ =	strace $0x9FFFFFFF  }
0xc2: {  	(tm) =	ssettm $0x7FFFFFFF  }
0xc3: {  	_ =	shalt  }
tec
execute0_lowered:
.L_overlay_start_1:
0x0: {  	(tag) =	ssettag $0x1  }
0x1: {  	s0 =	srdreg.scid  }
0x2: {  	s10 =	stileid.u32;
	s5 =	rddreg [dreg:$0x0]  }
0x3: {  	s2 =	rddreg [dreg:$0x1];
	s3 =	simm.s32 $0x0;
	s12 =	simm.s32 $0x9  }
0x4: {  	s13 =	simm.s32 $0x2800;
	s14 =	simm.s32 $0x80;
	s15 =	simm.s32 $0x5000  }
0x5: {  	s16 =	simm.s32 $0x7000;
	s17 =	simm.s32 $0x1;
	s19 =	simm.s32 $0x9000  }
0x6: {  	s20 =	simm.s32 $0x2;
	s23 =	simm.s32 $0xB000;
	s24 =	simm.s32 $0x3  }
0x7: {  	s25 =	simm.s32 $0x5;
	s29 =	simm.s32 $0x4;
	s30 =	simm.s32 $0x6  }
0x8: {  	s31 =	simm.s32 $0x2980;
	s18 =	simm.s32 $0x8;
	s21 =	simm.s32 $0x0  }
0x9: {  	s0 =	sand.u32 $0x1, s0;
	s6 =	smul.u32 $0x9E00, s10;
	[smem:$0x7FF] =	sst s3  }
0xa: {  	s4 =	sadd.s32 $0x26400, s5;
	s28 =	sshll.u32 s10, $0x6;
	s1 =	sshll.u32 s0, $0x4  }
0xb: {  	s7 =	smul.u32 $0x9E000, s0;
	_ =	strace $0x8000004A;
	s0 =	ssub.s32 $0x2, s0  }
0xc: {  	s1 =	sor.u32 s10, s1;
	s8 =	sshrl.u32 s6, $0x3;
	s26 =	sshrl.u32 s0, $0x1  }
0xd: {  	s11 =	sadd.s32 s6, s2;
	s1 =	smul.u32 $0x500, s1;
	s7 =	sadd.s32 s6, s7  }
.Ltmp0:
0xe: {  	s8 =	sadd.s32 s8, s5;
	s0 =	ssub.s32 s0, s26;
	(pc) =	sbr.rel .LBB2_1-.Ltmp0, $4  }
0xf: {  	s6 =	sor.u32 $0x1C09, s28;
	s11 =	sshrl.u32 s11, $0x3;
	s7 =	sshrl.u32 s7, $0x3  }
0x10: {  	s10 =	smax.u32 s0, $0x1;
	s0 =	simm.s32 $0x7;
	s1 =	sadd.s32 s1, s5  }
0x11: {  	s9 =	sadd.s32 s7, s5;
	s5 =	sadd.s32 $0x39E00, s8;
	s7 =	sadd.s32 $0x1C400, s1  }
0x12: {  	s8 =	sadd.s32 $0x3400, s1;
	s9 =	sadd.s32 $0x4DA00, s9;
	s1 =	simm.s32 $0x280  }
.LBB2_4:
0x13: {  	_ =	swait.ge [sflag:s29], $0x2000  }
0x14: {  	[sflag:s29] =	ssyncset.done $0x0  }
0x15: {  	[sflag:s29] =	ssyncadd.s32 $0xFFFFE000  }
0x16: {  	_ =	swait.ge [sflag:s30], $0x2000  }
0x17: {  	[sflag:s30] =	ssyncset.done $0x0  }
0x18: {  	s22 =	sadd.s32 $0x2B80, s26;
	[sflag:s30] =	ssyncadd.s32 $0xFFFFE000  }
0x19: {  	[spmem:s2] =	stream.indirect.scatter.add.f32 [tilespmem:s23], [sflag:$0x8], $0x40, s22, s14, $0xb8;
	[tilespmem:$0x16E00] =	vst v63  }
0x1a: {  	_ =	swait.ge [sflag:s0], $0x2000  }
0x1b: {  	[sflag:s0] =	ssyncset.done $0x0  }
0x1c: {  	[sflag:s0] =	ssyncadd.s32 $0xFFFFE000  }
0x1d: {  	_ =	swait.ge [sflag:s18], $0x2000  }
0x1e: {  	s21 =	sadd.s32 $0x1, s21;
	[sflag:s18] =	ssyncset.done $0x0  }
0x1f: {  	p0 =	sne.s32 s21, s10;
	[sflag:s18] =	ssyncadd.s32 $0xFFFFE000  }
.Ltmp1:
0x20: {  	[bflag:$0x0] =	sbarrier.arrive $0xFFFF;
	(pc) =	sbr.rel @!p0 .LBB2_5-.Ltmp1, $4  }
0x21: {  	[hbm:s9], [sflag:s6] =	dma.local [spmem:s11], $0x13C0  }
0x22: {  	_ =	swait.ge [sflag:s12], $0x13C0  }
0x23: {  	[sflag:s12] =	ssyncset.done $0x0  }
0x24: {  	[sflag:s12] =	ssyncadd.s32 $0xFFFFEC40  }
.LBB2_1:
0x25: {  	[spmem:s11], [sflag:s6] =	dma.local [hbm:s5], $0x13C0  }
0x26: {  	_ =	swait.ge [sflag:s12], $0x13C0  }
0x27: {  	[sflag:s12] =	ssyncset.done $0x0  }
0x28: {  	[sflag:s12] =	ssyncadd.s32 $0xFFFFEC40  }
0x29: {  	[tilespmem:s3], [sflag:$0x9] =	stream.linear.gather [hbm4b:s7+s3], $0x2800, $0x38;
	[tilespmem:$0x16E00] =	vst v63  }
0x2a: {  	_ =	swait.ge [sflag:s12], $0x2800  }
0x2b: {  	[sflag:s12] =	ssyncset.done $0x0  }
0x2c: {  	[sflag:s12] =	ssyncadd.s32 $0xFFFFD800  }
0x2d: {  	[tilespmem:s13], [sflag:$0x9] =	stream.linear.gather [hbm4b:s8+s3], $0x2800, $0x38;
	[tilespmem:$0x16E00] =	vst v63  }
0x2e: {  	_ =	swait.ge [sflag:s12], $0x2800  }
0x2f: {  	[sflag:s12] =	ssyncset.done $0x0  }
0x30: {  	[sflag:s12] =	ssyncadd.s32 $0xFFFFD800  }
0x31: {  	[bflag:$0x0] =	sbarrier.arrive $0xFFFF  }
0x32: {  	[tilespmem:s15], [sflag:$0x1] =	stream.indirect.gather [hbm4b:s4+s14], $0x40, s3, s14, $0xb8;
	[tilespmem:$0x16E00] =	vst v63  }
0x33: {  	_ = 	snop  }
0x34: {  	[tilespmem:s16], [sflag:$0x2] =	stream.indirect.gather [hbm4b:s4+s14], $0x40, s14, s14, $0xb8;
	[tilespmem:$0x16E00] =	vst v63  }
0x35: {  	_ =	swait.ge [sflag:s17], $0x2000  }
0x36: {  	[sflag:s17] =	ssyncset.done $0x0  }
0x37: {  	[sflag:s17] =	ssyncadd.s32 $0xFFFFE000  }
0x38: {  	[spmem:s2] =	stream.indirect.scatter.add.f32 [tilespmem:s15], [sflag:$0x5], $0x40, s13, s14, $0xb8;
	[tilespmem:$0x16E00] =	vst v63  }
0x39: {  	s22 =	simm.s32 $0x100  }
0x3a: {  	[tilespmem:s19], [sflag:$0x3] =	stream.indirect.gather [hbm4b:s4+s14], $0x40, s22, s14, $0xb8;
	[tilespmem:$0x16E00] =	vst v63  }
0x3b: {  	_ =	swait.ge [sflag:s20], $0x2000  }
0x3c: {  	[sflag:s20] =	ssyncset.done $0x0  }
0x3d: {  	s26 =	simm.s32 $0x2880;
	[sflag:s20] =	ssyncadd.s32 $0xFFFFE000  }
0x3e: {  	[spmem:s2] =	stream.indirect.scatter.add.f32 [tilespmem:s16], [sflag:$0x6], $0x40, s26, s14, $0xb8;
	[tilespmem:$0x16E00] =	vst v63  }
0x3f: {  	s28 =	simm.s32 $0x180  }
0x40: {  	[tilespmem:s23], [sflag:$0x4] =	stream.indirect.gather [hbm4b:s4+s14], $0x40, s28, s14, $0xb8;
	[tilespmem:$0x16E00] =	vst v63  }
0x41: {  	_ =	swait.ge [sflag:s24], $0x2000  }
0x42: {  	[sflag:s24] =	ssyncset.done $0x0  }
0x43: {  	[sflag:s24] =	ssyncadd.s32 $0xFFFFE000  }
0x44: {  	_ =	swait.ge [sflag:s25], $0x2000  }
0x45: {  	[sflag:s25] =	ssyncset.done $0x0  }
0x46: {  	s26 =	simm.s32 $0x2900;
	[sflag:s25] =	ssyncadd.s32 $0xFFFFE000  }
0x47: {  	[spmem:s2] =	stream.indirect.scatter.add.f32 [tilespmem:s19], [sflag:$0x7], $0x40, s26, s14, $0xb8;
	[tilespmem:$0x16E00] =	vst v63  }
0x48: {  	s28 =	simm.s32 $0x200  }
0x49: {  	[tilespmem:s15], [sflag:$0x1] =	stream.indirect.gather [hbm4b:s4+s14], $0x40, s28, s14, $0xb8;
	[tilespmem:$0x16E00] =	vst v63  }
0x4a: {  	_ =	swait.ge [sflag:s29], $0x2000  }
0x4b: {  	[sflag:s29] =	ssyncset.done $0x0  }
0x4c: {  	[sflag:s29] =	ssyncadd.s32 $0xFFFFE000  }
0x4d: {  	_ =	swait.ge [sflag:s30], $0x2000  }
0x4e: {  	[sflag:s30] =	ssyncset.done $0x0  }
0x4f: {  	[sflag:s30] =	ssyncadd.s32 $0xFFFFE000  }
0x50: {  	[spmem:s2] =	stream.indirect.scatter.add.f32 [tilespmem:s23], [sflag:$0x8], $0x40, s31, s14, $0xb8;
	[tilespmem:$0x16E00] =	vst v63  }
0x51: {  	s22 =	simm.s32 $0x0  }
0x52: {  	[tilespmem:s16], [sflag:$0x2] =	stream.indirect.gather [hbm4b:s4+s14], $0x40, s1, s14, $0xb8;
	[tilespmem:$0x16E00] =	vst v63  }
.LBB2_2:
0x53: {  	_ =	swait.ge [sflag:s17], $0x2000  }
0x54: {  	[sflag:s17] =	ssyncset.done $0x0  }
0x55: {  	[sflag:s17] =	ssyncadd.s32 $0xFFFFE000  }
0x56: {  	_ =	swait.ge [sflag:s0], $0x2000  }
0x57: {  	s26 =	sshra.s32 s22, $0x2;
	[sflag:s0] =	ssyncset.done $0x0  }
0x58: {  	s28 =	sadd.s32 $0x2A00, s26;
	[sflag:s0] =	ssyncadd.s32 $0xFFFFE000  }
0x59: {  	[spmem:s2] =	stream.indirect.scatter.add.f32 [tilespmem:s15], [sflag:$0x5], $0x40, s28, s14, $0xb8;
	[tilespmem:$0x16E00] =	vst v63  }
0x5a: {  	s28 =	sadd.s32 $0x300, s26  }
0x5b: {  	[tilespmem:s19], [sflag:$0x3] =	stream.indirect.gather [hbm4b:s4+s14], $0x40, s28, s14, $0xb8;
	[tilespmem:$0x16E00] =	vst v63  }
0x5c: {  	_ =	swait.ge [sflag:s20], $0x2000  }
0x5d: {  	[sflag:s20] =	ssyncset.done $0x0  }
0x5e: {  	[sflag:s20] =	ssyncadd.s32 $0xFFFFE000  }
0x5f: {  	_ =	swait.ge [sflag:s18], $0x2000  }
0x60: {  	[sflag:s18] =	ssyncset.done $0x0  }
0x61: {  	s28 =	sadd.s32 $0x2A80, s26;
	[sflag:s18] =	ssyncadd.s32 $0xFFFFE000  }
0x62: {  	[spmem:s2] =	stream.indirect.scatter.add.f32 [tilespmem:s16], [sflag:$0x6], $0x40, s28, s14, $0xb8;
	[tilespmem:$0x16E00] =	vst v63  }
0x63: {  	s28 =	sadd.s32 $0x380, s26  }
0x64: {  	[tilespmem:s23], [sflag:$0x4] =	stream.indirect.gather [hbm4b:s4+s14], $0x40, s28, s14, $0xb8;
	[tilespmem:$0x16E00] =	vst v63  }
0x65: {  	_ =	swait.ge [sflag:s24], $0x2000  }
0x66: {  	p0 =	seq.s32 s22, $0x9000;
	[sflag:s24] =	ssyncset.done $0x0  }
.Ltmp2:
0x67: {  	[sflag:s24] =	ssyncadd.s32 $0xFFFFE000;
	(pc) =	sbr.rel @p0 .LBB2_4-.Ltmp2, $4  }
0x68: {  	_ =	swait.ge [sflag:s25], $0x2000  }
0x69: {  	[sflag:s25] =	ssyncset.done $0x0  }
0x6a: {  	s28 =	sadd.s32 $0x2B00, s26;
	[sflag:s25] =	ssyncadd.s32 $0xFFFFE000  }
0x6b: {  	[spmem:s2] =	stream.indirect.scatter.add.f32 [tilespmem:s19], [sflag:$0x7], $0x40, s28, s14, $0xb8;
	[tilespmem:$0x16E00] =	vst v63  }
0x6c: {  	s28 =	sadd.s32 $0x400, s26  }
0x6d: {  	[tilespmem:s15], [sflag:$0x1] =	stream.indirect.gather [hbm4b:s4+s14], $0x40, s28, s14, $0xb8;
	[tilespmem:$0x16E00] =	vst v63  }
0x6e: {  	_ =	swait.ge [sflag:s29], $0x2000  }
0x6f: {  	[sflag:s29] =	ssyncset.done $0x0  }
0x70: {  	[sflag:s29] =	ssyncadd.s32 $0xFFFFE000  }
0x71: {  	_ =	swait.ge [sflag:s30], $0x2000  }
.Ltmp3:
0x72: {  	[sflag:s30] =	ssyncset.done $0x0;
	(pc) =	sbr.rel .LBB2_2-.Ltmp3, $4  }
0x73: {  	s28 =	sadd.s32 $0x2B80, s26;
	[sflag:s30] =	ssyncadd.s32 $0xFFFFE000  }
0x74: {  	[spmem:s2] =	stream.indirect.scatter.add.f32 [tilespmem:s23], [sflag:$0x8], $0x40, s28, s14, $0xb8;
	[tilespmem:$0x16E00] =	vst v63  }
0x75: {  	s22 =	sadd.s32 $0x800, s22;
	s28 =	sadd.s32 $0x480, s26  }
0x76: {  	[tilespmem:s16], [sflag:$0x2] =	stream.indirect.gather [hbm4b:s4+s14], $0x40, s28, s14, $0xb8;
	[tilespmem:$0x16E00] =	vst v63  }
.LBB2_5:
0x77: {  	_ =	sfence.sel $0x180000  }
0x78: {  	[bflag:$0x0] =	sbarrier.arrive $0xFFFF  }
0x79: {  	_ =	strace $0x9000004A  }
0x7a: {  	s0 =	stileid.u32;
	[bflag:$0x2] =	sbarrier.arrive $0xFFFF  }
0x7b: {  	p0 =	sne.s32 s0, $0x0;
	s0 =	rddreg [dreg:$0x2]  }
0x7c: {  	s0 =	sadd.s32 @!p0 $0x100000, s0  }
0x7d: {  	[sflag:s0] =	ssyncadd.tile.s32 @!p0 $0x1;
	_ =	shalt  }
.Lfunc_end2:
_tile_overlayer_lowered:
.L_overlay_start_2:
0x7e: {  	(tag) =	ssettag $0x2  }
0x7f: {  	s0 =	rddreg [dreg:$0x0];
	s2 =	stileid.u32  }
0x80: {  	s1 =	rddreg [dreg:$0x1];
	p0 =	sne.s32 s2, $0x0  }
0x81: {  	s3 =	rddreg [dreg:$0x2];
	[bflag:$0x3] =	sbarrier.arrive $0xFFFF;
	s2 =	simm.s32 @!p0 $0x1C09  }
0x82: {  	[timem:s3], [sflag:s2] =	dma.local @!p0 [hbm:s0], s1  }
0x83: {  	s0 =	simm.s32 @!p0 $0x9  }
0x84: {  	_ =	swait.ge @!p0 [sflag:s0], s1  }
0x85: {  	s1 =	ssub.s32 @!p0 $0x0, s1;
	[sflag:s0] =	ssyncset.done @!p0 $0x0  }
0x86: {  	[sflag:s0] =	ssyncadd.s32 @!p0 s1  }
0x87: {  	[bflag:$0x3] =	sbarrier.arrive $0xFFFF  }
0x88: {  	_ =	shalt  }

// kernel: kernel.20.cloned.1.call-start
scs
__scs_entry_jumppad:
0x0: {  	(pc) =	sbr.rel $0x88, $3  }
0x1: {  	(tag) =	ssettag $0x0;
	lr =	simm.s32 $0x1  }
0x2: {  	[smem:$0x3F94] =	sst lr;
	_ =	strace $0xD0000000  }
0x3: {  	_ = 	snop  }
0x4: {  	_ = 	snop  }
0x5: {  	_ = 	snop  }
0x6: {  	_ = 	snop  }
0x7: {  	_ = 	snop  }
__scs_overlays_trampoline_lowered:
0x8: {  	[smem:$0x3FA3] =	sst s0  }
0x9: {  	[smem:$0x3FA4] =	sst s1  }
0xa: {  	[smem:$0x3FA5] =	sst s2  }
0xb: {  	[smem:$0x3FA6] =	sst s3  }
0xc: {  	[smem:$0x3FA7] =	sst s4  }
0xd: {  	[smem:$0x3FA8] =	sst s5  }
0xe: {  	[smem:$0x3FA9] =	sst s6  }
0xf: {  	[smem:$0x3FAA] =	sst s7  }
0x10: {  	[smem:$0x3FAB] =	sst s8  }
0x11: {  	[smem:$0x3FAC] =	sst s9;
	s0 =	simm.s32 @!p0 $0x0  }
0x12: {  	s1 =	sld [smem:$0x3F92];
	s0 =	simm.s32 @p0 $0x1  }
0x13: {  	[smem:$0x3FAD] =	sst s0;
	s0 =	simm.s32 @!p1 $0x0  }
0x14: {  	s2 =	sld [smem:$0x3F91];
	s0 =	simm.s32 @p1 $0x1  }
0x15: {  	[smem:$0x3FAE] =	sst s0;
	s0 =	simm.s32 @!p2 $0x0  }
0x16: {  	s3 =	sld [smem:$0x3FDB];
	s0 =	simm.s32 @p2 $0x1  }
0x17: {  	s4 =	simm.s32 $0x1BF5;
	[smem:$0x3FB0] =	sst s0  }
0x18: {  	s0 =	sld [smem:$0x3F93];
	_ =	swait.ge [sflag:s4], $0x0  }
0x19: {  	s7 =	sld [smem:$0x3F94]  }
0x1a: {  	s8 =	sadd.s32 $0xFFFFE003, lr  }
0x1b: {  	s9 =	sadd.s32 $0xFFFFFEF7, lr;
	s5 =	simm.s32 $0xFFFFFFFF;
	p2 =	slt.u32 s8, $0xFFFFF086  }
0x1c: {  	p1 =	slt.u32 s9, $0xF7A;
	s5 =	simm.s32 @!p2 $0x0  }
0x1d: {  	s5 =	simm.s32 @p1 $0x1;
	p0 =	seq.s32 s7, s2  }
0x1e: {  	s7 =	smul.u32 @!p0 $0xF7A, s2;
	p2 =	seq.s32 @!p0 s5, $0x0  }
0x1f: {  	s9 =	smul.u32 $0xF7A, s1;
	s8 =	simm.s32 @!p0 $0x1BF5;
	p2 =	por !p2, p0  }
0x20: {  	[sflag:s8] =	ssyncset.s32 @!p0 $0xFFFFF086;
	s6 =	sadd.s32 @!p0 s3, s7;
	s7 =	simm.s32 @!p0 $0x108  }
0x21: {  	s3 =	sadd.s32 s3, s9;
	s6 =	sadd.s32 @!p0 $0x88, s6;
	s7 =	simm.s32 @p2 $0x1082  }
0x22: {  	[simem:s7], [sflag:s8] =	dma.local @!p0 [hbm:s6], $0xF7A  }
0x23: {  	s9 =	sor.u32 $0xD0000000, s2;
	s6 =	simm.s32 $0x108;
	_ =	swait.ge @!p0 [sflag:s8], $0x0  }
0x24: {  	s3 =	sadd.s32 $0x88, s3;
	s6 =	simm.s32 @!p1 $0x1082;
	[sflag:s4] =	ssyncset.s32 $0xFFFFF086  }
0x25: {  	[simem:s6], [sflag:s4] =	dma.local [hbm:s3], $0xF7A  }
0x26: {  	[smem:$0x3F94] =	sst s1;
	(tag) =	ssettag s2;
	_ =	strace s9  }
0x27: {  	s1 =	sld [smem:$0x3FA4]  }
0x28: {  	s2 =	sld [smem:$0x3FA5]  }
0x29: {  	s4 =	sld [smem:$0x3FA7]  }
0x2a: {  	p0 =	seq.s32 s5, $0x0;
	s5 =	sld [smem:$0x3FA8]  }
0x2b: {  	s6 =	sld [smem:$0x3FA9]  }
0x2c: {  	s7 =	sld [smem:$0x3FAA]  }
0x2d: {  	s3 =	simm.s32 $0x108;
	s8 =	sld [smem:$0x3FAB]  }
0x2e: {  	s3 =	simm.s32 @!p0 $0x1082;
	s9 =	sld [smem:$0x3FAC]  }
0x2f: {  	lr =	sadd.s32 s0, s3;
	s0 =	sld [smem:$0x3FA3]  }
0x30: {  	s3 =	sld [smem:$0x3FA6]  }
0x31: {  	[smem:$0x3FAF] =	sst s10  }
0x32: {  	s10 =	sld [smem:$0x3FAD];
	_ =	sdelay $0x3  }
0x33: {  	p0 =	seq.s32 s10, $0x1;
	s10 =	sld [smem:$0x3FAF];
	_ =	sdelay $0x3  }
0x34: {  	[smem:$0x3FAF] =	sst s10  }
0x35: {  	s10 =	sld [smem:$0x3FAE];
	_ =	sdelay $0x3  }
0x36: {  	p1 =	seq.s32 s10, $0x1;
	s10 =	sld [smem:$0x3FAF];
	_ =	sdelay $0x3  }
0x37: {  	[smem:$0x3FAF] =	sst s10  }
0x38: {  	s10 =	sld [smem:$0x3FB0]  }
0x39: {  	_ = 	snop;
	(pc) =	sbr.ind lr, $3  }
0x3a: {  	_ = 	snop  }
0x3b: {  	_ = 	snop  }
0x3c: {  	p2 =	seq.s32 s10, $0x1;
	s10 =	sld [smem:$0x3FAF]  }
0x3d: {  	_ =	shalt  }
0x3e: {  	_ =	shalt  }
0x3f: {  	_ =	shalt  }
0x40: {  	_ =	shalt  }
0x41: {  	_ =	shalt  }
0x42: {  	_ =	shalt  }
0x43: {  	_ =	shalt  }
0x44: {  	_ =	shalt  }
0x45: {  	_ =	shalt  }
0x46: {  	_ =	shalt  }
0x47: {  	_ =	shalt  }
0x48: {  	_ =	shalt  }
0x49: {  	_ =	shalt  }
0x4a: {  	_ =	shalt  }
0x4b: {  	_ =	shalt  }
0x4c: {  	_ =	shalt  }
0x4d: {  	_ =	shalt  }
0x4e: {  	_ =	shalt  }
0x4f: {  	_ =	shalt  }
0x50: {  	_ =	shalt  }
0x51: {  	_ =	shalt  }
0x52: {  	_ =	shalt  }
0x53: {  	_ =	shalt  }
0x54: {  	_ =	shalt  }
0x55: {  	_ =	shalt  }
0x56: {  	_ =	shalt  }
0x57: {  	_ =	shalt  }
0x58: {  	_ =	shalt  }
0x59: {  	_ =	shalt  }
0x5a: {  	_ =	shalt  }
0x5b: {  	_ =	shalt  }
0x5c: {  	_ =	shalt  }
0x5d: {  	_ =	shalt  }
0x5e: {  	_ =	shalt  }
0x5f: {  	_ =	shalt  }
0x60: {  	_ =	shalt  }
0x61: {  	_ =	shalt  }
0x62: {  	_ =	shalt  }
0x63: {  	_ =	shalt  }
0x64: {  	_ =	shalt  }
0x65: {  	_ =	shalt  }
0x66: {  	_ =	shalt  }
0x67: {  	_ =	shalt  }
0x68: {  	_ =	shalt  }
0x69: {  	_ =	shalt  }
0x6a: {  	_ =	shalt  }
0x6b: {  	_ =	shalt  }
0x6c: {  	_ =	shalt  }
0x6d: {  	_ =	shalt  }
0x6e: {  	_ =	shalt  }
0x6f: {  	_ =	shalt  }
0x70: {  	_ =	shalt  }
0x71: {  	_ =	shalt  }
0x72: {  	_ =	shalt  }
0x73: {  	_ =	shalt  }
0x74: {  	_ =	shalt  }
0x75: {  	_ =	shalt  }
0x76: {  	_ =	shalt  }
0x77: {  	_ =	shalt  }
0x78: {  	_ =	shalt  }
0x79: {  	_ =	shalt  }
0x7a: {  	_ =	shalt  }
0x7b: {  	_ =	shalt  }
0x7c: {  	_ =	shalt  }
0x7d: {  	_ =	shalt  }
0x7e: {  	_ =	shalt  }
0x7f: {  	_ =	shalt  }
0x80: {  	_ =	shalt  }
0x81: {  	_ =	shalt  }
0x82: {  	_ =	shalt  }
0x83: {  	_ =	shalt  }
0x84: {  	_ =	shalt  }
0x85: {  	_ =	shalt  }
0x86: {  	_ =	shalt  }
0x87: {  	_ =	shalt  }
.Lfunc_end0:
.L_simem_size_0:
called_computation.2_lowered:
.L_overlay_start_0:
0x88: {  	s2 =	sld [smem:$0x3FD9]  }
0x89: {  	s3 =	sld [smem:$0x3FFE];
	_ =	sdelay $0x1  }
0x8a: {  	s1 =	srdreg.scid  }
0x8b: {  	s0 =	sand.u32 $0x1, s1  }
0x8c: {  	s16 =	sshll.u32 s0, $0xA;
	s2 =	sadd.s32 s3, s2  }
0x8d: {  	s2 =	sadd.s32 s2, s16  }
0x8e: {  	[smem:$0x3FBB] =	sst s2  }
0x8f: {  	_ = 	snop  }
0x90: {  	(tm) =	ssettm $0x1  }
0x91: {  	s17 =	sld [smem:$0x3FFB];
	_ =	sdelay $0x3  }
0x92: {  	_ =	strace s17  }
0x93: {  	s2 =	sld [smem:$0x3FFC];
	_ =	sdelay $0x3  }
0x94: {  	_ =	strace s2  }
0x95: {  	s2 =	sld [smem:$0x3FFD];
	_ =	sdelay $0x3  }
0x96: {  	_ =	strace s2  }
0x97: {  	_ =	strace $0x8FFFFFFF  }
0x98: {  	s18 =	sld [smem:$0x3FDB];
	_ =	sdelay $0x1  }
0x99: {  	s19 =	simm.s32 $_scs_section_size  }
0x9a: {  	s4 =	simm.s32 $_size__tile_overlayer_lowered;
	s5 =	simm.s32 $_tile_overlayer_lowered  }
0x9b: {  	s22 =	simm.s32 $0x1BFF;
	s21 =	sshll.u32 s5, $0x1;
	s2 =	sadd.s32 s19, s18  }
0x9c: {  	s6 =	simm.s32 $0x0;
	s20 =	sshll.u32 s4, $0x1;
	s4 =	sadd.s32 s21, s2  }
0x9d: {  	[timem:s6], [sflag:s22] =	dma.local [hbm:s4], s20  }
0x9e: {  	_ =	swait.ge [sflag:s22], s20  }
0x9f: {  	s3 =	ssub.s32 $0x0, s20;
	[sflag:s22] =	ssyncset.done $0x0  }
0xa0: {  	[sflag:s22] =	ssyncadd.s32 s3;
	_ =	sdelay $0x1  }
0xa1: {  	s23 =	simm.s32 $0x1B8B  }
0xa2: {  	_ =	swait.ge [sflag:s23], $0x1  }
0xa3: {  	[sflag:s23] =	ssyncset.done $0x0  }
0xa4: {  	s25 =	simm.s32 $0x1B8E;
	s24 =	sld [smem:$0x3FFE];
	[sflag:s23] =	ssyncadd.s32 $0xFFFFFFFF  }
0xa5: {  	s26 =	simm.s32 $execute0_lowered;
	[smem:$0x3FD2] =	sst s25  }
0xa6: {  	s4 =	sshll.u32 s26, $0x1;
	_ =	strace $0x8000004C;
	[dreg:$0x1] =	wrdreg $0xFFFFFFFF  }
0xa7: {  	s28 =	simm.s32 $_size_execute0_lowered;
	s2 =	sadd.s32 s2, s4;
	[dreg:$0x0] =	wrdreg $0x0  }
0xa8: {  	s4 =	sshll.u32 s28, $0x1;
	[dreg:$0x2] =	wrdreg s2  }
0xa9: {  	[dreg:$0x3] =	wrdreg s4  }
0xaa: {  	[dreg:$0x4] =	wrdreg $0xC0  }
0xab: {  	_ =	task [dreg:s6], $0x5FFFF  }
0xac: {  	[dreg:$0x1] =	wrdreg $0xFFFFFFFF  }
0xad: {  	[dreg:$0x0] =	wrdreg $0x60  }
0xae: {  	[dreg:$0x2] =	wrdreg s24  }
0xaf: {  	[dreg:$0x3] =	wrdreg $0xD0000  }
0xb0: {  	[dreg:$0x4] =	wrdreg $0x9  }
0xb1: {  	_ =	task.clear_ibuf [dreg:s6], $0x5FFFF;
	_ =	strace $0x9000004C  }
0xb2: {  	s29 =	simm.s32 $0x9;
	_ =	strace $0x8000004E  }
0xb3: {  	_ =	swait.ge [sflag:s29], $0x1  }
0xb4: {  	[sflag:s29] =	ssyncadd.s32 $0xFFFFFFFF  }
0xb5: {  	_ =	strace $0x9000004E  }
0xb6: {  	_ =	sfence  }
0xb7: {  	s30 =	sld [smem:$0x0];
	_ =	sdelay $0x2  }
0xb8: {  	s31 =	sshll.u32 s1, $0xD;
	s1 =	sshrl.u32 s1, $0x2  }
0xb9: {  	s3 =	sand.u32 $0x4000, s31;
	s1 =	sadd.s32 s1, s30  }
0xba: {  	s0 =	sor.u32 s3, s0;
	s1 =	sshll.u32 s1, $0x11  }
0xbb: {  	s0 =	sor.u32 s1, s0  }
0xbc: {  	s0 =	sadd.s32 $0x8F2B, s0  }
0xbd: {  	[sflag:s0] =	ssyncadd.remote.s32 $0x1  }
0xbe: {  	_ =	sfence.sel $0xFFFF  }
0xbf: {  	[dreg:$0x0] =	wrdreg $0xFFFFFFFF;
	(pc) =	sbr.abs _section_cstart, $3  }
0xc0: {  	[dreg:$0x1] =	wrdreg $0xFFFFFFFF  }
0xc1: {  	_ =	task.clear_ibuf [dreg:s6], $0x2FFFF;
	_ =	strace $0x9FFFFFFF  }
0xc2: {  	(tm) =	ssettm $0x7FFFFFFF  }
0xc3: {  	_ =	shalt  }
tec
execute0_lowered:
.L_overlay_start_1:
0x0: {  	(tag) =	ssettag $0x1  }
0x1: {  	s0 =	srdreg.scid  }
0x2: {  	s10 =	stileid.u32;
	s5 =	rddreg [dreg:$0x0]  }
0x3: {  	s2 =	rddreg [dreg:$0x1];
	s3 =	simm.s32 $0x0;
	s12 =	simm.s32 $0x9  }
0x4: {  	s13 =	simm.s32 $0x2800;
	s14 =	simm.s32 $0x80;
	s15 =	simm.s32 $0x5000  }
0x5: {  	s16 =	simm.s32 $0x7000;
	s17 =	simm.s32 $0x1;
	s19 =	simm.s32 $0x9000  }
0x6: {  	s20 =	simm.s32 $0x2;
	s23 =	simm.s32 $0xB000;
	s24 =	simm.s32 $0x3  }
0x7: {  	s25 =	simm.s32 $0x5;
	s29 =	simm.s32 $0x4;
	s30 =	simm.s32 $0x6  }
0x8: {  	s31 =	simm.s32 $0x2980;
	s18 =	simm.s32 $0x8;
	s21 =	simm.s32 $0x0  }
0x9: {  	s0 =	sand.u32 $0x1, s0;
	s6 =	smul.u32 $0x9E00, s10;
	[smem:$0x7FF] =	sst s3  }
0xa: {  	s4 =	sadd.s32 $0x26400, s5;
	s28 =	sshll.u32 s10, $0x6;
	s1 =	sshll.u32 s0, $0x4  }
0xb: {  	s7 =	smul.u32 $0x9E000, s0;
	_ =	strace $0x8000004D;
	s0 =	ssub.s32 $0x2, s0  }
0xc: {  	s1 =	sor.u32 s10, s1;
	s8 =	sshrl.u32 s6, $0x3;
	s26 =	sshrl.u32 s0, $0x1  }
0xd: {  	s11 =	sadd.s32 s6, s2;
	s1 =	smul.u32 $0x500, s1;
	s7 =	sadd.s32 s6, s7  }
.Ltmp0:
0xe: {  	s8 =	sadd.s32 s8, s5;
	s0 =	ssub.s32 s0, s26;
	(pc) =	sbr.rel .LBB2_1-.Ltmp0, $4  }
0xf: {  	s6 =	sor.u32 $0x1C09, s28;
	s11 =	sshrl.u32 s11, $0x3;
	s7 =	sshrl.u32 s7, $0x3  }
0x10: {  	s10 =	smax.u32 s0, $0x1;
	s0 =	simm.s32 $0x7;
	s1 =	sadd.s32 s1, s5  }
0x11: {  	s9 =	sadd.s32 s7, s5;
	s5 =	sadd.s32 $0x39E00, s8;
	s7 =	sadd.s32 $0x1C400, s1  }
0x12: {  	s8 =	sadd.s32 $0x3400, s1;
	s9 =	sadd.s32 $0x4DA00, s9;
	s1 =	simm.s32 $0x280  }
.LBB2_4:
0x13: {  	_ =	swait.ge [sflag:s29], $0x2000  }
0x14: {  	[sflag:s29] =	ssyncset.done $0x0  }
0x15: {  	[sflag:s29] =	ssyncadd.s32 $0xFFFFE000  }
0x16: {  	_ =	swait.ge [sflag:s30], $0x2000  }
0x17: {  	[sflag:s30] =	ssyncset.done $0x0  }
0x18: {  	s22 =	sadd.s32 $0x2B80, s26;
	[sflag:s30] =	ssyncadd.s32 $0xFFFFE000  }
0x19: {  	[spmem:s2] =	stream.indirect.scatter.add.f32 [tilespmem:s23], [sflag:$0x8], $0x40, s22, s14, $0xb8;
	[tilespmem:$0x16E00] =	vst v63  }
0x1a: {  	_ =	swait.ge [sflag:s0], $0x2000  }
0x1b: {  	[sflag:s0] =	ssyncset.done $0x0  }
0x1c: {  	[sflag:s0] =	ssyncadd.s32 $0xFFFFE000  }
0x1d: {  	_ =	swait.ge [sflag:s18], $0x2000  }
0x1e: {  	s21 =	sadd.s32 $0x1, s21;
	[sflag:s18] =	ssyncset.done $0x0  }
0x1f: {  	p0 =	sne.s32 s21, s10;
	[sflag:s18] =	ssyncadd.s32 $0xFFFFE000  }
.Ltmp1:
0x20: {  	[bflag:$0x0] =	sbarrier.arrive $0xFFFF;
	(pc) =	sbr.rel @!p0 .LBB2_5-.Ltmp1, $4  }
0x21: {  	[hbm:s9], [sflag:s6] =	dma.local [spmem:s11], $0x13C0  }
0x22: {  	_ =	swait.ge [sflag:s12], $0x13C0  }
0x23: {  	[sflag:s12] =	ssyncset.done $0x0  }
0x24: {  	[sflag:s12] =	ssyncadd.s32 $0xFFFFEC40  }
.LBB2_1:
0x25: {  	[spmem:s11], [sflag:s6] =	dma.local [hbm:s5], $0x13C0  }
0x26: {  	_ =	swait.ge [sflag:s12], $0x13C0  }
0x27: {  	[sflag:s12] =	ssyncset.done $0x0  }
0x28: {  	[sflag:s12] =	ssyncadd.s32 $0xFFFFEC40  }
0x29: {  	[tilespmem:s3], [sflag:$0x9] =	stream.linear.gather [hbm4b:s7+s3], $0x2800, $0x38;
	[tilespmem:$0x16E00] =	vst v63  }
0x2a: {  	_ =	swait.ge [sflag:s12], $0x2800  }
0x2b: {  	[sflag:s12] =	ssyncset.done $0x0  }
0x2c: {  	[sflag:s12] =	ssyncadd.s32 $0xFFFFD800  }
0x2d: {  	[tilespmem:s13], [sflag:$0x9] =	stream.linear.gather [hbm4b:s8+s3], $0x2800, $0x38;
	[tilespmem:$0x16E00] =	vst v63  }
0x2e: {  	_ =	swait.ge [sflag:s12], $0x2800  }
0x2f: {  	[sflag:s12] =	ssyncset.done $0x0  }
0x30: {  	[sflag:s12] =	ssyncadd.s32 $0xFFFFD800  }
0x31: {  	[bflag:$0x0] =	sbarrier.arrive $0xFFFF  }
0x32: {  	[tilespmem:s15], [sflag:$0x1] =	stream.indirect.gather [hbm4b:s4+s14], $0x40, s3, s14, $0xb8;
	[tilespmem:$0x16E00] =	vst v63  }
0x33: {  	_ = 	snop  }
0x34: {  	[tilespmem:s16], [sflag:$0x2] =	stream.indirect.gather [hbm4b:s4+s14], $0x40, s14, s14, $0xb8;
	[tilespmem:$0x16E00] =	vst v63  }
0x35: {  	_ =	swait.ge [sflag:s17], $0x2000  }
0x36: {  	[sflag:s17] =	ssyncset.done $0x0  }
0x37: {  	[sflag:s17] =	ssyncadd.s32 $0xFFFFE000  }
0x38: {  	[spmem:s2] =	stream.indirect.scatter.add.f32 [tilespmem:s15], [sflag:$0x5], $0x40, s13, s14, $0xb8;
	[tilespmem:$0x16E00] =	vst v63  }
0x39: {  	s22 =	simm.s32 $0x100  }
0x3a: {  	[tilespmem:s19], [sflag:$0x3] =	stream.indirect.gather [hbm4b:s4+s14], $0x40, s22, s14, $0xb8;
	[tilespmem:$0x16E00] =	vst v63  }
0x3b: {  	_ =	swait.ge [sflag:s20], $0x2000  }
0x3c: {  	[sflag:s20] =	ssyncset.done $0x0  }
0x3d: {  	s26 =	simm.s32 $0x2880;
	[sflag:s20] =	ssyncadd.s32 $0xFFFFE000  }
0x3e: {  	[spmem:s2] =	stream.indirect.scatter.add.f32 [tilespmem:s16], [sflag:$0x6], $0x40, s26, s14, $0xb8;
	[tilespmem:$0x16E00] =	vst v63  }
0x3f: {  	s28 =	simm.s32 $0x180  }
0x40: {  	[tilespmem:s23], [sflag:$0x4] =	stream.indirect.gather [hbm4b:s4+s14], $0x40, s28, s14, $0xb8;
	[tilespmem:$0x16E00] =	vst v63  }
0x41: {  	_ =	swait.ge [sflag:s24], $0x2000  }
0x42: {  	[sflag:s24] =	ssyncset.done $0x0  }
0x43: {  	[sflag:s24] =	ssyncadd.s32 $0xFFFFE000  }
0x44: {  	_ =	swait.ge [sflag:s25], $0x2000  }
0x45: {  	[sflag:s25] =	ssyncset.done $0x0  }
0x46: {  	s26 =	simm.s32 $0x2900;
	[sflag:s25] =	ssyncadd.s32 $0xFFFFE000  }
0x47: {  	[spmem:s2] =	stream.indirect.scatter.add.f32 [tilespmem:s19], [sflag:$0x7], $0x40, s26, s14, $0xb8;
	[tilespmem:$0x16E00] =	vst v63  }
0x48: {  	s28 =	simm.s32 $0x200  }
0x49: {  	[tilespmem:s15], [sflag:$0x1] =	stream.indirect.gather [hbm4b:s4+s14], $0x40, s28, s14, $0xb8;
	[tilespmem:$0x16E00] =	vst v63  }
0x4a: {  	_ =	swait.ge [sflag:s29], $0x2000  }
0x4b: {  	[sflag:s29] =	ssyncset.done $0x0  }
0x4c: {  	[sflag:s29] =	ssyncadd.s32 $0xFFFFE000  }
0x4d: {  	_ =	swait.ge [sflag:s30], $0x2000  }
0x4e: {  	[sflag:s30] =	ssyncset.done $0x0  }
0x4f: {  	[sflag:s30] =	ssyncadd.s32 $0xFFFFE000  }
0x50: {  	[spmem:s2] =	stream.indirect.scatter.add.f32 [tilespmem:s23], [sflag:$0x8], $0x40, s31, s14, $0xb8;
	[tilespmem:$0x16E00] =	vst v63  }
0x51: {  	s22 =	simm.s32 $0x0  }
0x52: {  	[tilespmem:s16], [sflag:$0x2] =	stream.indirect.gather [hbm4b:s4+s14], $0x40, s1, s14, $0xb8;
	[tilespmem:$0x16E00] =	vst v63  }
.LBB2_2:
0x53: {  	_ =	swait.ge [sflag:s17], $0x2000  }
0x54: {  	[sflag:s17] =	ssyncset.done $0x0  }
0x55: {  	[sflag:s17] =	ssyncadd.s32 $0xFFFFE000  }
0x56: {  	_ =	swait.ge [sflag:s0], $0x2000  }
0x57: {  	s26 =	sshra.s32 s22, $0x2;
	[sflag:s0] =	ssyncset.done $0x0  }
0x58: {  	s28 =	sadd.s32 $0x2A00, s26;
	[sflag:s0] =	ssyncadd.s32 $0xFFFFE000  }
0x59: {  	[spmem:s2] =	stream.indirect.scatter.add.f32 [tilespmem:s15], [sflag:$0x5], $0x40, s28, s14, $0xb8;
	[tilespmem:$0x16E00] =	vst v63  }
0x5a: {  	s28 =	sadd.s32 $0x300, s26  }
0x5b: {  	[tilespmem:s19], [sflag:$0x3] =	stream.indirect.gather [hbm4b:s4+s14], $0x40, s28, s14, $0xb8;
	[tilespmem:$0x16E00] =	vst v63  }
0x5c: {  	_ =	swait.ge [sflag:s20], $0x2000  }
0x5d: {  	[sflag:s20] =	ssyncset.done $0x0  }
0x5e: {  	[sflag:s20] =	ssyncadd.s32 $0xFFFFE000  }
0x5f: {  	_ =	swait.ge [sflag:s18], $0x2000  }
0x60: {  	[sflag:s18] =	ssyncset.done $0x0  }
0x61: {  	s28 =	sadd.s32 $0x2A80, s26;
	[sflag:s18] =	ssyncadd.s32 $0xFFFFE000  }
0x62: {  	[spmem:s2] =	stream.indirect.scatter.add.f32 [tilespmem:s16], [sflag:$0x6], $0x40, s28, s14, $0xb8;
	[tilespmem:$0x16E00] =	vst v63  }
0x63: {  	s28 =	sadd.s32 $0x380, s26  }
0x64: {  	[tilespmem:s23], [sflag:$0x4] =	stream.indirect.gather [hbm4b:s4+s14], $0x40, s28, s14, $0xb8;
	[tilespmem:$0x16E00] =	vst v63  }
0x65: {  	_ =	swait.ge [sflag:s24], $0x2000  }
0x66: {  	p0 =	seq.s32 s22, $0x9000;
	[sflag:s24] =	ssyncset.done $0x0  }
.Ltmp2:
0x67: {  	[sflag:s24] =	ssyncadd.s32 $0xFFFFE000;
	(pc) =	sbr.rel @p0 .LBB2_4-.Ltmp2, $4  }
0x68: {  	_ =	swait.ge [sflag:s25], $0x2000  }
0x69: {  	[sflag:s25] =	ssyncset.done $0x0  }
0x6a: {  	s28 =	sadd.s32 $0x2B00, s26;
	[sflag:s25] =	ssyncadd.s32 $0xFFFFE000  }
0x6b: {  	[spmem:s2] =	stream.indirect.scatter.add.f32 [tilespmem:s19], [sflag:$0x7], $0x40, s28, s14, $0xb8;
	[tilespmem:$0x16E00] =	vst v63  }
0x6c: {  	s28 =	sadd.s32 $0x400, s26  }
0x6d: {  	[tilespmem:s15], [sflag:$0x1] =	stream.indirect.gather [hbm4b:s4+s14], $0x40, s28, s14, $0xb8;
	[tilespmem:$0x16E00] =	vst v63  }
0x6e: {  	_ =	swait.ge [sflag:s29], $0x2000  }
0x6f: {  	[sflag:s29] =	ssyncset.done $0x0  }
0x70: {  	[sflag:s29] =	ssyncadd.s32 $0xFFFFE000  }
0x71: {  	_ =	swait.ge [sflag:s30], $0x2000  }
.Ltmp3:
0x72: {  	[sflag:s30] =	ssyncset.done $0x0;
	(pc) =	sbr.rel .LBB2_2-.Ltmp3, $4  }
0x73: {  	s28 =	sadd.s32 $0x2B80, s26;
	[sflag:s30] =	ssyncadd.s32 $0xFFFFE000  }
0x74: {  	[spmem:s2] =	stream.indirect.scatter.add.f32 [tilespmem:s23], [sflag:$0x8], $0x40, s28, s14, $0xb8;
	[tilespmem:$0x16E00] =	vst v63  }
0x75: {  	s22 =	sadd.s32 $0x800, s22;
	s28 =	sadd.s32 $0x480, s26  }
0x76: {  	[tilespmem:s16], [sflag:$0x2] =	stream.indirect.gather [hbm4b:s4+s14], $0x40, s28, s14, $0xb8;
	[tilespmem:$0x16E00] =	vst v63  }
.LBB2_5:
0x77: {  	_ =	sfence.sel $0x180000  }
0x78: {  	[bflag:$0x0] =	sbarrier.arrive $0xFFFF  }
0x79: {  	_ =	strace $0x9000004D  }
0x7a: {  	s0 =	stileid.u32;
	[bflag:$0x2] =	sbarrier.arrive $0xFFFF  }
0x7b: {  	p0 =	sne.s32 s0, $0x0;
	s0 =	rddreg [dreg:$0x2]  }
0x7c: {  	s0 =	sadd.s32 @!p0 $0x100000, s0  }
0x7d: {  	[sflag:s0] =	ssyncadd.tile.s32 @!p0 $0x1;
	_ =	shalt  }
.Lfunc_end2:
_tile_overlayer_lowered:
.L_overlay_start_2:
0x7e: {  	(tag) =	ssettag $0x2  }
0x7f: {  	s0 =	rddreg [dreg:$0x0];
	s2 =	stileid.u32  }
0x80: {  	s1 =	rddreg [dreg:$0x1];
	p0 =	sne.s32 s2, $0x0  }
0x81: {  	s3 =	rddreg [dreg:$0x2];
	[bflag:$0x3] =	sbarrier.arrive $0xFFFF;
	s2 =	simm.s32 @!p0 $0x1C09  }
0x82: {  	[timem:s3], [sflag:s2] =	dma.local @!p0 [hbm:s0], s1  }
0x83: {  	s0 =	simm.s32 @!p0 $0x9  }
0x84: {  	_ =	swait.ge @!p0 [sflag:s0], s1  }
0x85: {  	s1 =	ssub.s32 @!p0 $0x0, s1;
	[sflag:s0] =	ssyncset.done @!p0 $0x0  }
0x86: {  	[sflag:s0] =	ssyncadd.s32 @!p0 s1  }
0x87: {  	[bflag:$0x3] =	sbarrier.arrive $0xFFFF  }
0x88: {  	_ =	shalt  }

// kernel: kernel.23.cloned.1.call-start
scs
__scs_entry_jumppad:
0x0: {  	(pc) =	sbr.rel $0x88, $3  }
0x1: {  	(tag) =	ssettag $0x0;
	lr =	simm.s32 $0x1  }
0x2: {  	[smem:$0x3F94] =	sst lr;
	_ =	strace $0xD0000000  }
0x3: {  	_ = 	snop  }
0x4: {  	_ = 	snop  }
0x5: {  	_ = 	snop  }
0x6: {  	_ = 	snop  }
0x7: {  	_ = 	snop  }
__scs_overlays_trampoline_lowered:
0x8: {  	[smem:$0x3FA3] =	sst s0  }
0x9: {  	[smem:$0x3FA4] =	sst s1  }
0xa: {  	[smem:$0x3FA5] =	sst s2  }
0xb: {  	[smem:$0x3FA6] =	sst s3  }
0xc: {  	[smem:$0x3FA7] =	sst s4  }
0xd: {  	[smem:$0x3FA8] =	sst s5  }
0xe: {  	[smem:$0x3FA9] =	sst s6  }
0xf: {  	[smem:$0x3FAA] =	sst s7  }
0x10: {  	[smem:$0x3FAB] =	sst s8  }
0x11: {  	[smem:$0x3FAC] =	sst s9;
	s0 =	simm.s32 @!p0 $0x0  }
0x12: {  	s1 =	sld [smem:$0x3F92];
	s0 =	simm.s32 @p0 $0x1  }
0x13: {  	[smem:$0x3FAD] =	sst s0;
	s0 =	simm.s32 @!p1 $0x0  }
0x14: {  	s2 =	sld [smem:$0x3F91];
	s0 =	simm.s32 @p1 $0x1  }
0x15: {  	[smem:$0x3FAE] =	sst s0;
	s0 =	simm.s32 @!p2 $0x0  }
0x16: {  	s3 =	sld [smem:$0x3FDB];
	s0 =	simm.s32 @p2 $0x1  }
0x17: {  	s4 =	simm.s32 $0x1BF5;
	[smem:$0x3FB0] =	sst s0  }
0x18: {  	s0 =	sld [smem:$0x3F93];
	_ =	swait.ge [sflag:s4], $0x0  }
0x19: {  	s7 =	sld [smem:$0x3F94]  }
0x1a: {  	s8 =	sadd.s32 $0xFFFFE003, lr  }
0x1b: {  	s9 =	sadd.s32 $0xFFFFFEF7, lr;
	s5 =	simm.s32 $0xFFFFFFFF;
	p2 =	slt.u32 s8, $0xFFFFF086  }
0x1c: {  	p1 =	slt.u32 s9, $0xF7A;
	s5 =	simm.s32 @!p2 $0x0  }
0x1d: {  	s5 =	simm.s32 @p1 $0x1;
	p0 =	seq.s32 s7, s2  }
0x1e: {  	s7 =	smul.u32 @!p0 $0xF7A, s2;
	p2 =	seq.s32 @!p0 s5, $0x0  }
0x1f: {  	s9 =	smul.u32 $0xF7A, s1;
	s8 =	simm.s32 @!p0 $0x1BF5;
	p2 =	por !p2, p0  }
0x20: {  	[sflag:s8] =	ssyncset.s32 @!p0 $0xFFFFF086;
	s6 =	sadd.s32 @!p0 s3, s7;
	s7 =	simm.s32 @!p0 $0x108  }
0x21: {  	s3 =	sadd.s32 s3, s9;
	s6 =	sadd.s32 @!p0 $0x88, s6;
	s7 =	simm.s32 @p2 $0x1082  }
0x22: {  	[simem:s7], [sflag:s8] =	dma.local @!p0 [hbm:s6], $0xF7A  }
0x23: {  	s9 =	sor.u32 $0xD0000000, s2;
	s6 =	simm.s32 $0x108;
	_ =	swait.ge @!p0 [sflag:s8], $0x0  }
0x24: {  	s3 =	sadd.s32 $0x88, s3;
	s6 =	simm.s32 @!p1 $0x1082;
	[sflag:s4] =	ssyncset.s32 $0xFFFFF086  }
0x25: {  	[simem:s6], [sflag:s4] =	dma.local [hbm:s3], $0xF7A  }
0x26: {  	[smem:$0x3F94] =	sst s1;
	(tag) =	ssettag s2;
	_ =	strace s9  }
0x27: {  	s1 =	sld [smem:$0x3FA4]  }
0x28: {  	s2 =	sld [smem:$0x3FA5]  }
0x29: {  	s4 =	sld [smem:$0x3FA7]  }
0x2a: {  	p0 =	seq.s32 s5, $0x0;
	s5 =	sld [smem:$0x3FA8]  }
0x2b: {  	s6 =	sld [smem:$0x3FA9]  }
0x2c: {  	s7 =	sld [smem:$0x3FAA]  }
0x2d: {  	s3 =	simm.s32 $0x108;
	s8 =	sld [smem:$0x3FAB]  }
0x2e: {  	s3 =	simm.s32 @!p0 $0x1082;
	s9 =	sld [smem:$0x3FAC]  }
0x2f: {  	lr =	sadd.s32 s0, s3;
	s0 =	sld [smem:$0x3FA3]  }
0x30: {  	s3 =	sld [smem:$0x3FA6]  }
0x31: {  	[smem:$0x3FAF] =	sst s10  }
0x32: {  	s10 =	sld [smem:$0x3FAD];
	_ =	sdelay $0x3  }
0x33: {  	p0 =	seq.s32 s10, $0x1;
	s10 =	sld [smem:$0x3FAF];
	_ =	sdelay $0x3  }
0x34: {  	[smem:$0x3FAF] =	sst s10  }
0x35: {  	s10 =	sld [smem:$0x3FAE];
	_ =	sdelay $0x3  }
0x36: {  	p1 =	seq.s32 s10, $0x1;
	s10 =	sld [smem:$0x3FAF];
	_ =	sdelay $0x3  }
0x37: {  	[smem:$0x3FAF] =	sst s10  }
0x38: {  	s10 =	sld [smem:$0x3FB0]  }
0x39: {  	_ = 	snop;
	(pc) =	sbr.ind lr, $3  }
0x3a: {  	_ = 	snop  }
0x3b: {  	_ = 	snop  }
0x3c: {  	p2 =	seq.s32 s10, $0x1;
	s10 =	sld [smem:$0x3FAF]  }
0x3d: {  	_ =	shalt  }
0x3e: {  	_ =	shalt  }
0x3f: {  	_ =	shalt  }
0x40: {  	_ =	shalt  }
0x41: {  	_ =	shalt  }
0x42: {  	_ =	shalt  }
0x43: {  	_ =	shalt  }
0x44: {  	_ =	shalt  }
0x45: {  	_ =	shalt  }
0x46: {  	_ =	shalt  }
0x47: {  	_ =	shalt  }
0x48: {  	_ =	shalt  }
0x49: {  	_ =	shalt  }
0x4a: {  	_ =	shalt  }
0x4b: {  	_ =	shalt  }
0x4c: {  	_ =	shalt  }
0x4d: {  	_ =	shalt  }
0x4e: {  	_ =	shalt  }
0x4f: {  	_ =	shalt  }
0x50: {  	_ =	shalt  }
0x51: {  	_ =	shalt  }
0x52: {  	_ =	shalt  }
0x53: {  	_ =	shalt  }
0x54: {  	_ =	shalt  }
0x55: {  	_ =	shalt  }
0x56: {  	_ =	shalt  }
0x57: {  	_ =	shalt  }
0x58: {  	_ =	shalt  }
0x59: {  	_ =	shalt  }
0x5a: {  	_ =	shalt  }
0x5b: {  	_ =	shalt  }
0x5c: {  	_ =	shalt  }
0x5d: {  	_ =	shalt  }
0x5e: {  	_ =	shalt  }
0x5f: {  	_ =	shalt  }
0x60: {  	_ =	shalt  }
0x61: {  	_ =	shalt  }
0x62: {  	_ =	shalt  }
0x63: {  	_ =	shalt  }
0x64: {  	_ =	shalt  }
0x65: {  	_ =	shalt  }
0x66: {  	_ =	shalt  }
0x67: {  	_ =	shalt  }
0x68: {  	_ =	shalt  }
0x69: {  	_ =	shalt  }
0x6a: {  	_ =	shalt  }
0x6b: {  	_ =	shalt  }
0x6c: {  	_ =	shalt  }
0x6d: {  	_ =	shalt  }
0x6e: {  	_ =	shalt  }
0x6f: {  	_ =	shalt  }
0x70: {  	_ =	shalt  }
0x71: {  	_ =	shalt  }
0x72: {  	_ =	shalt  }
0x73: {  	_ =	shalt  }
0x74: {  	_ =	shalt  }
0x75: {  	_ =	shalt  }
0x76: {  	_ =	shalt  }
0x77: {  	_ =	shalt  }
0x78: {  	_ =	shalt  }
0x79: {  	_ =	shalt  }
0x7a: {  	_ =	shalt  }
0x7b: {  	_ =	shalt  }
0x7c: {  	_ =	shalt  }
0x7d: {  	_ =	shalt  }
0x7e: {  	_ =	shalt  }
0x7f: {  	_ =	shalt  }
0x80: {  	_ =	shalt  }
0x81: {  	_ =	shalt  }
0x82: {  	_ =	shalt  }
0x83: {  	_ =	shalt  }
0x84: {  	_ =	shalt  }
0x85: {  	_ =	shalt  }
0x86: {  	_ =	shalt  }
0x87: {  	_ =	shalt  }
.Lfunc_end0:
.L_simem_size_0:
called_computation.3_lowered:
.L_overlay_start_0:
0x88: {  	s2 =	sld [smem:$0x3FD9]  }
0x89: {  	s3 =	sld [smem:$0x3FFE];
	_ =	sdelay $0x1  }
0x8a: {  	s1 =	srdreg.scid  }
0x8b: {  	s0 =	sand.u32 $0x1, s1  }
0x8c: {  	s16 =	sshll.u32 s0, $0xA;
	s2 =	sadd.s32 s3, s2  }
0x8d: {  	s2 =	sadd.s32 s2, s16  }
0x8e: {  	[smem:$0x3FBB] =	sst s2  }
0x8f: {  	_ = 	snop  }
0x90: {  	(tm) =	ssettm $0x1  }
0x91: {  	s17 =	sld [smem:$0x3FFB];
	_ =	sdelay $0x3  }
0x92: {  	_ =	strace s17  }
0x93: {  	s2 =	sld [smem:$0x3FFC];
	_ =	sdelay $0x3  }
0x94: {  	_ =	strace s2  }
0x95: {  	s2 =	sld [smem:$0x3FFD];
	_ =	sdelay $0x3  }
0x96: {  	_ =	strace s2  }
0x97: {  	_ =	strace $0x8FFFFFFF  }
0x98: {  	s18 =	sld [smem:$0x3FDB];
	_ =	sdelay $0x1  }
0x99: {  	s19 =	simm.s32 $_scs_section_size  }
0x9a: {  	s4 =	simm.s32 $_size__tile_overlayer_lowered;
	s5 =	simm.s32 $_tile_overlayer_lowered  }
0x9b: {  	s22 =	simm.s32 $0x1BFF;
	s21 =	sshll.u32 s5, $0x1;
	s2 =	sadd.s32 s19, s18  }
0x9c: {  	s6 =	simm.s32 $0x0;
	s20 =	sshll.u32 s4, $0x1;
	s4 =	sadd.s32 s21, s2  }
0x9d: {  	[timem:s6], [sflag:s22] =	dma.local [hbm:s4], s20  }
0x9e: {  	_ =	swait.ge [sflag:s22], s20  }
0x9f: {  	s3 =	ssub.s32 $0x0, s20;
	[sflag:s22] =	ssyncset.done $0x0  }
0xa0: {  	[sflag:s22] =	ssyncadd.s32 s3;
	_ =	sdelay $0x1  }
0xa1: {  	s23 =	simm.s32 $0x1B8B  }
0xa2: {  	_ =	swait.ge [sflag:s23], $0x1  }
0xa3: {  	[sflag:s23] =	ssyncset.done $0x0  }
0xa4: {  	s25 =	simm.s32 $0x1B8E;
	s24 =	sld [smem:$0x3FFE];
	[sflag:s23] =	ssyncadd.s32 $0xFFFFFFFF  }
0xa5: {  	s26 =	simm.s32 $execute0_lowered;
	[smem:$0x3FD2] =	sst s25  }
0xa6: {  	s4 =	sshll.u32 s26, $0x1;
	_ =	strace $0x8000004F;
	[dreg:$0x1] =	wrdreg $0xFFFFFFFF  }
0xa7: {  	s28 =	simm.s32 $_size_execute0_lowered;
	s2 =	sadd.s32 s2, s4;
	[dreg:$0x0] =	wrdreg $0x0  }
0xa8: {  	s4 =	sshll.u32 s28, $0x1;
	[dreg:$0x2] =	wrdreg s2  }
0xa9: {  	[dreg:$0x3] =	wrdreg s4  }
0xaa: {  	[dreg:$0x4] =	wrdreg $0xC0  }
0xab: {  	_ =	task [dreg:s6], $0x5FFFF  }
0xac: {  	[dreg:$0x1] =	wrdreg $0xFFFFFFFF  }
0xad: {  	[dreg:$0x0] =	wrdreg $0x60  }
0xae: {  	[dreg:$0x2] =	wrdreg s24  }
0xaf: {  	[dreg:$0x3] =	wrdreg $0xD0000  }
0xb0: {  	[dreg:$0x4] =	wrdreg $0x9  }
0xb1: {  	_ =	task.clear_ibuf [dreg:s6], $0x5FFFF;
	_ =	strace $0x9000004F  }
0xb2: {  	s29 =	simm.s32 $0x9;
	_ =	strace $0x80000051  }
0xb3: {  	_ =	swait.ge [sflag:s29], $0x1  }
0xb4: {  	[sflag:s29] =	ssyncadd.s32 $0xFFFFFFFF  }
0xb5: {  	_ =	strace $0x90000051  }
0xb6: {  	_ =	sfence  }
0xb7: {  	s30 =	sld [smem:$0x0];
	_ =	sdelay $0x2  }
0xb8: {  	s31 =	sshll.u32 s1, $0xD;
	s1 =	sshrl.u32 s1, $0x2  }
0xb9: {  	s3 =	sand.u32 $0x4000, s31;
	s1 =	sadd.s32 s1, s30  }
0xba: {  	s0 =	sor.u32 s3, s0;
	s1 =	sshll.u32 s1, $0x11  }
0xbb: {  	s0 =	sor.u32 s1, s0  }
0xbc: {  	s0 =	sadd.s32 $0x8F2B, s0  }
0xbd: {  	[sflag:s0] =	ssyncadd.remote.s32 $0x1  }
0xbe: {  	_ =	sfence.sel $0xFFFF  }
0xbf: {  	[dreg:$0x0] =	wrdreg $0xFFFFFFFF;
	(pc) =	sbr.abs _section_cstart, $3  }
0xc0: {  	[dreg:$0x1] =	wrdreg $0xFFFFFFFF  }
0xc1: {  	_ =	task.clear_ibuf [dreg:s6], $0x2FFFF;
	_ =	strace $0x9FFFFFFF  }
0xc2: {  	(tm) =	ssettm $0x7FFFFFFF  }
0xc3: {  	_ =	shalt  }
tec
execute0_lowered:
.L_overlay_start_1:
0x0: {  	(tag) =	ssettag $0x1  }
0x1: {  	s0 =	srdreg.scid  }
0x2: {  	s10 =	stileid.u32;
	s5 =	rddreg [dreg:$0x0]  }
0x3: {  	s2 =	rddreg [dreg:$0x1];
	s3 =	simm.s32 $0x0;
	s12 =	simm.s32 $0x9  }
0x4: {  	s13 =	simm.s32 $0x2800;
	s14 =	simm.s32 $0x80;
	s15 =	simm.s32 $0x5000  }
0x5: {  	s16 =	simm.s32 $0x7000;
	s17 =	simm.s32 $0x1;
	s19 =	simm.s32 $0x9000  }
0x6: {  	s20 =	simm.s32 $0x2;
	s23 =	simm.s32 $0xB000;
	s24 =	simm.s32 $0x3  }
0x7: {  	s25 =	simm.s32 $0x5;
	s29 =	simm.s32 $0x4;
	s30 =	simm.s32 $0x6  }
0x8: {  	s31 =	simm.s32 $0x2980;
	s18 =	simm.s32 $0x8;
	s21 =	simm.s32 $0x0  }
0x9: {  	s0 =	sand.u32 $0x1, s0;
	s6 =	smul.u32 $0x9E00, s10;
	[smem:$0x7FF] =	sst s3  }
0xa: {  	s4 =	sadd.s32 $0x26400, s5;
	s28 =	sshll.u32 s10, $0x6;
	s1 =	sshll.u32 s0, $0x4  }
0xb: {  	s7 =	smul.u32 $0x9E000, s0;
	_ =	strace $0x80000050;
	s0 =	ssub.s32 $0x2, s0  }
0xc: {  	s1 =	sor.u32 s10, s1;
	s8 =	sshrl.u32 s6, $0x3;
	s26 =	sshrl.u32 s0, $0x1  }
0xd: {  	s11 =	sadd.s32 s6, s2;
	s1 =	smul.u32 $0x500, s1;
	s7 =	sadd.s32 s6, s7  }
.Ltmp0:
0xe: {  	s8 =	sadd.s32 s8, s5;
	s0 =	ssub.s32 s0, s26;
	(pc) =	sbr.rel .LBB2_1-.Ltmp0, $4  }
0xf: {  	s6 =	sor.u32 $0x1C09, s28;
	s11 =	sshrl.u32 s11, $0x3;
	s7 =	sshrl.u32 s7, $0x3  }
0x10: {  	s10 =	smax.u32 s0, $0x1;
	s0 =	simm.s32 $0x7;
	s1 =	sadd.s32 s1, s5  }
0x11: {  	s9 =	sadd.s32 s7, s5;
	s5 =	sadd.s32 $0x39E00, s8;
	s7 =	sadd.s32 $0x1C400, s1  }
0x12: {  	s8 =	sadd.s32 $0x3400, s1;
	s9 =	sadd.s32 $0x4DA00, s9;
	s1 =	simm.s32 $0x280  }
.LBB2_4:
0x13: {  	_ =	swait.ge [sflag:s29], $0x2000  }
0x14: {  	[sflag:s29] =	ssyncset.done $0x0  }
0x15: {  	[sflag:s29] =	ssyncadd.s32 $0xFFFFE000  }
0x16: {  	_ =	swait.ge [sflag:s30], $0x2000  }
0x17: {  	[sflag:s30] =	ssyncset.done $0x0  }
0x18: {  	s22 =	sadd.s32 $0x2B80, s26;
	[sflag:s30] =	ssyncadd.s32 $0xFFFFE000  }
0x19: {  	[spmem:s2] =	stream.indirect.scatter.add.f32 [tilespmem:s23], [sflag:$0x8], $0x40, s22, s14, $0xb8;
	[tilespmem:$0x16E00] =	vst v63  }
0x1a: {  	_ =	swait.ge [sflag:s0], $0x2000  }
0x1b: {  	[sflag:s0] =	ssyncset.done $0x0  }
0x1c: {  	[sflag:s0] =	ssyncadd.s32 $0xFFFFE000  }
0x1d: {  	_ =	swait.ge [sflag:s18], $0x2000  }
0x1e: {  	s21 =	sadd.s32 $0x1, s21;
	[sflag:s18] =	ssyncset.done $0x0  }
0x1f: {  	p0 =	sne.s32 s21, s10;
	[sflag:s18] =	ssyncadd.s32 $0xFFFFE000  }
.Ltmp1:
0x20: {  	[bflag:$0x0] =	sbarrier.arrive $0xFFFF;
	(pc) =	sbr.rel @!p0 .LBB2_5-.Ltmp1, $4  }
0x21: {  	[hbm:s9], [sflag:s6] =	dma.local [spmem:s11], $0x13C0  }
0x22: {  	_ =	swait.ge [sflag:s12], $0x13C0  }
0x23: {  	[sflag:s12] =	ssyncset.done $0x0  }
0x24: {  	[sflag:s12] =	ssyncadd.s32 $0xFFFFEC40  }
.LBB2_1:
0x25: {  	[spmem:s11], [sflag:s6] =	dma.local [hbm:s5], $0x13C0  }
0x26: {  	_ =	swait.ge [sflag:s12], $0x13C0  }
0x27: {  	[sflag:s12] =	ssyncset.done $0x0  }
0x28: {  	[sflag:s12] =	ssyncadd.s32 $0xFFFFEC40  }
0x29: {  	[tilespmem:s3], [sflag:$0x9] =	stream.linear.gather [hbm4b:s7+s3], $0x2800, $0x38;
	[tilespmem:$0x16E00] =	vst v63  }
0x2a: {  	_ =	swait.ge [sflag:s12], $0x2800  }
0x2b: {  	[sflag:s12] =	ssyncset.done $0x0  }
0x2c: {  	[sflag:s12] =	ssyncadd.s32 $0xFFFFD800  }
0x2d: {  	[tilespmem:s13], [sflag:$0x9] =	stream.linear.gather [hbm4b:s8+s3], $0x2800, $0x38;
	[tilespmem:$0x16E00] =	vst v63  }
0x2e: {  	_ =	swait.ge [sflag:s12], $0x2800  }
0x2f: {  	[sflag:s12] =	ssyncset.done $0x0  }
0x30: {  	[sflag:s12] =	ssyncadd.s32 $0xFFFFD800  }
0x31: {  	[bflag:$0x0] =	sbarrier.arrive $0xFFFF  }
0x32: {  	[tilespmem:s15], [sflag:$0x1] =	stream.indirect.gather [hbm4b:s4+s14], $0x40, s3, s14, $0xb8;
	[tilespmem:$0x16E00] =	vst v63  }
0x33: {  	_ = 	snop  }
0x34: {  	[tilespmem:s16], [sflag:$0x2] =	stream.indirect.gather [hbm4b:s4+s14], $0x40, s14, s14, $0xb8;
	[tilespmem:$0x16E00] =	vst v63  }
0x35: {  	_ =	swait.ge [sflag:s17], $0x2000  }
0x36: {  	[sflag:s17] =	ssyncset.done $0x0  }
0x37: {  	[sflag:s17] =	ssyncadd.s32 $0xFFFFE000  }
0x38: {  	[spmem:s2] =	stream.indirect.scatter.add.f32 [tilespmem:s15], [sflag:$0x5], $0x40, s13, s14, $0xb8;
	[tilespmem:$0x16E00] =	vst v63  }
0x39: {  	s22 =	simm.s32 $0x100  }
0x3a: {  	[tilespmem:s19], [sflag:$0x3] =	stream.indirect.gather [hbm4b:s4+s14], $0x40, s22, s14, $0xb8;
	[tilespmem:$0x16E00] =	vst v63  }
0x3b: {  	_ =	swait.ge [sflag:s20], $0x2000  }
0x3c: {  	[sflag:s20] =	ssyncset.done $0x0  }
0x3d: {  	s26 =	simm.s32 $0x2880;
	[sflag:s20] =	ssyncadd.s32 $0xFFFFE000  }
0x3e: {  	[spmem:s2] =	stream.indirect.scatter.add.f32 [tilespmem:s16], [sflag:$0x6], $0x40, s26, s14, $0xb8;
	[tilespmem:$0x16E00] =	vst v63  }
0x3f: {  	s28 =	simm.s32 $0x180  }
0x40: {  	[tilespmem:s23], [sflag:$0x4] =	stream.indirect.gather [hbm4b:s4+s14], $0x40, s28, s14, $0xb8;
	[tilespmem:$0x16E00] =	vst v63  }
0x41: {  	_ =	swait.ge [sflag:s24], $0x2000  }
0x42: {  	[sflag:s24] =	ssyncset.done $0x0  }
0x43: {  	[sflag:s24] =	ssyncadd.s32 $0xFFFFE000  }
0x44: {  	_ =	swait.ge [sflag:s25], $0x2000  }
0x45: {  	[sflag:s25] =	ssyncset.done $0x0  }
0x46: {  	s26 =	simm.s32 $0x2900;
	[sflag:s25] =	ssyncadd.s32 $0xFFFFE000  }
0x47: {  	[spmem:s2] =	stream.indirect.scatter.add.f32 [tilespmem:s19], [sflag:$0x7], $0x40, s26, s14, $0xb8;
	[tilespmem:$0x16E00] =	vst v63  }
0x48: {  	s28 =	simm.s32 $0x200  }
0x49: {  	[tilespmem:s15], [sflag:$0x1] =	stream.indirect.gather [hbm4b:s4+s14], $0x40, s28, s14, $0xb8;
	[tilespmem:$0x16E00] =	vst v63  }
0x4a: {  	_ =	swait.ge [sflag:s29], $0x2000  }
0x4b: {  	[sflag:s29] =	ssyncset.done $0x0  }
0x4c: {  	[sflag:s29] =	ssyncadd.s32 $0xFFFFE000  }
0x4d: {  	_ =	swait.ge [sflag:s30], $0x2000  }
0x4e: {  	[sflag:s30] =	ssyncset.done $0x0  }
0x4f: {  	[sflag:s30] =	ssyncadd.s32 $0xFFFFE000  }
0x50: {  	[spmem:s2] =	stream.indirect.scatter.add.f32 [tilespmem:s23], [sflag:$0x8], $0x40, s31, s14, $0xb8;
	[tilespmem:$0x16E00] =	vst v63  }
0x51: {  	s22 =	simm.s32 $0x0  }
0x52: {  	[tilespmem:s16], [sflag:$0x2] =	stream.indirect.gather [hbm4b:s4+s14], $0x40, s1, s14, $0xb8;
	[tilespmem:$0x16E00] =	vst v63  }
.LBB2_2:
0x53: {  	_ =	swait.ge [sflag:s17], $0x2000  }
0x54: {  	[sflag:s17] =	ssyncset.done $0x0  }
0x55: {  	[sflag:s17] =	ssyncadd.s32 $0xFFFFE000  }
0x56: {  	_ =	swait.ge [sflag:s0], $0x2000  }
0x57: {  	s26 =	sshra.s32 s22, $0x2;
	[sflag:s0] =	ssyncset.done $0x0  }
0x58: {  	s28 =	sadd.s32 $0x2A00, s26;
	[sflag:s0] =	ssyncadd.s32 $0xFFFFE000  }
0x59: {  	[spmem:s2] =	stream.indirect.scatter.add.f32 [tilespmem:s15], [sflag:$0x5], $0x40, s28, s14, $0xb8;
	[tilespmem:$0x16E00] =	vst v63  }
0x5a: {  	s28 =	sadd.s32 $0x300, s26  }
0x5b: {  	[tilespmem:s19], [sflag:$0x3] =	stream.indirect.gather [hbm4b:s4+s14], $0x40, s28, s14, $0xb8;
	[tilespmem:$0x16E00] =	vst v63  }
0x5c: {  	_ =	swait.ge [sflag:s20], $0x2000  }
0x5d: {  	[sflag:s20] =	ssyncset.done $0x0  }
0x5e: {  	[sflag:s20] =	ssyncadd.s32 $0xFFFFE000  }
0x5f: {  	_ =	swait.ge [sflag:s18], $0x2000  }
0x60: {  	[sflag:s18] =	ssyncset.done $0x0  }
0x61: {  	s28 =	sadd.s32 $0x2A80, s26;
	[sflag:s18] =	ssyncadd.s32 $0xFFFFE000  }
0x62: {  	[spmem:s2] =	stream.indirect.scatter.add.f32 [tilespmem:s16], [sflag:$0x6], $0x40, s28, s14, $0xb8;
	[tilespmem:$0x16E00] =	vst v63  }
0x63: {  	s28 =	sadd.s32 $0x380, s26  }
0x64: {  	[tilespmem:s23], [sflag:$0x4] =	stream.indirect.gather [hbm4b:s4+s14], $0x40, s28, s14, $0xb8;
	[tilespmem:$0x16E00] =	vst v63  }
0x65: {  	_ =	swait.ge [sflag:s24], $0x2000  }
0x66: {  	p0 =	seq.s32 s22, $0x9000;
	[sflag:s24] =	ssyncset.done $0x0  }
.Ltmp2:
0x67: {  	[sflag:s24] =	ssyncadd.s32 $0xFFFFE000;
	(pc) =	sbr.rel @p0 .LBB2_4-.Ltmp2, $4  }
0x68: {  	_ =	swait.ge [sflag:s25], $0x2000  }
0x69: {  	[sflag:s25] =	ssyncset.done $0x0  }
0x6a: {  	s28 =	sadd.s32 $0x2B00, s26;
	[sflag:s25] =	ssyncadd.s32 $0xFFFFE000  }
0x6b: {  	[spmem:s2] =	stream.indirect.scatter.add.f32 [tilespmem:s19], [sflag:$0x7], $0x40, s28, s14, $0xb8;
	[tilespmem:$0x16E00] =	vst v63  }
0x6c: {  	s28 =	sadd.s32 $0x400, s26  }
0x6d: {  	[tilespmem:s15], [sflag:$0x1] =	stream.indirect.gather [hbm4b:s4+s14], $0x40, s28, s14, $0xb8;
	[tilespmem:$0x16E00] =	vst v63  }
0x6e: {  	_ =	swait.ge [sflag:s29], $0x2000  }
0x6f: {  	[sflag:s29] =	ssyncset.done $0x0  }
0x70: {  	[sflag:s29] =	ssyncadd.s32 $0xFFFFE000  }
0x71: {  	_ =	swait.ge [sflag:s30], $0x2000  }
.Ltmp3:
0x72: {  	[sflag:s30] =	ssyncset.done $0x0;
	(pc) =	sbr.rel .LBB2_2-.Ltmp3, $4  }
0x73: {  	s28 =	sadd.s32 $0x2B80, s26;
	[sflag:s30] =	ssyncadd.s32 $0xFFFFE000  }
0x74: {  	[spmem:s2] =	stream.indirect.scatter.add.f32 [tilespmem:s23], [sflag:$0x8], $0x40, s28, s14, $0xb8;
	[tilespmem:$0x16E00] =	vst v63  }
0x75: {  	s22 =	sadd.s32 $0x800, s22;
	s28 =	sadd.s32 $0x480, s26  }
0x76: {  	[tilespmem:s16], [sflag:$0x2] =	stream.indirect.gather [hbm4b:s4+s14], $0x40, s28, s14, $0xb8;
	[tilespmem:$0x16E00] =	vst v63  }
.LBB2_5:
0x77: {  	_ =	sfence.sel $0x180000  }
0x78: {  	[bflag:$0x0] =	sbarrier.arrive $0xFFFF  }
0x79: {  	_ =	strace $0x90000050  }
0x7a: {  	s0 =	stileid.u32;
	[bflag:$0x2] =	sbarrier.arrive $0xFFFF  }
0x7b: {  	p0 =	sne.s32 s0, $0x0;
	s0 =	rddreg [dreg:$0x2]  }
0x7c: {  	s0 =	sadd.s32 @!p0 $0x100000, s0  }
0x7d: {  	[sflag:s0] =	ssyncadd.tile.s32 @!p0 $0x1;
	_ =	shalt  }
.Lfunc_end2:
_tile_overlayer_lowered:
.L_overlay_start_2:
0x7e: {  	(tag) =	ssettag $0x2  }
0x7f: {  	s0 =	rddreg [dreg:$0x0];
	s2 =	stileid.u32  }
0x80: {  	s1 =	rddreg [dreg:$0x1];
	p0 =	sne.s32 s2, $0x0  }
0x81: {  	s3 =	rddreg [dreg:$0x2];
	[bflag:$0x3] =	sbarrier.arrive $0xFFFF;
	s2 =	simm.s32 @!p0 $0x1C09  }
0x82: {  	[timem:s3], [sflag:s2] =	dma.local @!p0 [hbm:s0], s1  }
0x83: {  	s0 =	simm.s32 @!p0 $0x9  }
0x84: {  	_ =	swait.ge @!p0 [sflag:s0], s1  }
0x85: {  	s1 =	ssub.s32 @!p0 $0x0, s1;
	[sflag:s0] =	ssyncset.done @!p0 $0x0  }
0x86: {  	[sflag:s0] =	ssyncadd.s32 @!p0 s1  }
0x87: {  	[bflag:$0x3] =	sbarrier.arrive $0xFFFF  }
0x88: {  	_ =	shalt  }

// kernel: kernel.26.cloned.1.call-start
scs
__scs_entry_jumppad:
0x0: {  	(pc) =	sbr.rel $0x88, $3  }
0x1: {  	(tag) =	ssettag $0x0;
	lr =	simm.s32 $0x1  }
0x2: {  	[smem:$0x3F94] =	sst lr;
	_ =	strace $0xD0000000  }
0x3: {  	_ = 	snop  }
0x4: {  	_ = 	snop  }
0x5: {  	_ = 	snop  }
0x6: {  	_ = 	snop  }
0x7: {  	_ = 	snop  }
__scs_overlays_trampoline_lowered:
0x8: {  	[smem:$0x3FA3] =	sst s0  }
0x9: {  	[smem:$0x3FA4] =	sst s1  }
0xa: {  	[smem:$0x3FA5] =	sst s2  }
0xb: {  	[smem:$0x3FA6] =	sst s3  }
0xc: {  	[smem:$0x3FA7] =	sst s4  }
0xd: {  	[smem:$0x3FA8] =	sst s5  }
0xe: {  	[smem:$0x3FA9] =	sst s6  }
0xf: {  	[smem:$0x3FAA] =	sst s7  }
0x10: {  	[smem:$0x3FAB] =	sst s8  }
0x11: {  	[smem:$0x3FAC] =	sst s9;
	s0 =	simm.s32 @!p0 $0x0  }
0x12: {  	s1 =	sld [smem:$0x3F92];
	s0 =	simm.s32 @p0 $0x1  }
0x13: {  	[smem:$0x3FAD] =	sst s0;
	s0 =	simm.s32 @!p1 $0x0  }
0x14: {  	s2 =	sld [smem:$0x3F91];
	s0 =	simm.s32 @p1 $0x1  }
0x15: {  	[smem:$0x3FAE] =	sst s0;
	s0 =	simm.s32 @!p2 $0x0  }
0x16: {  	s3 =	sld [smem:$0x3FDB];
	s0 =	simm.s32 @p2 $0x1  }
0x17: {  	s4 =	simm.s32 $0x1BF5;
	[smem:$0x3FB0] =	sst s0  }
0x18: {  	s0 =	sld [smem:$0x3F93];
	_ =	swait.ge [sflag:s4], $0x0  }
0x19: {  	s7 =	sld [smem:$0x3F94]  }
0x1a: {  	s8 =	sadd.s32 $0xFFFFE003, lr  }
0x1b: {  	s9 =	sadd.s32 $0xFFFFFEF7, lr;
	s5 =	simm.s32 $0xFFFFFFFF;
	p2 =	slt.u32 s8, $0xFFFFF086  }
0x1c: {  	p1 =	slt.u32 s9, $0xF7A;
	s5 =	simm.s32 @!p2 $0x0  }
0x1d: {  	s5 =	simm.s32 @p1 $0x1;
	p0 =	seq.s32 s7, s2  }
0x1e: {  	s7 =	smul.u32 @!p0 $0xF7A, s2;
	p2 =	seq.s32 @!p0 s5, $0x0  }
0x1f: {  	s9 =	smul.u32 $0xF7A, s1;
	s8 =	simm.s32 @!p0 $0x1BF5;
	p2 =	por !p2, p0  }
0x20: {  	[sflag:s8] =	ssyncset.s32 @!p0 $0xFFFFF086;
	s6 =	sadd.s32 @!p0 s3, s7;
	s7 =	simm.s32 @!p0 $0x108  }
0x21: {  	s3 =	sadd.s32 s3, s9;
	s6 =	sadd.s32 @!p0 $0x88, s6;
	s7 =	simm.s32 @p2 $0x1082  }
0x22: {  	[simem:s7], [sflag:s8] =	dma.local @!p0 [hbm:s6], $0xF7A  }
0x23: {  	s9 =	sor.u32 $0xD0000000, s2;
	s6 =	simm.s32 $0x108;
	_ =	swait.ge @!p0 [sflag:s8], $0x0  }
0x24: {  	s3 =	sadd.s32 $0x88, s3;
	s6 =	simm.s32 @!p1 $0x1082;
	[sflag:s4] =	ssyncset.s32 $0xFFFFF086  }
0x25: {  	[simem:s6], [sflag:s4] =	dma.local [hbm:s3], $0xF7A  }
0x26: {  	[smem:$0x3F94] =	sst s1;
	(tag) =	ssettag s2;
	_ =	strace s9  }
0x27: {  	s1 =	sld [smem:$0x3FA4]  }
0x28: {  	s2 =	sld [smem:$0x3FA5]  }
0x29: {  	s4 =	sld [smem:$0x3FA7]  }
0x2a: {  	p0 =	seq.s32 s5, $0x0;
	s5 =	sld [smem:$0x3FA8]  }
0x2b: {  	s6 =	sld [smem:$0x3FA9]  }
0x2c: {  	s7 =	sld [smem:$0x3FAA]  }
0x2d: {  	s3 =	simm.s32 $0x108;
	s8 =	sld [smem:$0x3FAB]  }
0x2e: {  	s3 =	simm.s32 @!p0 $0x1082;
	s9 =	sld [smem:$0x3FAC]  }
0x2f: {  	lr =	sadd.s32 s0, s3;
	s0 =	sld [smem:$0x3FA3]  }
0x30: {  	s3 =	sld [smem:$0x3FA6]  }
0x31: {  	[smem:$0x3FAF] =	sst s10  }
0x32: {  	s10 =	sld [smem:$0x3FAD];
	_ =	sdelay $0x3  }
0x33: {  	p0 =	seq.s32 s10, $0x1;
	s10 =	sld [smem:$0x3FAF];
	_ =	sdelay $0x3  }
0x34: {  	[smem:$0x3FAF] =	sst s10  }
0x35: {  	s10 =	sld [smem:$0x3FAE];
	_ =	sdelay $0x3  }
0x36: {  	p1 =	seq.s32 s10, $0x1;
	s10 =	sld [smem:$0x3FAF];
	_ =	sdelay $0x3  }
0x37: {  	[smem:$0x3FAF] =	sst s10  }
0x38: {  	s10 =	sld [smem:$0x3FB0]  }
0x39: {  	_ = 	snop;
	(pc) =	sbr.ind lr, $3  }
0x3a: {  	_ = 	snop  }
0x3b: {  	_ = 	snop  }
0x3c: {  	p2 =	seq.s32 s10, $0x1;
	s10 =	sld [smem:$0x3FAF]  }
0x3d: {  	_ =	shalt  }
0x3e: {  	_ =	shalt  }
0x3f: {  	_ =	shalt  }
0x40: {  	_ =	shalt  }
0x41: {  	_ =	shalt  }
0x42: {  	_ =	shalt  }
0x43: {  	_ =	shalt  }
0x44: {  	_ =	shalt  }
0x45: {  	_ =	shalt  }
0x46: {  	_ =	shalt  }
0x47: {  	_ =	shalt  }
0x48: {  	_ =	shalt  }
0x49: {  	_ =	shalt  }
0x4a: {  	_ =	shalt  }
0x4b: {  	_ =	shalt  }
0x4c: {  	_ =	shalt  }
0x4d: {  	_ =	shalt  }
0x4e: {  	_ =	shalt  }
0x4f: {  	_ =	shalt  }
0x50: {  	_ =	shalt  }
0x51: {  	_ =	shalt  }
0x52: {  	_ =	shalt  }
0x53: {  	_ =	shalt  }
0x54: {  	_ =	shalt  }
0x55: {  	_ =	shalt  }
0x56: {  	_ =	shalt  }
0x57: {  	_ =	shalt  }
0x58: {  	_ =	shalt  }
0x59: {  	_ =	shalt  }
0x5a: {  	_ =	shalt  }
0x5b: {  	_ =	shalt  }
0x5c: {  	_ =	shalt  }
0x5d: {  	_ =	shalt  }
0x5e: {  	_ =	shalt  }
0x5f: {  	_ =	shalt  }
0x60: {  	_ =	shalt  }
0x61: {  	_ =	shalt  }
0x62: {  	_ =	shalt  }
0x63: {  	_ =	shalt  }
0x64: {  	_ =	shalt  }
0x65: {  	_ =	shalt  }
0x66: {  	_ =	shalt  }
0x67: {  	_ =	shalt  }
0x68: {  	_ =	shalt  }
0x69: {  	_ =	shalt  }
0x6a: {  	_ =	shalt  }
0x6b: {  	_ =	shalt  }
0x6c: {  	_ =	shalt  }
0x6d: {  	_ =	shalt  }
0x6e: {  	_ =	shalt  }
0x6f: {  	_ =	shalt  }
0x70: {  	_ =	shalt  }
0x71: {  	_ =	shalt  }
0x72: {  	_ =	shalt  }
0x73: {  	_ =	shalt  }
0x74: {  	_ =	shalt  }
0x75: {  	_ =	shalt  }
0x76: {  	_ =	shalt  }
0x77: {  	_ =	shalt  }
0x78: {  	_ =	shalt  }
0x79: {  	_ =	shalt  }
0x7a: {  	_ =	shalt  }
0x7b: {  	_ =	shalt  }
0x7c: {  	_ =	shalt  }
0x7d: {  	_ =	shalt  }
0x7e: {  	_ =	shalt  }
0x7f: {  	_ =	shalt  }
0x80: {  	_ =	shalt  }
0x81: {  	_ =	shalt  }
0x82: {  	_ =	shalt  }
0x83: {  	_ =	shalt  }
0x84: {  	_ =	shalt  }
0x85: {  	_ =	shalt  }
0x86: {  	_ =	shalt  }
0x87: {  	_ =	shalt  }
.Lfunc_end0:
.L_simem_size_0:
called_computation.4_lowered:
.L_overlay_start_0:
0x88: {  	s2 =	sld [smem:$0x3FD9]  }
0x89: {  	s3 =	sld [smem:$0x3FFE];
	_ =	sdelay $0x1  }
0x8a: {  	s1 =	srdreg.scid  }
0x8b: {  	s0 =	sand.u32 $0x1, s1  }
0x8c: {  	s16 =	sshll.u32 s0, $0xA;
	s2 =	sadd.s32 s3, s2  }
0x8d: {  	s2 =	sadd.s32 s2, s16  }
0x8e: {  	[smem:$0x3FBB] =	sst s2  }
0x8f: {  	_ = 	snop  }
0x90: {  	(tm) =	ssettm $0x1  }
0x91: {  	s17 =	sld [smem:$0x3FFB];
	_ =	sdelay $0x3  }
0x92: {  	_ =	strace s17  }
0x93: {  	s2 =	sld [smem:$0x3FFC];
	_ =	sdelay $0x3  }
0x94: {  	_ =	strace s2  }
0x95: {  	s2 =	sld [smem:$0x3FFD];
	_ =	sdelay $0x3  }
0x96: {  	_ =	strace s2  }
0x97: {  	_ =	strace $0x8FFFFFFF  }
0x98: {  	s18 =	sld [smem:$0x3FDB];
	_ =	sdelay $0x1  }
0x99: {  	s19 =	simm.s32 $_scs_section_size  }
0x9a: {  	s4 =	simm.s32 $_size__tile_overlayer_lowered;
	s5 =	simm.s32 $_tile_overlayer_lowered  }
0x9b: {  	s22 =	simm.s32 $0x1BFF;
	s21 =	sshll.u32 s5, $0x1;
	s2 =	sadd.s32 s19, s18  }
0x9c: {  	s6 =	simm.s32 $0x0;
	s20 =	sshll.u32 s4, $0x1;
	s4 =	sadd.s32 s21, s2  }
0x9d: {  	[timem:s6], [sflag:s22] =	dma.local [hbm:s4], s20  }
0x9e: {  	_ =	swait.ge [sflag:s22], s20  }
0x9f: {  	s3 =	ssub.s32 $0x0, s20;
	[sflag:s22] =	ssyncset.done $0x0  }
0xa0: {  	[sflag:s22] =	ssyncadd.s32 s3;
	_ =	sdelay $0x1  }
0xa1: {  	s23 =	simm.s32 $0x1B8B  }
0xa2: {  	_ =	swait.ge [sflag:s23], $0x1  }
0xa3: {  	[sflag:s23] =	ssyncset.done $0x0  }
0xa4: {  	s25 =	simm.s32 $0x1B8E;
	s24 =	sld [smem:$0x3FFE];
	[sflag:s23] =	ssyncadd.s32 $0xFFFFFFFF  }
0xa5: {  	s26 =	simm.s32 $execute0_lowered;
	[smem:$0x3FD2] =	sst s25  }
0xa6: {  	s4 =	sshll.u32 s26, $0x1;
	_ =	strace $0x80000052;
	[dreg:$0x1] =	wrdreg $0xFFFFFFFF  }
0xa7: {  	s28 =	simm.s32 $_size_execute0_lowered;
	s2 =	sadd.s32 s2, s4;
	[dreg:$0x0] =	wrdreg $0x0  }
0xa8: {  	s4 =	sshll.u32 s28, $0x1;
	[dreg:$0x2] =	wrdreg s2  }
0xa9: {  	[dreg:$0x3] =	wrdreg s4  }
0xaa: {  	[dreg:$0x4] =	wrdreg $0xC0  }
0xab: {  	_ =	task [dreg:s6], $0x5FFFF  }
0xac: {  	[dreg:$0x1] =	wrdreg $0xFFFFFFFF  }
0xad: {  	[dreg:$0x0] =	wrdreg $0x60  }
0xae: {  	[dreg:$0x2] =	wrdreg s24  }
0xaf: {  	[dreg:$0x3] =	wrdreg $0xD0000  }
0xb0: {  	[dreg:$0x4] =	wrdreg $0x9  }
0xb1: {  	_ =	task.clear_ibuf [dreg:s6], $0x5FFFF;
	_ =	strace $0x90000052  }
0xb2: {  	s29 =	simm.s32 $0x9;
	_ =	strace $0x80000054  }
0xb3: {  	_ =	swait.ge [sflag:s29], $0x1  }
0xb4: {  	[sflag:s29] =	ssyncadd.s32 $0xFFFFFFFF  }
0xb5: {  	_ =	strace $0x90000054  }
0xb6: {  	_ =	sfence  }
0xb7: {  	s30 =	sld [smem:$0x0];
	_ =	sdelay $0x2  }
0xb8: {  	s31 =	sshll.u32 s1, $0xD;
	s1 =	sshrl.u32 s1, $0x2  }
0xb9: {  	s3 =	sand.u32 $0x4000, s31;
	s1 =	sadd.s32 s1, s30  }
0xba: {  	s0 =	sor.u32 s3, s0;
	s1 =	sshll.u32 s1, $0x11  }
0xbb: {  	s0 =	sor.u32 s1, s0  }
0xbc: {  	s0 =	sadd.s32 $0x8F2B, s0  }
0xbd: {  	[sflag:s0] =	ssyncadd.remote.s32 $0x1  }
0xbe: {  	_ =	sfence.sel $0xFFFF  }
0xbf: {  	[dreg:$0x0] =	wrdreg $0xFFFFFFFF;
	(pc) =	sbr.abs _section_cstart, $3  }
0xc0: {  	[dreg:$0x1] =	wrdreg $0xFFFFFFFF  }
0xc1: {  	_ =	task.clear_ibuf [dreg:s6], $0x2FFFF;
	_ =	strace $0x9FFFFFFF  }
0xc2: {  	(tm) =	ssettm $0x7FFFFFFF  }
0xc3: {  	_ =	shalt  }
tec
execute0_lowered:
.L_overlay_start_1:
0x0: {  	(tag) =	ssettag $0x1  }
0x1: {  	s0 =	srdreg.scid  }
0x2: {  	s10 =	stileid.u32;
	s5 =	rddreg [dreg:$0x0]  }
0x3: {  	s2 =	rddreg [dreg:$0x1];
	s3 =	simm.s32 $0x0;
	s12 =	simm.s32 $0x9  }
0x4: {  	s13 =	simm.s32 $0x2800;
	s14 =	simm.s32 $0x80;
	s15 =	simm.s32 $0x5000  }
0x5: {  	s16 =	simm.s32 $0x7000;
	s17 =	simm.s32 $0x1;
	s19 =	simm.s32 $0x9000  }
0x6: {  	s20 =	simm.s32 $0x2;
	s23 =	simm.s32 $0xB000;
	s24 =	simm.s32 $0x3  }
0x7: {  	s25 =	simm.s32 $0x5;
	s29 =	simm.s32 $0x4;
	s30 =	simm.s32 $0x6  }
0x8: {  	s31 =	simm.s32 $0x2980;
	s18 =	simm.s32 $0x8;
	s21 =	simm.s32 $0x0  }
0x9: {  	s0 =	sand.u32 $0x1, s0;
	s6 =	smul.u32 $0x9E00, s10;
	[smem:$0x7FF] =	sst s3  }
0xa: {  	s4 =	sadd.s32 $0x26400, s5;
	s28 =	sshll.u32 s10, $0x6;
	s1 =	sshll.u32 s0, $0x4  }
0xb: {  	s7 =	smul.u32 $0x9E000, s0;
	_ =	strace $0x80000053;
	s0 =	ssub.s32 $0x2, s0  }
0xc: {  	s1 =	sor.u32 s10, s1;
	s8 =	sshrl.u32 s6, $0x3;
	s26 =	sshrl.u32 s0, $0x1  }
0xd: {  	s11 =	sadd.s32 s6, s2;
	s1 =	smul.u32 $0x500, s1;
	s7 =	sadd.s32 s6, s7  }
.Ltmp0:
0xe: {  	s8 =	sadd.s32 s8, s5;
	s0 =	ssub.s32 s0, s26;
	(pc) =	sbr.rel .LBB2_1-.Ltmp0, $4  }
0xf: {  	s6 =	sor.u32 $0x1C09, s28;
	s11 =	sshrl.u32 s11, $0x3;
	s7 =	sshrl.u32 s7, $0x3  }
0x10: {  	s10 =	smax.u32 s0, $0x1;
	s0 =	simm.s32 $0x7;
	s1 =	sadd.s32 s1, s5  }
0x11: {  	s9 =	sadd.s32 s7, s5;
	s5 =	sadd.s32 $0x39E00, s8;
	s7 =	sadd.s32 $0x1C400, s1  }
0x12: {  	s8 =	sadd.s32 $0x3400, s1;
	s9 =	sadd.s32 $0x4DA00, s9;
	s1 =	simm.s32 $0x280  }
.LBB2_4:
0x13: {  	_ =	swait.ge [sflag:s29], $0x2000  }
0x14: {  	[sflag:s29] =	ssyncset.done $0x0  }
0x15: {  	[sflag:s29] =	ssyncadd.s32 $0xFFFFE000  }
0x16: {  	_ =	swait.ge [sflag:s30], $0x2000  }
0x17: {  	[sflag:s30] =	ssyncset.done $0x0  }
0x18: {  	s22 =	sadd.s32 $0x2B80, s26;
	[sflag:s30] =	ssyncadd.s32 $0xFFFFE000  }
0x19: {  	[spmem:s2] =	stream.indirect.scatter.add.f32 [tilespmem:s23], [sflag:$0x8], $0x40, s22, s14, $0xb8;
	[tilespmem:$0x16E00] =	vst v63  }
0x1a: {  	_ =	swait.ge [sflag:s0], $0x2000  }
0x1b: {  	[sflag:s0] =	ssyncset.done $0x0  }
0x1c: {  	[sflag:s0] =	ssyncadd.s32 $0xFFFFE000  }
0x1d: {  	_ =	swait.ge [sflag:s18], $0x2000  }
0x1e: {  	s21 =	sadd.s32 $0x1, s21;
	[sflag:s18] =	ssyncset.done $0x0  }
0x1f: {  	p0 =	sne.s32 s21, s10;
	[sflag:s18] =	ssyncadd.s32 $0xFFFFE000  }
.Ltmp1:
0x20: {  	[bflag:$0x0] =	sbarrier.arrive $0xFFFF;
	(pc) =	sbr.rel @!p0 .LBB2_5-.Ltmp1, $4  }
0x21: {  	[hbm:s9], [sflag:s6] =	dma.local [spmem:s11], $0x13C0  }
0x22: {  	_ =	swait.ge [sflag:s12], $0x13C0  }
0x23: {  	[sflag:s12] =	ssyncset.done $0x0  }
0x24: {  	[sflag:s12] =	ssyncadd.s32 $0xFFFFEC40  }
.LBB2_1:
0x25: {  	[spmem:s11], [sflag:s6] =	dma.local [hbm:s5], $0x13C0  }
0x26: {  	_ =	swait.ge [sflag:s12], $0x13C0  }
0x27: {  	[sflag:s12] =	ssyncset.done $0x0  }
0x28: {  	[sflag:s12] =	ssyncadd.s32 $0xFFFFEC40  }
0x29: {  	[tilespmem:s3], [sflag:$0x9] =	stream.linear.gather [hbm4b:s7+s3], $0x2800, $0x38;
	[tilespmem:$0x16E00] =	vst v63  }
0x2a: {  	_ =	swait.ge [sflag:s12], $0x2800  }
0x2b: {  	[sflag:s12] =	ssyncset.done $0x0  }
0x2c: {  	[sflag:s12] =	ssyncadd.s32 $0xFFFFD800  }
0x2d: {  	[tilespmem:s13], [sflag:$0x9] =	stream.linear.gather [hbm4b:s8+s3], $0x2800, $0x38;
	[tilespmem:$0x16E00] =	vst v63  }
0x2e: {  	_ =	swait.ge [sflag:s12], $0x2800  }
0x2f: {  	[sflag:s12] =	ssyncset.done $0x0  }
0x30: {  	[sflag:s12] =	ssyncadd.s32 $0xFFFFD800  }
0x31: {  	[bflag:$0x0] =	sbarrier.arrive $0xFFFF  }
0x32: {  	[tilespmem:s15], [sflag:$0x1] =	stream.indirect.gather [hbm4b:s4+s14], $0x40, s3, s14, $0xb8;
	[tilespmem:$0x16E00] =	vst v63  }
0x33: {  	_ = 	snop  }
0x34: {  	[tilespmem:s16], [sflag:$0x2] =	stream.indirect.gather [hbm4b:s4+s14], $0x40, s14, s14, $0xb8;
	[tilespmem:$0x16E00] =	vst v63  }
0x35: {  	_ =	swait.ge [sflag:s17], $0x2000  }
0x36: {  	[sflag:s17] =	ssyncset.done $0x0  }
0x37: {  	[sflag:s17] =	ssyncadd.s32 $0xFFFFE000  }
0x38: {  	[spmem:s2] =	stream.indirect.scatter.add.f32 [tilespmem:s15], [sflag:$0x5], $0x40, s13, s14, $0xb8;
	[tilespmem:$0x16E00] =	vst v63  }
0x39: {  	s22 =	simm.s32 $0x100  }
0x3a: {  	[tilespmem:s19], [sflag:$0x3] =	stream.indirect.gather [hbm4b:s4+s14], $0x40, s22, s14, $0xb8;
	[tilespmem:$0x16E00] =	vst v63  }
0x3b: {  	_ =	swait.ge [sflag:s20], $0x2000  }
0x3c: {  	[sflag:s20] =	ssyncset.done $0x0  }
0x3d: {  	s26 =	simm.s32 $0x2880;
	[sflag:s20] =	ssyncadd.s32 $0xFFFFE000  }
0x3e: {  	[spmem:s2] =	stream.indirect.scatter.add.f32 [tilespmem:s16], [sflag:$0x6], $0x40, s26, s14, $0xb8;
	[tilespmem:$0x16E00] =	vst v63  }
0x3f: {  	s28 =	simm.s32 $0x180  }
0x40: {  	[tilespmem:s23], [sflag:$0x4] =	stream.indirect.gather [hbm4b:s4+s14], $0x40, s28, s14, $0xb8;
	[tilespmem:$0x16E00] =	vst v63  }
0x41: {  	_ =	swait.ge [sflag:s24], $0x2000  }
0x42: {  	[sflag:s24] =	ssyncset.done $0x0  }
0x43: {  	[sflag:s24] =	ssyncadd.s32 $0xFFFFE000  }
0x44: {  	_ =	swait.ge [sflag:s25], $0x2000  }
0x45: {  	[sflag:s25] =	ssyncset.done $0x0  }
0x46: {  	s26 =	simm.s32 $0x2900;
	[sflag:s25] =	ssyncadd.s32 $0xFFFFE000  }
0x47: {  	[spmem:s2] =	stream.indirect.scatter.add.f32 [tilespmem:s19], [sflag:$0x7], $0x40, s26, s14, $0xb8;
	[tilespmem:$0x16E00] =	vst v63  }
0x48: {  	s28 =	simm.s32 $0x200  }
0x49: {  	[tilespmem:s15], [sflag:$0x1] =	stream.indirect.gather [hbm4b:s4+s14], $0x40, s28, s14, $0xb8;
	[tilespmem:$0x16E00] =	vst v63  }
0x4a: {  	_ =	swait.ge [sflag:s29], $0x2000  }
0x4b: {  	[sflag:s29] =	ssyncset.done $0x0  }
0x4c: {  	[sflag:s29] =	ssyncadd.s32 $0xFFFFE000  }
0x4d: {  	_ =	swait.ge [sflag:s30], $0x2000  }
0x4e: {  	[sflag:s30] =	ssyncset.done $0x0  }
0x4f: {  	[sflag:s30] =	ssyncadd.s32 $0xFFFFE000  }
0x50: {  	[spmem:s2] =	stream.indirect.scatter.add.f32 [tilespmem:s23], [sflag:$0x8], $0x40, s31, s14, $0xb8;
	[tilespmem:$0x16E00] =	vst v63  }
0x51: {  	s22 =	simm.s32 $0x0  }
0x52: {  	[tilespmem:s16], [sflag:$0x2] =	stream.indirect.gather [hbm4b:s4+s14], $0x40, s1, s14, $0xb8;
	[tilespmem:$0x16E00] =	vst v63  }
.LBB2_2:
0x53: {  	_ =	swait.ge [sflag:s17], $0x2000  }
0x54: {  	[sflag:s17] =	ssyncset.done $0x0  }
0x55: {  	[sflag:s17] =	ssyncadd.s32 $0xFFFFE000  }
0x56: {  	_ =	swait.ge [sflag:s0], $0x2000  }
0x57: {  	s26 =	sshra.s32 s22, $0x2;
	[sflag:s0] =	ssyncset.done $0x0  }
0x58: {  	s28 =	sadd.s32 $0x2A00, s26;
	[sflag:s0] =	ssyncadd.s32 $0xFFFFE000  }
0x59: {  	[spmem:s2] =	stream.indirect.scatter.add.f32 [tilespmem:s15], [sflag:$0x5], $0x40, s28, s14, $0xb8;
	[tilespmem:$0x16E00] =	vst v63  }
0x5a: {  	s28 =	sadd.s32 $0x300, s26  }
0x5b: {  	[tilespmem:s19], [sflag:$0x3] =	stream.indirect.gather [hbm4b:s4+s14], $0x40, s28, s14, $0xb8;
	[tilespmem:$0x16E00] =	vst v63  }
0x5c: {  	_ =	swait.ge [sflag:s20], $0x2000  }
0x5d: {  	[sflag:s20] =	ssyncset.done $0x0  }
0x5e: {  	[sflag:s20] =	ssyncadd.s32 $0xFFFFE000  }
0x5f: {  	_ =	swait.ge [sflag:s18], $0x2000  }
0x60: {  	[sflag:s18] =	ssyncset.done $0x0  }
0x61: {  	s28 =	sadd.s32 $0x2A80, s26;
	[sflag:s18] =	ssyncadd.s32 $0xFFFFE000  }
0x62: {  	[spmem:s2] =	stream.indirect.scatter.add.f32 [tilespmem:s16], [sflag:$0x6], $0x40, s28, s14, $0xb8;
	[tilespmem:$0x16E00] =	vst v63  }
0x63: {  	s28 =	sadd.s32 $0x380, s26  }
0x64: {  	[tilespmem:s23], [sflag:$0x4] =	stream.indirect.gather [hbm4b:s4+s14], $0x40, s28, s14, $0xb8;
	[tilespmem:$0x16E00] =	vst v63  }
0x65: {  	_ =	swait.ge [sflag:s24], $0x2000  }
0x66: {  	p0 =	seq.s32 s22, $0x9000;
	[sflag:s24] =	ssyncset.done $0x0  }
.Ltmp2:
0x67: {  	[sflag:s24] =	ssyncadd.s32 $0xFFFFE000;
	(pc) =	sbr.rel @p0 .LBB2_4-.Ltmp2, $4  }
0x68: {  	_ =	swait.ge [sflag:s25], $0x2000  }
0x69: {  	[sflag:s25] =	ssyncset.done $0x0  }
0x6a: {  	s28 =	sadd.s32 $0x2B00, s26;
	[sflag:s25] =	ssyncadd.s32 $0xFFFFE000  }
0x6b: {  	[spmem:s2] =	stream.indirect.scatter.add.f32 [tilespmem:s19], [sflag:$0x7], $0x40, s28, s14, $0xb8;
	[tilespmem:$0x16E00] =	vst v63  }
0x6c: {  	s28 =	sadd.s32 $0x400, s26  }
0x6d: {  	[tilespmem:s15], [sflag:$0x1] =	stream.indirect.gather [hbm4b:s4+s14], $0x40, s28, s14, $0xb8;
	[tilespmem:$0x16E00] =	vst v63  }
0x6e: {  	_ =	swait.ge [sflag:s29], $0x2000  }
0x6f: {  	[sflag:s29] =	ssyncset.done $0x0  }
0x70: {  	[sflag:s29] =	ssyncadd.s32 $0xFFFFE000  }
0x71: {  	_ =	swait.ge [sflag:s30], $0x2000  }
.Ltmp3:
0x72: {  	[sflag:s30] =	ssyncset.done $0x0;
	(pc) =	sbr.rel .LBB2_2-.Ltmp3, $4  }
0x73: {  	s28 =	sadd.s32 $0x2B80, s26;
	[sflag:s30] =	ssyncadd.s32 $0xFFFFE000  }
0x74: {  	[spmem:s2] =	stream.indirect.scatter.add.f32 [tilespmem:s23], [sflag:$0x8], $0x40, s28, s14, $0xb8;
	[tilespmem:$0x16E00] =	vst v63  }
0x75: {  	s22 =	sadd.s32 $0x800, s22;
	s28 =	sadd.s32 $0x480, s26  }
0x76: {  	[tilespmem:s16], [sflag:$0x2] =	stream.indirect.gather [hbm4b:s4+s14], $0x40, s28, s14, $0xb8;
	[tilespmem:$0x16E00] =	vst v63  }
.LBB2_5:
0x77: {  	_ =	sfence.sel $0x180000  }
0x78: {  	[bflag:$0x0] =	sbarrier.arrive $0xFFFF  }
0x79: {  	_ =	strace $0x90000053  }
0x7a: {  	s0 =	stileid.u32;
	[bflag:$0x2] =	sbarrier.arrive $0xFFFF  }
0x7b: {  	p0 =	sne.s32 s0, $0x0;
	s0 =	rddreg [dreg:$0x2]  }
0x7c: {  	s0 =	sadd.s32 @!p0 $0x100000, s0  }
0x7d: {  	[sflag:s0] =	ssyncadd.tile.s32 @!p0 $0x1;
	_ =	shalt  }
.Lfunc_end2:
_tile_overlayer_lowered:
.L_overlay_start_2:
0x7e: {  	(tag) =	ssettag $0x2  }
0x7f: {  	s0 =	rddreg [dreg:$0x0];
	s2 =	stileid.u32  }
0x80: {  	s1 =	rddreg [dreg:$0x1];
	p0 =	sne.s32 s2, $0x0  }
0x81: {  	s3 =	rddreg [dreg:$0x2];
	[bflag:$0x3] =	sbarrier.arrive $0xFFFF;
	s2 =	simm.s32 @!p0 $0x1C09  }
0x82: {  	[timem:s3], [sflag:s2] =	dma.local @!p0 [hbm:s0], s1  }
0x83: {  	s0 =	simm.s32 @!p0 $0x9  }
0x84: {  	_ =	swait.ge @!p0 [sflag:s0], s1  }
0x85: {  	s1 =	ssub.s32 @!p0 $0x0, s1;
	[sflag:s0] =	ssyncset.done @!p0 $0x0  }
0x86: {  	[sflag:s0] =	ssyncadd.s32 @!p0 s1  }
0x87: {  	[bflag:$0x3] =	sbarrier.arrive $0xFFFF  }
0x88: {  	_ =	shalt  }

// kernel: kernel.29.cloned.1.call-start
scs
__scs_entry_jumppad:
0x0: {  	(pc) =	sbr.rel $0x88, $3  }
0x1: {  	(tag) =	ssettag $0x0;
	lr =	simm.s32 $0x1  }
0x2: {  	[smem:$0x3F94] =	sst lr;
	_ =	strace $0xD0000000  }
0x3: {  	_ = 	snop  }
0x4: {  	_ = 	snop  }
0x5: {  	_ = 	snop  }
0x6: {  	_ = 	snop  }
0x7: {  	_ = 	snop  }
__scs_overlays_trampoline_lowered:
0x8: {  	[smem:$0x3FA3] =	sst s0  }
0x9: {  	[smem:$0x3FA4] =	sst s1  }
0xa: {  	[smem:$0x3FA5] =	sst s2  }
0xb: {  	[smem:$0x3FA6] =	sst s3  }
0xc: {  	[smem:$0x3FA7] =	sst s4  }
0xd: {  	[smem:$0x3FA8] =	sst s5  }
0xe: {  	[smem:$0x3FA9] =	sst s6  }
0xf: {  	[smem:$0x3FAA] =	sst s7  }
0x10: {  	[smem:$0x3FAB] =	sst s8  }
0x11: {  	[smem:$0x3FAC] =	sst s9;
	s0 =	simm.s32 @!p0 $0x0  }
0x12: {  	s1 =	sld [smem:$0x3F92];
	s0 =	simm.s32 @p0 $0x1  }
0x13: {  	[smem:$0x3FAD] =	sst s0;
	s0 =	simm.s32 @!p1 $0x0  }
0x14: {  	s2 =	sld [smem:$0x3F91];
	s0 =	simm.s32 @p1 $0x1  }
0x15: {  	[smem:$0x3FAE] =	sst s0;
	s0 =	simm.s32 @!p2 $0x0  }
0x16: {  	s3 =	sld [smem:$0x3FDB];
	s0 =	simm.s32 @p2 $0x1  }
0x17: {  	s4 =	simm.s32 $0x1BF5;
	[smem:$0x3FB0] =	sst s0  }
0x18: {  	s0 =	sld [smem:$0x3F93];
	_ =	swait.ge [sflag:s4], $0x0  }
0x19: {  	s7 =	sld [smem:$0x3F94]  }
0x1a: {  	s8 =	sadd.s32 $0xFFFFE003, lr  }
0x1b: {  	s9 =	sadd.s32 $0xFFFFFEF7, lr;
	s5 =	simm.s32 $0xFFFFFFFF;
	p2 =	slt.u32 s8, $0xFFFFF086  }
0x1c: {  	p1 =	slt.u32 s9, $0xF7A;
	s5 =	simm.s32 @!p2 $0x0  }
0x1d: {  	s5 =	simm.s32 @p1 $0x1;
	p0 =	seq.s32 s7, s2  }
0x1e: {  	s7 =	smul.u32 @!p0 $0xF7A, s2;
	p2 =	seq.s32 @!p0 s5, $0x0  }
0x1f: {  	s9 =	smul.u32 $0xF7A, s1;
	s8 =	simm.s32 @!p0 $0x1BF5;
	p2 =	por !p2, p0  }
0x20: {  	[sflag:s8] =	ssyncset.s32 @!p0 $0xFFFFF086;
	s6 =	sadd.s32 @!p0 s3, s7;
	s7 =	simm.s32 @!p0 $0x108  }
0x21: {  	s3 =	sadd.s32 s3, s9;
	s6 =	sadd.s32 @!p0 $0x88, s6;
	s7 =	simm.s32 @p2 $0x1082  }
0x22: {  	[simem:s7], [sflag:s8] =	dma.local @!p0 [hbm:s6], $0xF7A  }
0x23: {  	s9 =	sor.u32 $0xD0000000, s2;
	s6 =	simm.s32 $0x108;
	_ =	swait.ge @!p0 [sflag:s8], $0x0  }
0x24: {  	s3 =	sadd.s32 $0x88, s3;
	s6 =	simm.s32 @!p1 $0x1082;
	[sflag:s4] =	ssyncset.s32 $0xFFFFF086  }
0x25: {  	[simem:s6], [sflag:s4] =	dma.local [hbm:s3], $0xF7A  }
0x26: {  	[smem:$0x3F94] =	sst s1;
	(tag) =	ssettag s2;
	_ =	strace s9  }
0x27: {  	s1 =	sld [smem:$0x3FA4]  }
0x28: {  	s2 =	sld [smem:$0x3FA5]  }
0x29: {  	s4 =	sld [smem:$0x3FA7]  }
0x2a: {  	p0 =	seq.s32 s5, $0x0;
	s5 =	sld [smem:$0x3FA8]  }
0x2b: {  	s6 =	sld [smem:$0x3FA9]  }
0x2c: {  	s7 =	sld [smem:$0x3FAA]  }
0x2d: {  	s3 =	simm.s32 $0x108;
	s8 =	sld [smem:$0x3FAB]  }
0x2e: {  	s3 =	simm.s32 @!p0 $0x1082;
	s9 =	sld [smem:$0x3FAC]  }
0x2f: {  	lr =	sadd.s32 s0, s3;
	s0 =	sld [smem:$0x3FA3]  }
0x30: {  	s3 =	sld [smem:$0x3FA6]  }
0x31: {  	[smem:$0x3FAF] =	sst s10  }
0x32: {  	s10 =	sld [smem:$0x3FAD];
	_ =	sdelay $0x3  }
0x33: {  	p0 =	seq.s32 s10, $0x1;
	s10 =	sld [smem:$0x3FAF];
	_ =	sdelay $0x3  }
0x34: {  	[smem:$0x3FAF] =	sst s10  }
0x35: {  	s10 =	sld [smem:$0x3FAE];
	_ =	sdelay $0x3  }
0x36: {  	p1 =	seq.s32 s10, $0x1;
	s10 =	sld [smem:$0x3FAF];
	_ =	sdelay $0x3  }
0x37: {  	[smem:$0x3FAF] =	sst s10  }
0x38: {  	s10 =	sld [smem:$0x3FB0]  }
0x39: {  	_ = 	snop;
	(pc) =	sbr.ind lr, $3  }
0x3a: {  	_ = 	snop  }
0x3b: {  	_ = 	snop  }
0x3c: {  	p2 =	seq.s32 s10, $0x1;
	s10 =	sld [smem:$0x3FAF]  }
0x3d: {  	_ =	shalt  }
0x3e: {  	_ =	shalt  }
0x3f: {  	_ =	shalt  }
0x40: {  	_ =	shalt  }
0x41: {  	_ =	shalt  }
0x42: {  	_ =	shalt  }
0x43: {  	_ =	shalt  }
0x44: {  	_ =	shalt  }
0x45: {  	_ =	shalt  }
0x46: {  	_ =	shalt  }
0x47: {  	_ =	shalt  }
0x48: {  	_ =	shalt  }
0x49: {  	_ =	shalt  }
0x4a: {  	_ =	shalt  }
0x4b: {  	_ =	shalt  }
0x4c: {  	_ =	shalt  }
0x4d: {  	_ =	shalt  }
0x4e: {  	_ =	shalt  }
0x4f: {  	_ =	shalt  }
0x50: {  	_ =	shalt  }
0x51: {  	_ =	shalt  }
0x52: {  	_ =	shalt  }
0x53: {  	_ =	shalt  }
0x54: {  	_ =	shalt  }
0x55: {  	_ =	shalt  }
0x56: {  	_ =	shalt  }
0x57: {  	_ =	shalt  }
0x58: {  	_ =	shalt  }
0x59: {  	_ =	shalt  }
0x5a: {  	_ =	shalt  }
0x5b: {  	_ =	shalt  }
0x5c: {  	_ =	shalt  }
0x5d: {  	_ =	shalt  }
0x5e: {  	_ =	shalt  }
0x5f: {  	_ =	shalt  }
0x60: {  	_ =	shalt  }
0x61: {  	_ =	shalt  }
0x62: {  	_ =	shalt  }
0x63: {  	_ =	shalt  }
0x64: {  	_ =	shalt  }
0x65: {  	_ =	shalt  }
0x66: {  	_ =	shalt  }
0x67: {  	_ =	shalt  }
0x68: {  	_ =	shalt  }
0x69: {  	_ =	shalt  }
0x6a: {  	_ =	shalt  }
0x6b: {  	_ =	shalt  }
0x6c: {  	_ =	shalt  }
0x6d: {  	_ =	shalt  }
0x6e: {  	_ =	shalt  }
0x6f: {  	_ =	shalt  }
0x70: {  	_ =	shalt  }
0x71: {  	_ =	shalt  }
0x72: {  	_ =	shalt  }
0x73: {  	_ =	shalt  }
0x74: {  	_ =	shalt  }
0x75: {  	_ =	shalt  }
0x76: {  	_ =	shalt  }
0x77: {  	_ =	shalt  }
0x78: {  	_ =	shalt  }
0x79: {  	_ =	shalt  }
0x7a: {  	_ =	shalt  }
0x7b: {  	_ =	shalt  }
0x7c: {  	_ =	shalt  }
0x7d: {  	_ =	shalt  }
0x7e: {  	_ =	shalt  }
0x7f: {  	_ =	shalt  }
0x80: {  	_ =	shalt  }
0x81: {  	_ =	shalt  }
0x82: {  	_ =	shalt  }
0x83: {  	_ =	shalt  }
0x84: {  	_ =	shalt  }
0x85: {  	_ =	shalt  }
0x86: {  	_ =	shalt  }
0x87: {  	_ =	shalt  }
.Lfunc_end0:
.L_simem_size_0:
called_computation.5_lowered:
.L_overlay_start_0:
0x88: {  	s2 =	sld [smem:$0x3FD9]  }
0x89: {  	s3 =	sld [smem:$0x3FFE];
	_ =	sdelay $0x1  }
0x8a: {  	s1 =	srdreg.scid  }
0x8b: {  	s0 =	sand.u32 $0x1, s1  }
0x8c: {  	s14 =	sshll.u32 s0, $0xA;
	s2 =	sadd.s32 s3, s2  }
0x8d: {  	s2 =	sadd.s32 s2, s14  }
0x8e: {  	[smem:$0x3FBB] =	sst s2  }
0x8f: {  	_ = 	snop  }
0x90: {  	s2 =	sld [smem:$0x3FD0];
	_ =	sdelay $0x2  }
0x91: {  	s15 =	simm.s32 $0xA;
	s4 =	simm.s32 $0x10  }
0x92: {  	[smem:s4], [sflag:s15] =	dma.local [hbm:s2], $0x1  }
0x93: {  	_ =	swait.eq [sflag:s15], $0x1  }
0x94: {  	[sflag:s15] =	ssyncset.done $0x0  }
0x95: {  	[sflag:s15] =	ssyncadd.s32 $0xFFFFFFFF  }
0x96: {  	s16 =	sld [smem:$0x11];
	(tm) =	ssettm $0x1  }
0x97: {  	s17 =	sld [smem:$0x3FFB];
	_ =	sdelay $0x3  }
0x98: {  	_ =	strace s17  }
0x99: {  	s3 =	sld [smem:$0x3FFC];
	_ =	sdelay $0x3  }
0x9a: {  	_ =	strace s3  }
0x9b: {  	s3 =	sld [smem:$0x3FFD];
	_ =	sdelay $0x3  }
0x9c: {  	_ =	strace s3  }
0x9d: {  	_ =	strace $0x8FFFFFFF  }
0x9e: {  	s18 =	sld [smem:$0x3FDB];
	_ =	sdelay $0x1  }
0x9f: {  	s19 =	simm.s32 $_scs_section_size  }
0xa0: {  	s5 =	simm.s32 $_size__tile_overlayer_lowered;
	s6 =	simm.s32 $_tile_overlayer_lowered  }
0xa1: {  	s22 =	simm.s32 $0x1BFF;
	s21 =	sshll.u32 s6, $0x1;
	s3 =	sadd.s32 s19, s18  }
0xa2: {  	s7 =	simm.s32 $0x0;
	s20 =	sshll.u32 s5, $0x1;
	s5 =	sadd.s32 s21, s3  }
0xa3: {  	[timem:s7], [sflag:s22] =	dma.local [hbm:s5], s20  }
0xa4: {  	_ =	swait.ge [sflag:s22], s20  }
0xa5: {  	s4 =	ssub.s32 $0x0, s20;
	[sflag:s22] =	ssyncset.done $0x0  }
0xa6: {  	[sflag:s22] =	ssyncadd.s32 s4;
	_ =	sdelay $0x1  }
0xa7: {  	s23 =	simm.s32 $0x1B8B  }
0xa8: {  	_ =	swait.ge [sflag:s23], $0x1  }
0xa9: {  	[sflag:s23] =	ssyncset.done $0x0  }
0xaa: {  	s25 =	simm.s32 $0x1B8E;
	s24 =	sld [smem:$0x3FFE];
	[sflag:s23] =	ssyncadd.s32 $0xFFFFFFFF  }
0xab: {  	s26 =	simm.s32 $execute0_lowered;
	[smem:$0x3FD2] =	sst s25  }
0xac: {  	s5 =	sshll.u32 s26, $0x1;
	_ =	strace $0x80000055;
	[dreg:$0x1] =	wrdreg $0xFFFFFFFF  }
0xad: {  	s28 =	simm.s32 $_size_execute0_lowered;
	s3 =	sadd.s32 s3, s5;
	[dreg:$0x0] =	wrdreg $0x0  }
0xae: {  	s5 =	sshll.u32 s28, $0x1;
	[dreg:$0x2] =	wrdreg s3  }
0xaf: {  	[dreg:$0x3] =	wrdreg s5  }
0xb0: {  	[dreg:$0x4] =	wrdreg $0xC0  }
0xb1: {  	_ =	task [dreg:s7], $0x5FFFF  }
0xb2: {  	[dreg:$0x1] =	wrdreg $0xFFFFFFFF  }
0xb3: {  	[dreg:$0x0] =	wrdreg $0x60  }
0xb4: {  	[dreg:$0x2] =	wrdreg s24  }
0xb5: {  	[dreg:$0x3] =	wrdreg s16  }
0xb6: {  	[dreg:$0x4] =	wrdreg $0x16000  }
0xb7: {  	[dreg:$0x5] =	wrdreg $0x1C000  }
0xb8: {  	[dreg:$0x6] =	wrdreg $0x9  }
0xb9: {  	_ =	task.clear_ibuf [dreg:s7], $0x7FFFF;
	_ =	strace $0x90000055  }
0xba: {  	s29 =	simm.s32 $0x9;
	_ =	strace $0x80000057  }
0xbb: {  	_ =	swait.ge [sflag:s29], $0x1  }
0xbc: {  	[sflag:s29] =	ssyncadd.s32 $0xFFFFFFFF  }
0xbd: {  	_ =	strace $0x90000057  }
0xbe: {  	_ =	sfence  }
0xbf: {  	s30 =	sld [smem:$0x0];
	_ =	sdelay $0x2  }
0xc0: {  	s31 =	sshll.u32 s1, $0xD;
	s1 =	sshrl.u32 s1, $0x2  }
0xc1: {  	s3 =	sand.u32 $0x4000, s31;
	s1 =	sadd.s32 s1, s30  }
0xc2: {  	s0 =	sor.u32 s3, s0;
	s1 =	sshll.u32 s1, $0x11  }
0xc3: {  	s0 =	sor.u32 s1, s0  }
0xc4: {  	s0 =	sadd.s32 $0x8F2B, s0  }
0xc5: {  	[sflag:s0] =	ssyncadd.remote.s32 $0x1  }
0xc6: {  	_ =	sfence.sel $0xFFFF  }
0xc7: {  	[dreg:$0x0] =	wrdreg $0xFFFFFFFF;
	(pc) =	sbr.abs _section_cstart, $3  }
0xc8: {  	[dreg:$0x1] =	wrdreg $0xFFFFFFFF  }
0xc9: {  	_ =	task.clear_ibuf [dreg:s7], $0x2FFFF;
	_ =	strace $0x9FFFFFFF  }
0xca: {  	(tm) =	ssettm $0x7FFFFFFF  }
0xcb: {  	_ =	shalt  }
tec
execute0_lowered:
.L_overlay_start_1:
0x0: {  	(tag) =	ssettag $0x1  }
0x1: {  	s26 =	rddreg [dreg:$0x0]  }
0x2: {  	s13 =	rddreg [dreg:$0x1]  }
0x3: {  	s2 =	rddreg [dreg:$0x2]  }
0x4: {  	s3 =	rddreg [dreg:$0x3];
	s1 =	stileid.u32  }
0x5: {  	s0 =	rddreg [dreg:$0x4];
	s4 =	simm.s32 $0x0;
	s5 =	smul.u32 $0x1800, s1  }
0x6: {  	[smem:$0x7FF] =	sst s4  }
0x7: {  	s7 =	sshll.u32 s1, $0x6;
	s9 =	smul.u32 $0x600, s1;
	s6 =	sshrl.u32 s5, $0x2  }
0x8: {  	_ =	strace $0x80000056;
	s5 =	sadd.s32 $0x39E00, s26;
	s8 =	sadd.s32 s6, s2  }
0x9: {  	s6 =	sor.u32 $0x1C01, s7;
	s7 =	simm.s32 $0x1;
	s8 =	sshrl.u32 s8, $0x3  }
0xa: {  	[spmem:s8], [sflag:s6] =	dma.local [hbm:s5], $0xC0  }
0xb: {  	s9 =	sshrl.u32 s9, $0x2;
	_ =	swait.ge [sflag:s7], $0xC0  }
0xc: {  	s10 =	sadd.s32 s9, s3;
	[sflag:s7] =	ssyncset.done $0x0  }
0xd: {  	s9 =	sadd.s32 $0xD400, s26;
	s10 =	sshrl.u32 s10, $0x3;
	[sflag:s7] =	ssyncadd.s32 $0xFFFFFF40  }
0xe: {  	[spmem:s10], [sflag:s6] =	dma.local [hbm:s9], $0x30  }
0xf: {  	s11 =	srdreg.scid;
	_ =	swait.ge [sflag:s7], $0x30  }
0x10: {  	s12 =	simm.s32 $0x1200;
	s24 =	sand.u32 $0x1, s11;
	[sflag:s7] =	ssyncset.done $0x0  }
0x11: {  	s11 =	sadd.s32 $0x12400, s26;
	s14 =	sshll.u32 s24, $0x4;
	[sflag:s7] =	ssyncadd.s32 $0xFFFFFFD0  }
0x12: {  	[tilespmem:s12], [sflag:$0x1] =	stream.linear.gather [hbm4b:s11+s4], $0x400, $0x38;
	[tilespmem:$0x1D80] =	vst v63  }
0x13: {  	s14 =	sor.u32 s1, s14;
	_ =	swait.ge [sflag:s7], $0x400  }
0x14: {  	s15 =	sshll.u32 s14, $0x6;
	[sflag:s7] =	ssyncset.done $0x0  }
0x15: {  	s13 =	sadd.s32 s13, s15;
	[sflag:s7] =	ssyncadd.s32 $0xFFFFFC00  }
0x16: {  	[tilespmem:s4], [sflag:$0x1] =	stream.linear.gather [hbm4b:s13+s4], $0x200, $0x38;
	[tilespmem:$0x1D80] =	vst v63  }
0x17: {  	s14 =	smul.u32 $0xA00, s14;
	_ =	swait.ge [sflag:s7], $0x200  }
0x18: {  	[sflag:s7] =	ssyncset.done $0x0  }
0x19: {  	s22 =	sadd.s32 s14, s26;
	[sflag:s7] =	ssyncadd.s32 $0xFFFFFE00  }
0x1a: {  	s15 =	simm.s32 $0x200;
	s14 =	sadd.s32 $0x12600, s22;
	[bflag:$0x0] =	sbarrier.arrive $0xFFFF  }
0x1b: {  	[tilespmem:s15], [sflag:$0x1] =	stream.linear.gather [hbm4b:s14+s4], $0x1000, $0x38;
	[tilespmem:$0x1D80] =	vst v63  }
0x1c: {  	_ =	swait.ge [sflag:s7], $0x1000  }
0x1d: {  	[sflag:s7] =	ssyncset.done $0x0  }
0x1e: {  	s16 =	simm.s32 $0x40;
	[sflag:s7] =	ssyncadd.s32 $0xFFFFF000  }
0x1f: {  	[spmem:s2] =	stream.indirect.scatter.add.f32 [tilespmem:s15], [sflag:$0x1], $0x40, s4, s16, $0xb8;
	[tilespmem:$0x1D80] =	vst v63  }
0x20: {  	_ =	swait.ge [sflag:s7], $0x1000  }
0x21: {  	[sflag:s7] =	ssyncset.done $0x0  }
0x22: {  	[sflag:s7] =	ssyncadd.s32 $0xFFFFF000  }
0x23: {  	[spmem:s3] =	stream.indirect.scatter.add.f32 [tilespmem:s12], [sflag:$0x1], $0x10, s4, s16, $0xb8;
	[tilespmem:$0x1D80] =	vst v63  }
0x24: {  	_ =	swait.ge [sflag:s7], $0x400  }
0x25: {  	[sflag:s7] =	ssyncset.done $0x0  }
0x26: {  	s17 =	sadd.s32 $0x12800, s22;
	[sflag:s7] =	ssyncadd.s32 $0xFFFFFC00  }
0x27: {  	[tilespmem:s15], [sflag:$0x1] =	stream.linear.gather [hbm4b:s17+s4], $0x1000, $0x38;
	[tilespmem:$0x1D80] =	vst v63  }
0x28: {  	_ =	swait.ge [sflag:s7], $0x1000  }
0x29: {  	[sflag:s7] =	ssyncset.done $0x0  }
0x2a: {  	[sflag:s7] =	ssyncadd.s32 $0xFFFFF000  }
0x2b: {  	[spmem:s2] =	stream.indirect.scatter.add.f32 [tilespmem:s15], [sflag:$0x1], $0x40, s16, s16, $0xb8;
	[tilespmem:$0x1D80] =	vst v63  }
0x2c: {  	_ =	swait.ge [sflag:s7], $0x1000  }
0x2d: {  	[sflag:s7] =	ssyncset.done $0x0  }
0x2e: {  	[sflag:s7] =	ssyncadd.s32 $0xFFFFF000  }
0x2f: {  	[spmem:s3] =	stream.indirect.scatter.add.f32 [tilespmem:s12], [sflag:$0x1], $0x10, s16, s16, $0xb8;
	[tilespmem:$0x1D80] =	vst v63  }
0x30: {  	_ =	swait.ge [sflag:s7], $0x400  }
0x31: {  	[sflag:s7] =	ssyncset.done $0x0  }
0x32: {  	s18 =	sadd.s32 $0x12A00, s22;
	[sflag:s7] =	ssyncadd.s32 $0xFFFFFC00  }
0x33: {  	[tilespmem:s15], [sflag:$0x1] =	stream.linear.gather [hbm4b:s18+s4], $0x1000, $0x38;
	[tilespmem:$0x1D80] =	vst v63  }
0x34: {  	_ =	swait.ge [sflag:s7], $0x1000  }
0x35: {  	[sflag:s7] =	ssyncset.done $0x0  }
0x36: {  	s19 =	simm.s32 $0x80;
	[sflag:s7] =	ssyncadd.s32 $0xFFFFF000  }
0x37: {  	[spmem:s2] =	stream.indirect.scatter.add.f32 [tilespmem:s15], [sflag:$0x1], $0x40, s19, s16, $0xb8;
	[tilespmem:$0x1D80] =	vst v63  }
0x38: {  	_ =	swait.ge [sflag:s7], $0x1000  }
0x39: {  	[sflag:s7] =	ssyncset.done $0x0  }
0x3a: {  	[sflag:s7] =	ssyncadd.s32 $0xFFFFF000  }
0x3b: {  	[spmem:s3] =	stream.indirect.scatter.add.f32 [tilespmem:s12], [sflag:$0x1], $0x10, s19, s16, $0xb8;
	[tilespmem:$0x1D80] =	vst v63  }
0x3c: {  	_ =	swait.ge [sflag:s7], $0x400  }
0x3d: {  	[sflag:s7] =	ssyncset.done $0x0  }
0x3e: {  	s20 =	sadd.s32 $0x12C00, s22;
	[sflag:s7] =	ssyncadd.s32 $0xFFFFFC00  }
0x3f: {  	[tilespmem:s15], [sflag:$0x1] =	stream.linear.gather [hbm4b:s20+s4], $0x1000, $0x38;
	[tilespmem:$0x1D80] =	vst v63  }
0x40: {  	_ =	swait.ge [sflag:s7], $0x1000  }
0x41: {  	[sflag:s7] =	ssyncset.done $0x0  }
0x42: {  	s21 =	simm.s32 $0xC0;
	[sflag:s7] =	ssyncadd.s32 $0xFFFFF000  }
0x43: {  	[spmem:s2] =	stream.indirect.scatter.add.f32 [tilespmem:s15], [sflag:$0x1], $0x40, s21, s16, $0xb8;
	[tilespmem:$0x1D80] =	vst v63  }
0x44: {  	_ =	swait.ge [sflag:s7], $0x1000  }
0x45: {  	[sflag:s7] =	ssyncset.done $0x0  }
0x46: {  	[sflag:s7] =	ssyncadd.s32 $0xFFFFF000  }
0x47: {  	[spmem:s3] =	stream.indirect.scatter.add.f32 [tilespmem:s12], [sflag:$0x1], $0x10, s21, s16, $0xb8;
	[tilespmem:$0x1D80] =	vst v63  }
0x48: {  	_ =	swait.ge [sflag:s7], $0x400  }
0x49: {  	[sflag:s7] =	ssyncset.done $0x0  }
0x4a: {  	s22 =	sadd.s32 $0x12E00, s22;
	[sflag:s7] =	ssyncadd.s32 $0xFFFFFC00  }
0x4b: {  	[tilespmem:s15], [sflag:$0x1] =	stream.linear.gather [hbm4b:s22+s4], $0x1000, $0x38;
	[tilespmem:$0x1D80] =	vst v63  }
0x4c: {  	s23 =	simm.s32 $0x100;
	_ =	swait.ge [sflag:s7], $0x1000  }
0x4d: {  	s28 =	sshll.u32 s1, $0xA;
	s30 =	sshll.u32 s1, $0x8;
	[sflag:s7] =	ssyncset.done $0x0  }
0x4e: {  	s25 =	sshll.u32 s24, $0xE;
	s29 =	sshll.u32 s24, $0xC;
	[sflag:s7] =	ssyncadd.s32 $0xFFFFF000  }
0x4f: {  	[spmem:s2] =	stream.indirect.scatter.add.f32 [tilespmem:s15], [sflag:$0x1], $0x40, s23, s16, $0xb8;
	[tilespmem:$0x1D80] =	vst v63  }
0x50: {  	s31 =	ssub.s32 $0x2, s24;
	s25 =	sor.u32 s28, s25;
	_ =	swait.ge [sflag:s7], $0x1000  }
0x51: {  	s29 =	sor.u32 s30, s29;
	s25 =	sshrl.u32 s25, $0x3;
	[sflag:s7] =	ssyncset.done $0x0  }
0x52: {  	s28 =	sadd.s32 s28, s2;
	s25 =	sadd.s32 s25, s26;
	[sflag:s7] =	ssyncadd.s32 $0xFFFFF000  }
0x53: {  	[spmem:s3] =	stream.indirect.scatter.add.f32 [tilespmem:s12], [sflag:$0x1], $0x10, s23, s16, $0xb8;
	[tilespmem:$0x1D80] =	vst v63  }
0x54: {  	s24 =	sadd.s32 $0x3800, s25;
	s25 =	sshrl.u32 s28, $0x3;
	_ =	swait.ge [sflag:s7], $0x400  }
0x55: {  	s28 =	sshrl.u32 s29, $0x3;
	s29 =	sshrl.u32 s31, $0x1;
	[sflag:s7] =	ssyncset.done $0x0  }
0x56: {  	s26 =	sadd.s32 s28, s26;
	s28 =	ssub.s32 s31, s29;
	[sflag:s7] =	ssyncadd.s32 $0xFFFFFC00  }
0x57: {  	s31 =	smax.u32 s28, $0x1;
	[bflag:$0x0] =	sbarrier.arrive $0xFFFF  }
0x58: {  	[hbm:s24], [sflag:s6] =	dma.local [spmem:s25], $0x80  }
0x59: {  	p0 =	sne.s32 s31, $0x1;
	_ =	swait.ge [sflag:s7], $0x80  }
.Ltmp0:
0x5a: {  	s29 =	sadd.s32 s30, s3;
	[sflag:s7] =	ssyncset.done $0x0;
	(pc) =	sbr.rel @!p0 .LBB2_2-.Ltmp0, $4  }
0x5b: {  	s26 =	sadd.s32 $0x3400, s26;
	s28 =	sshrl.u32 s29, $0x3;
	[sflag:s7] =	ssyncadd.s32 $0xFFFFFF80  }
0x5c: {  	[hbm:s26], [sflag:s6] =	dma.local [spmem:s28], $0x20  }
0x5d: {  	_ =	swait.ge [sflag:s7], $0x20  }
0x5e: {  	s29 =	sadd.s32 $0xFFFFFFFF, s31;
	[sflag:s7] =	ssyncset.done $0x0  }
.LBB2_1:
0x5f: {  	p0 =	sne.s32 s29, $0x1;
	s29 =	sadd.s32 $0xFFFFFFFF, s29;
	[sflag:s7] =	ssyncadd.s32 $0xFFFFFFE0  }
0x60: {  	[spmem:s8], [sflag:s6] =	dma.local [hbm:s5], $0xC0  }
0x61: {  	_ =	swait.ge [sflag:s7], $0xC0  }
0x62: {  	[sflag:s7] =	ssyncset.done $0x0  }
0x63: {  	[sflag:s7] =	ssyncadd.s32 $0xFFFFFF40  }
0x64: {  	[spmem:s10], [sflag:s6] =	dma.local [hbm:s9], $0x30  }
0x65: {  	_ =	swait.ge [sflag:s7], $0x30  }
0x66: {  	[sflag:s7] =	ssyncset.done $0x0  }
0x67: {  	[sflag:s7] =	ssyncadd.s32 $0xFFFFFFD0  }
0x68: {  	[tilespmem:s12], [sflag:$0x1] =	stream.linear.gather [hbm4b:s11+s4], $0x400, $0x38;
	[tilespmem:$0x1D80] =	vst v63  }
0x69: {  	_ =	swait.ge [sflag:s7], $0x400  }
0x6a: {  	[sflag:s7] =	ssyncset.done $0x0  }
0x6b: {  	[sflag:s7] =	ssyncadd.s32 $0xFFFFFC00  }
0x6c: {  	[tilespmem:s4], [sflag:$0x1] =	stream.linear.gather [hbm4b:s13+s4], $0x200, $0x38;
	[tilespmem:$0x1D80] =	vst v63  }
0x6d: {  	_ =	swait.ge [sflag:s7], $0x200  }
0x6e: {  	[sflag:s7] =	ssyncset.done $0x0  }
0x6f: {  	[sflag:s7] =	ssyncadd.s32 $0xFFFFFE00  }
0x70: {  	[bflag:$0x0] =	sbarrier.arrive $0xFFFF  }
0x71: {  	[tilespmem:s15], [sflag:$0x1] =	stream.linear.gather [hbm4b:s14+s4], $0x1000, $0x38;
	[tilespmem:$0x1D80] =	vst v63  }
0x72: {  	_ =	swait.ge [sflag:s7], $0x1000  }
0x73: {  	[sflag:s7] =	ssyncset.done $0x0  }
0x74: {  	[sflag:s7] =	ssyncadd.s32 $0xFFFFF000  }
0x75: {  	[spmem:s2] =	stream.indirect.scatter.add.f32 [tilespmem:s15], [sflag:$0x1], $0x40, s4, s16, $0xb8;
	[tilespmem:$0x1D80] =	vst v63  }
0x76: {  	_ =	swait.ge [sflag:s7], $0x1000  }
0x77: {  	[sflag:s7] =	ssyncset.done $0x0  }
0x78: {  	[sflag:s7] =	ssyncadd.s32 $0xFFFFF000  }
0x79: {  	[spmem:s3] =	stream.indirect.scatter.add.f32 [tilespmem:s12], [sflag:$0x1], $0x10, s4, s16, $0xb8;
	[tilespmem:$0x1D80] =	vst v63  }
0x7a: {  	_ =	swait.ge [sflag:s7], $0x400  }
0x7b: {  	[sflag:s7] =	ssyncset.done $0x0  }
0x7c: {  	[sflag:s7] =	ssyncadd.s32 $0xFFFFFC00  }
0x7d: {  	[tilespmem:s15], [sflag:$0x1] =	stream.linear.gather [hbm4b:s17+s4], $0x1000, $0x38;
	[tilespmem:$0x1D80] =	vst v63  }
0x7e: {  	_ =	swait.ge [sflag:s7], $0x1000  }
0x7f: {  	[sflag:s7] =	ssyncset.done $0x0  }
0x80: {  	[sflag:s7] =	ssyncadd.s32 $0xFFFFF000  }
0x81: {  	[spmem:s2] =	stream.indirect.scatter.add.f32 [tilespmem:s15], [sflag:$0x1], $0x40, s16, s16, $0xb8;
	[tilespmem:$0x1D80] =	vst v63  }
0x82: {  	_ =	swait.ge [sflag:s7], $0x1000  }
0x83: {  	[sflag:s7] =	ssyncset.done $0x0  }
0x84: {  	[sflag:s7] =	ssyncadd.s32 $0xFFFFF000  }
0x85: {  	[spmem:s3] =	stream.indirect.scatter.add.f32 [tilespmem:s12], [sflag:$0x1], $0x10, s16, s16, $0xb8;
	[tilespmem:$0x1D80] =	vst v63  }
0x86: {  	_ =	swait.ge [sflag:s7], $0x400  }
0x87: {  	[sflag:s7] =	ssyncset.done $0x0  }
0x88: {  	[sflag:s7] =	ssyncadd.s32 $0xFFFFFC00  }
0x89: {  	[tilespmem:s15], [sflag:$0x1] =	stream.linear.gather [hbm4b:s18+s4], $0x1000, $0x38;
	[tilespmem:$0x1D80] =	vst v63  }
0x8a: {  	_ =	swait.ge [sflag:s7], $0x1000  }
0x8b: {  	[sflag:s7] =	ssyncset.done $0x0  }
0x8c: {  	[sflag:s7] =	ssyncadd.s32 $0xFFFFF000  }
0x8d: {  	[spmem:s2] =	stream.indirect.scatter.add.f32 [tilespmem:s15], [sflag:$0x1], $0x40, s19, s16, $0xb8;
	[tilespmem:$0x1D80] =	vst v63  }
0x8e: {  	_ =	swait.ge [sflag:s7], $0x1000  }
0x8f: {  	[sflag:s7] =	ssyncset.done $0x0  }
0x90: {  	[sflag:s7] =	ssyncadd.s32 $0xFFFFF000  }
0x91: {  	[spmem:s3] =	stream.indirect.scatter.add.f32 [tilespmem:s12], [sflag:$0x1], $0x10, s19, s16, $0xb8;
	[tilespmem:$0x1D80] =	vst v63  }
0x92: {  	_ =	swait.ge [sflag:s7], $0x400  }
0x93: {  	[sflag:s7] =	ssyncset.done $0x0  }
0x94: {  	[sflag:s7] =	ssyncadd.s32 $0xFFFFFC00  }
0x95: {  	[tilespmem:s15], [sflag:$0x1] =	stream.linear.gather [hbm4b:s20+s4], $0x1000, $0x38;
	[tilespmem:$0x1D80] =	vst v63  }
0x96: {  	_ =	swait.ge [sflag:s7], $0x1000  }
0x97: {  	[sflag:s7] =	ssyncset.done $0x0  }
0x98: {  	[sflag:s7] =	ssyncadd.s32 $0xFFFFF000  }
0x99: {  	[spmem:s2] =	stream.indirect.scatter.add.f32 [tilespmem:s15], [sflag:$0x1], $0x40, s21, s16, $0xb8;
	[tilespmem:$0x1D80] =	vst v63  }
0x9a: {  	_ =	swait.ge [sflag:s7], $0x1000  }
0x9b: {  	[sflag:s7] =	ssyncset.done $0x0  }
0x9c: {  	[sflag:s7] =	ssyncadd.s32 $0xFFFFF000  }
0x9d: {  	[spmem:s3] =	stream.indirect.scatter.add.f32 [tilespmem:s12], [sflag:$0x1], $0x10, s21, s16, $0xb8;
	[tilespmem:$0x1D80] =	vst v63  }
0x9e: {  	_ =	swait.ge [sflag:s7], $0x400  }
0x9f: {  	[sflag:s7] =	ssyncset.done $0x0  }
0xa0: {  	[sflag:s7] =	ssyncadd.s32 $0xFFFFFC00  }
0xa1: {  	[tilespmem:s15], [sflag:$0x1] =	stream.linear.gather [hbm4b:s22+s4], $0x1000, $0x38;
	[tilespmem:$0x1D80] =	vst v63  }
0xa2: {  	_ =	swait.ge [sflag:s7], $0x1000  }
0xa3: {  	[sflag:s7] =	ssyncset.done $0x0  }
0xa4: {  	[sflag:s7] =	ssyncadd.s32 $0xFFFFF000  }
0xa5: {  	[spmem:s2] =	stream.indirect.scatter.add.f32 [tilespmem:s15], [sflag:$0x1], $0x40, s23, s16, $0xb8;
	[tilespmem:$0x1D80] =	vst v63  }
0xa6: {  	_ =	swait.ge [sflag:s7], $0x1000  }
0xa7: {  	[sflag:s7] =	ssyncset.done $0x0  }
0xa8: {  	[sflag:s7] =	ssyncadd.s32 $0xFFFFF000  }
0xa9: {  	[spmem:s3] =	stream.indirect.scatter.add.f32 [tilespmem:s12], [sflag:$0x1], $0x10, s23, s16, $0xb8;
	[tilespmem:$0x1D80] =	vst v63  }
0xaa: {  	_ =	swait.ge [sflag:s7], $0x400  }
0xab: {  	[sflag:s7] =	ssyncset.done $0x0  }
0xac: {  	[sflag:s7] =	ssyncadd.s32 $0xFFFFFC00  }
0xad: {  	[bflag:$0x0] =	sbarrier.arrive $0xFFFF  }
0xae: {  	[hbm:s24], [sflag:s6] =	dma.local [spmem:s25], $0x80  }
0xaf: {  	_ =	swait.ge [sflag:s7], $0x80  }
.Ltmp1:
0xb0: {  	[sflag:s7] =	ssyncset.done $0x0;
	(pc) =	sbr.rel @p0 .LBB2_1-.Ltmp1, $4  }
0xb1: {  	[sflag:s7] =	ssyncadd.s32 $0xFFFFFF80  }
0xb2: {  	[hbm:s26], [sflag:s6] =	dma.local [spmem:s28], $0x20  }
0xb3: {  	_ =	swait.ge [sflag:s7], $0x20  }
0xb4: {  	[sflag:s7] =	ssyncset.done $0x0  }
.LBB2_2:
0xb5: {  	[sflag:s7] =	ssyncadd.s32 $0xFFFFFFE0  }
0xb6: {  	_ =	sfence.sel $0x180000  }
0xb7: {  	[bflag:$0x0] =	sbarrier.arrive $0xFFFF  }
0xb8: {  	p0 =	sne.s32 s1, $0x0;
	_ =	strace $0x90000056  }
0xb9: {  	s0 =	sadd.s32 @!p0 $0x100000, s0;
	[bflag:$0x2] =	sbarrier.arrive $0xFFFF  }
0xba: {  	[sflag:s0] =	ssyncadd.tile.s32 @!p0 $0x1;
	_ =	shalt  }
.Lfunc_end2:
_tile_overlayer_lowered:
.L_overlay_start_2:
0xbb: {  	(tag) =	ssettag $0x2  }
0xbc: {  	s0 =	rddreg [dreg:$0x0];
	s2 =	stileid.u32  }
0xbd: {  	s1 =	rddreg [dreg:$0x1];
	p0 =	sne.s32 s2, $0x0  }
0xbe: {  	s3 =	rddreg [dreg:$0x2];
	[bflag:$0x3] =	sbarrier.arrive $0xFFFF;
	s2 =	simm.s32 @!p0 $0x1C01  }
0xbf: {  	[timem:s3], [sflag:s2] =	dma.local @!p0 [hbm:s0], s1  }
0xc0: {  	s0 =	simm.s32 @!p0 $0x1  }
0xc1: {  	_ =	swait.ge @!p0 [sflag:s0], s1  }
0xc2: {  	s1 =	ssub.s32 @!p0 $0x0, s1;
	[sflag:s0] =	ssyncset.done @!p0 $0x0  }
0xc3: {  	[sflag:s0] =	ssyncadd.s32 @!p0 s1  }
0xc4: {  	[bflag:$0x3] =	sbarrier.arrive $0xFFFF  }
0xc5: {  	_ =	shalt  }

</sc_bundles>
